<compile_context>
chip_gen: v7x
topology: tpu7x:2x2x1
jax: 0.10.2.dev20260603
libtpu: 0.0.44.dev20260713+nightly
codegen_flags: <defaults>
</compile_context>

<pallas_src>
import functools

import jax
import jax.numpy as jnp
from jax import lax
from jax.experimental import pallas as pl
from jax.experimental.pallas import tpu as pltpu
from jax.experimental.pallas import tpu_sc as plsc

N_NODES = 10000
N_EDGES = 320000
D_FEAT = 128
D_EDGE = 16
MSG = 32
HID = 128
OUT = 16
N_GRAPHS = 64

NC = 2
NS = 16
NW = NC * NS
EPW = N_EDGES // NW
K = 400
NPAD = 10240
NPS = NPAD // NS


EROWS = N_EDGES // 8
_EBLK = 2000


def _pack_pair(lo, hi):
    lo16 = lax.bitcast_convert_type(lo.astype(jnp.bfloat16), jnp.uint16).astype(jnp.uint32)
    hi16 = lax.bitcast_convert_type(hi.astype(jnp.bfloat16), jnp.uint16).astype(jnp.uint32)
    return lax.bitcast_convert_type((hi16 << 16) | lo16, jnp.float32)


def _edge_pre_body(ea_ref, x_ref, w1l_ref, b1l_ref, w1h_ref, b1h_ref,
                   w2l_ref, b2l_ref, w2h_ref, b2h_ref, wa_ref, wb_ref,
                   e1_ref, e2_ref, p0_ref, p1_ref):
    ea = ea_ref[...]

    def half(w_ref, b_ref):
        return jnp.dot(ea, w_ref[...], preferred_element_type=jnp.float32) + b_ref[...]

    e1_ref[...] = _pack_pair(half(w1l_ref, b1l_ref), half(w1h_ref, b1h_ref))
    e2_ref[...] = _pack_pair(half(w2l_ref, b2l_ref), half(w2h_ref, b2h_ref))

    @pl.when(pl.program_id(0) < N_NODES // _NBLK)
    def _():
        xv = x_ref[...]
        p0_ref[...] = jnp.dot(xv, wa_ref[...], preferred_element_type=jnp.float32).astype(jnp.bfloat16)
        p1_ref[...] = jnp.dot(xv, wb_ref[...], preferred_element_type=jnp.float32).astype(jnp.bfloat16)


def _edge_pre(ea8, x, *wb):
    nblk = EROWS // _EBLK
    wspec = pl.BlockSpec((128, 128), lambda i: (0, 0))
    bspec = pl.BlockSpec((1, 128), lambda i: (0, 0))
    nlast = N_NODES // _NBLK - 1
    return pl.pallas_call(
        _edge_pre_body,
        grid=(nblk,),
        in_specs=[pl.BlockSpec((_EBLK, 128), lambda i: (i, 0)),
                  pl.BlockSpec((_NBLK, D_FEAT), lambda i: (jnp.minimum(i, nlast), 0))]
                 + [wspec, bspec] * 4
                 + [pl.BlockSpec((D_FEAT, MSG), lambda i: (0, 0))] * 2,
        out_specs=[
            pl.BlockSpec((_EBLK, 128), lambda i: (i, 0)),
            pl.BlockSpec((_EBLK, 128), lambda i: (i, 0)),
            pl.BlockSpec((_NBLK, MSG), lambda i: (jnp.minimum(i, nlast), 0)),
            pl.BlockSpec((_NBLK, MSG), lambda i: (jnp.minimum(i, nlast), 0)),
        ],
        out_shape=[
            jax.ShapeDtypeStruct((EROWS, 128), jnp.float32),
            jax.ShapeDtypeStruct((EROWS, 128), jnp.float32),
            jax.ShapeDtypeStruct((N_NODES, MSG), jnp.bfloat16),
            jax.ShapeDtypeStruct((N_NODES, MSG), jnp.bfloat16),
        ],
    )(ea8, x, *wb)


_NBLK = 2000




SUP = 400
NT = SUP // K
T_STEPS = EPW // SUP
ROWS2 = N_EDGES // K


def _sc_conv_body(p0_hbm, p1_hbm, e_hbm, ei_hbm, z_hbm, out_hbm,
                  agg_sh, idx0_v, idx1_v, g0_v, g1_v, ev_v, m_v,
                  sem_i, sem_g, sem_s):
    c = lax.axis_index("c")
    s = lax.axis_index("s")
    wid = c * NS + s

    pltpu.sync_copy(z_hbm.at[pl.ds(s * NPS, NPS)], agg_sh.at[pl.ds(s * NPS, NPS)])
    plsc.subcore_barrier()

    irow0 = wid * (EPW // K)
    base0 = wid * EPW

    def issue_idx(t, slot):
        r = irow0 + t * NT
        pltpu.async_copy(ei_hbm.at[0, pl.ds(r, NT)], idx0_v.at[slot], sem_i.at[slot])
        pltpu.async_copy(ei_hbm.at[1, pl.ds(r, NT)], idx1_v.at[slot], sem_i.at[slot])

    def drain_idx(t, slot):
        r = irow0 + t * NT
        pltpu.make_async_copy(ei_hbm.at[0, pl.ds(r, NT)], idx0_v.at[slot], sem_i.at[slot]).wait()
        pltpu.make_async_copy(ei_hbm.at[1, pl.ds(r, NT)], idx1_v.at[slot], sem_i.at[slot]).wait()

    def issue_fetch(t, b, slot):
        erow = (base0 + t * SUP) // 8
        pltpu.async_copy(e_hbm.at[pl.ds(erow, SUP // 8)], ev_v.at[b], sem_g.at[b])
        for j in range(NT):
            sl = pl.ds(j * K, K)
            pltpu.async_copy(p0_hbm.at[idx0_v.at[slot, j]], g0_v.at[b, sl], sem_g.at[b])
            pltpu.async_copy(p1_hbm.at[idx1_v.at[slot, j]], g1_v.at[b, sl], sem_g.at[b])

    def drain_fetch(t, b):
        erow = (base0 + t * SUP) // 8
        pltpu.make_async_copy(e_hbm.at[pl.ds(erow, SUP // 8)], ev_v.at[b], sem_g.at[b]).wait()
        pltpu.make_async_copy(p0_hbm.at[pl.ds(0, SUP)], g0_v.at[b], sem_g.at[b]).wait()
        pltpu.make_async_copy(p1_hbm.at[pl.ds(0, SUP)], g1_v.at[b], sem_g.at[b]).wait()

    def issue_scatter(b, slot):
        for j in range(NT):
            sl = pl.ds(j * K, K)
            pltpu.make_async_copy(m_v.at[b, sl], agg_sh.at[idx0_v.at[slot, j]],
                                  sem_s.at[b]).start(add=True)

    def drain_scatter(b, slot):
        for j in range(NT):
            sl = pl.ds(j * K, K)
            pltpu.make_async_copy(m_v.at[b, sl], agg_sh.at[idx0_v.at[slot, j]],
                                  sem_s.at[b]).wait()

    issue_idx(0, 0)
    issue_idx(1, 1)
    drain_idx(0, 0)
    issue_fetch(0, 0, 0)

    def step(t, carry):
        b = t % 2
        mb = t % 2
        slot = t % 3

        @pl.when(t >= 1)
        def _():
            drain_scatter(1 - mb, (t - 1) % 3)

        @pl.when(t + 2 < T_STEPS)
        def _():
            issue_idx(t + 2, (t + 2) % 3)

        @pl.when(t + 1 < T_STEPS)
        def _():
            drain_idx(t + 1, (t + 1) % 3)
            issue_fetch(t + 1, (t + 1) % 2, (t + 1) % 3)

        drain_fetch(t, b)

        def row4(u, carry2):
            for k in range(4):
                r = u * 4 + k
                er = r >> 3
                ec = (r & 7) * 16
                x0a, x0b = plsc.unpack(g0_v[b, r, :], format=plsc.PackFormat.INTERLEAVED)
                x1a, x1b = plsc.unpack(g1_v[b, r, :], format=plsc.PackFormat.INTERLEAVED)
                ew = plsc.bitcast(ev_v[b, er, pl.ds(ec, 16)], jnp.bfloat16)
                ea_, eb_ = plsc.unpack(ew, format=plsc.PackFormat.INTERLEAVED)
                m_v[mb, r, pl.ds(0, 16)] = jnp.maximum(x0a + x1a + ea_, 0.0)
                m_v[mb, r, pl.ds(16, 16)] = jnp.maximum(x0b + x1b + eb_, 0.0)
            return carry2

        lax.fori_loop(0, SUP // 4, row4, 0)
        issue_scatter(mb, slot)
        return carry

    lax.fori_loop(0, T_STEPS, step, 0)
    drain_scatter((T_STEPS - 1) % 2, (T_STEPS - 1) % 3)
    plsc.subcore_barrier()
    pltpu.sync_copy(agg_sh.at[pl.ds(s * NPS, NPS)],
                    out_hbm.at[c, pl.ds(s * NPS, NPS)])


def _sc_conv(p0, p1, e, ei3, zeros):
    mesh = plsc.VectorSubcoreMesh(core_axis_name="c", subcore_axis_name="s")
    f = pl.kernel(
        _sc_conv_body,
        out_type=jax.ShapeDtypeStruct((NC, NPAD, MSG), jnp.float32),
        mesh=mesh,
        scratch_types=[
            pltpu.VMEM_SHARED((NPAD, MSG), jnp.float32),
            pltpu.VMEM((3, NT, K), jnp.int32),
            pltpu.VMEM((3, NT, K), jnp.int32),
            pltpu.VMEM((2, SUP, MSG), jnp.bfloat16),
            pltpu.VMEM((2, SUP, MSG), jnp.bfloat16),
            pltpu.VMEM((2, SUP // 8, 128), jnp.float32),
            pltpu.VMEM((2, SUP, MSG), jnp.float32),
            pltpu.SemaphoreType.DMA((3,)),
            pltpu.SemaphoreType.DMA((2,)),
            pltpu.SemaphoreType.DMA((2,)),
        ],
        compiler_params=pltpu.CompilerParams(use_tc_tiling_on_sc=False,
                                             needs_layout_passes=False),
    )
    return f(p0, p1, e, ei3, zeros)



_UBLK = 2000


def _node_up_body(x_ref, agg_ref, wna_ref, wnb_ref, bn_ref, wa2_ref, wb2_ref,
                  h_ref, p0_ref, p1_ref):
    aggs = agg_ref[0] + agg_ref[1]
    h = jnp.dot(x_ref[...], wna_ref[...], preferred_element_type=jnp.float32)
    h += jnp.dot(aggs, wnb_ref[...], preferred_element_type=jnp.float32)
    h = jnp.maximum(h + bn_ref[...], 0.0)
    h_ref[...] = h
    p0_ref[...] = jnp.dot(h, wa2_ref[...], preferred_element_type=jnp.float32).astype(jnp.bfloat16)
    p1_ref[...] = jnp.dot(h, wb2_ref[...], preferred_element_type=jnp.float32).astype(jnp.bfloat16)


def _node_update(x, agg, wnat, wnbt, bn, wa2t, wb2t):
    nblk = N_NODES // _UBLK
    return pl.pallas_call(
        _node_up_body,
        grid=(nblk,),
        in_specs=[
            pl.BlockSpec((_UBLK, D_FEAT), lambda i: (i, 0)),
            pl.BlockSpec((NC, _UBLK, MSG), lambda i: (0, i, 0)),
            pl.BlockSpec((D_FEAT, D_FEAT), lambda i: (0, 0)),
            pl.BlockSpec((MSG, D_FEAT), lambda i: (0, 0)),
            pl.BlockSpec((1, D_FEAT), lambda i: (0, 0)),
            pl.BlockSpec((D_FEAT, MSG), lambda i: (0, 0)),
            pl.BlockSpec((D_FEAT, MSG), lambda i: (0, 0)),
        ],
        out_specs=[
            pl.BlockSpec((_UBLK, D_FEAT), lambda i: (i, 0)),
            pl.BlockSpec((_UBLK, MSG), lambda i: (i, 0)),
            pl.BlockSpec((_UBLK, MSG), lambda i: (i, 0)),
        ],
        out_shape=[
            jax.ShapeDtypeStruct((N_NODES, D_FEAT), jnp.float32),
            jax.ShapeDtypeStruct((N_NODES, MSG), jnp.bfloat16),
            jax.ShapeDtypeStruct((N_NODES, MSG), jnp.bfloat16),
        ],
    )(x, agg, wnat, wnbt, bn, wa2t, wb2t)



_PBLK = 2000


def _pool_body(x_ref, agg_ref, batch_ref, wna_ref, wnb_ref, bn_ref,
               wg1_ref, bg1_ref, wg2_ref, bg2_ref, z_ref, sum_acc, cnt_acc):
    i = pl.program_id(0)
    aggs = agg_ref[0] + agg_ref[1]
    h = jnp.dot(x_ref[...], wna_ref[...], preferred_element_type=jnp.float32)
    h += jnp.dot(aggs, wnb_ref[...], preferred_element_type=jnp.float32)
    h = jnp.maximum(h + bn_ref[...], 0.0)

    b = batch_ref[0, 0, :]
    gids = lax.broadcasted_iota(jnp.int32, (N_GRAPHS, _PBLK), 0)
    onehot = (gids == b[None, :]).astype(jnp.float32)

    @pl.when(i == 0)
    def _init():
        sum_acc[...] = jnp.zeros_like(sum_acc)
        cnt_acc[...] = jnp.zeros_like(cnt_acc)

    sum_acc[...] += jnp.dot(onehot, h, preferred_element_type=jnp.float32)
    cnt_acc[...] += jnp.sum(onehot, axis=1, keepdims=True)

    @pl.when(i == pl.num_programs(0) - 1)
    def _final():
        means = sum_acc[...] / jnp.clip(cnt_acc[...], 1.0, None)
        g = jnp.dot(means, wg1_ref[...], preferred_element_type=jnp.float32)
        g = jnp.maximum(g + bg1_ref[...], 0.0)
        z = jnp.dot(g, wg2_ref[...], preferred_element_type=jnp.float32)
        z_ref[...] = z + bg2_ref[...]


def _pool_mlp(x, agg, batch3d, wnat, wnbt, bn, wg1t, bg1, wg2t, bg2):
    nblk = N_NODES // _PBLK
    return pl.pallas_call(
        _pool_body,
        grid=(nblk,),
        in_specs=[
            pl.BlockSpec((_PBLK, D_FEAT), lambda i: (i, 0)),
            pl.BlockSpec((NC, _PBLK, MSG), lambda i: (0, i, 0)),
            pl.BlockSpec((1, 1, _PBLK), lambda i: (i, 0, 0)),
            pl.BlockSpec((D_FEAT, D_FEAT), lambda i: (0, 0)),
            pl.BlockSpec((MSG, D_FEAT), lambda i: (0, 0)),
            pl.BlockSpec((1, D_FEAT), lambda i: (0, 0)),
            pl.BlockSpec((D_FEAT, HID), lambda i: (0, 0)),
            pl.BlockSpec((1, HID), lambda i: (0, 0)),
            pl.BlockSpec((HID, OUT), lambda i: (0, 0)),
            pl.BlockSpec((1, OUT), lambda i: (0, 0)),
        ],
        out_specs=pl.BlockSpec((N_GRAPHS, OUT), lambda i: (0, 0)),
        out_shape=jax.ShapeDtypeStruct((N_GRAPHS, OUT), jnp.float32),
        scratch_shapes=[
            pltpu.VMEM((N_GRAPHS, D_FEAT), jnp.float32),
            pltpu.VMEM((N_GRAPHS, 1), jnp.float32),
        ],
    )(x, agg, batch3d, wnat, wnbt, bn, wg1t, bg1, wg2t, bg2)




def kernel(x, edge_index, edge_attr, batch,
           We1, be1, Wn1, bn1, We2, be2, Wn2, bn2, Wg1, bg1, Wg2, bg2):
    ei3 = edge_index.reshape(2, ROWS2, K)

    wa1t = We1[:, :D_FEAT].T
    wb1t = We1[:, D_FEAT:2 * D_FEAT].T
    wc1t = We1[:, 2 * D_FEAT:].T
    wa2t = We2[:, :D_FEAT].T
    wb2t = We2[:, D_FEAT:2 * D_FEAT].T
    wc2t = We2[:, 2 * D_FEAT:].T
    wna1t = Wn1[:, :D_FEAT].T
    wnb1t = Wn1[:, D_FEAT:].T
    wna2t = Wn2[:, :D_FEAT].T
    wnb2t = Wn2[:, D_FEAT:].T
    wg1t = Wg1.T
    wg2t = Wg2.T

    perm = jnp.concatenate([jnp.arange(0, MSG, 2), jnp.arange(1, MSG, 2)])
    wnb1tp = wnb1t[perm, :]
    wnb2tp = wnb2t[perm, :]
    eye8 = jnp.eye(8, dtype=jnp.float32)
    w1lo = jnp.kron(eye8, wc1t[:, 0::2])
    w1hi = jnp.kron(eye8, wc1t[:, 1::2])
    w2lo = jnp.kron(eye8, wc2t[:, 0::2])
    w2hi = jnp.kron(eye8, wc2t[:, 1::2])
    b1lo = jnp.tile(be1[0::2], 8).reshape(1, 128)
    b1hi = jnp.tile(be1[1::2], 8).reshape(1, 128)
    b2lo = jnp.tile(be2[0::2], 8).reshape(1, 128)
    b2hi = jnp.tile(be2[1::2], 8).reshape(1, 128)
    bn1r = bn1.reshape(1, D_FEAT)
    bn2r = bn2.reshape(1, D_FEAT)
    bg1r = bg1.reshape(1, HID)
    bg2r = bg2.reshape(1, OUT)

    zeros = jnp.zeros((NPAD, MSG), jnp.float32)
    batch3d = batch.reshape(N_NODES // _PBLK, 1, _PBLK)
    ea8 = edge_attr.reshape(N_EDGES // 8, 8 * D_EDGE)

    e1, e2, p0, p1 = _edge_pre(ea8, x, w1lo, b1lo, w1hi, b1hi,
                               w2lo, b2lo, w2hi, b2hi, wa1t, wb1t)
    agg1 = _sc_conv(p0, p1, e1, ei3, zeros)
    h1, q0, q1 = _node_update(x, agg1, wna1t, wnb1tp, bn1r, wa2t, wb2t)

    agg2 = _sc_conv(q0, q1, e2, ei3, zeros)

    z = _pool_mlp(h1, agg2, batch3d, wna2t, wnb2tp, bn2r, wg1t, bg1r, wg2t, bg2r)
    return z

# --- scband reference (transcript-rebuilt; emitter-appended) ---
"""Pipeline reference for scband-vanilla-network-4836133175448 (READ-ONLY COPY).

The authoritative reference and input builder live on the scoring server;
editing this copy changes nothing except your own understanding.
"""

import jax, jax.numpy as jnp
import numpy as np

N_NODES = 10000
N_EDGES = 320000
D_FEAT = 128
D_EDGE = 16
MSG = 32
HID = 128
OUT = 16
N_GRAPHS = 64


def setup_inputs(seed: int = 0) -> dict:
    key = jax.random.key(seed)
    ks = jax.random.split(key, 20)
    inp = {}
    inp['x'] = jax.random.normal(ks[0], (N_NODES, D_FEAT), dtype=jnp.float32)
    inp['edge_index'] = jax.random.randint(ks[1], (2, N_EDGES), 0, N_NODES, dtype=jnp.int64 if jax.config.jax_enable_x64 else jnp.int32).astype(jnp.int32)
    inp['edge_attr'] = jax.random.normal(ks[2], (N_EDGES, D_EDGE), dtype=jnp.float32)
    inp['batch'] = jnp.sort(jax.random.randint(ks[3], (N_NODES,), 0, N_GRAPHS)).astype(jnp.int32)
    s = 0.05
    # conv layer 1
    inp['We1'] = jax.random.normal(ks[4], (MSG, 2 * D_FEAT + D_EDGE), dtype=jnp.float32) * s
    inp['be1'] = jnp.zeros((MSG,), dtype=jnp.float32)
    inp['Wn1'] = jax.random.normal(ks[5], (D_FEAT, D_FEAT + MSG), dtype=jnp.float32) * s
    inp['bn1'] = jnp.zeros((D_FEAT,), dtype=jnp.float32)
    # conv layer 2
    inp['We2'] = jax.random.normal(ks[6], (MSG, 2 * D_FEAT + D_EDGE), dtype=jnp.float32) * s
    inp['be2'] = jnp.zeros((MSG,), dtype=jnp.float32)
    inp['Wn2'] = jax.random.normal(ks[7], (D_FEAT, D_FEAT + MSG), dtype=jnp.float32) * s
    inp['bn2'] = jnp.zeros((D_FEAT,), dtype=jnp.float32)
    # graph mlp
    inp['Wg1'] = jax.random.normal(ks[8], (HID, D_FEAT), dtype=jnp.float32) * s
    inp['bg1'] = jnp.zeros((HID,), dtype=jnp.float32)
    inp['Wg2'] = jax.random.normal(ks[9], (OUT, HID), dtype=jnp.float32) * s
    inp['bg2'] = jnp.zeros((OUT,), dtype=jnp.float32)
    return inp


def _conv(x, edge_index, edge_attr, We, be, Wn, bn):
    node0 = edge_index[0]
    node1 = edge_index[1]
    f0 = jnp.take(x, node0, axis=0)
    f1 = jnp.take(x, node1, axis=0)
    message_input = jnp.concatenate([f0, f1, edge_attr], axis=1)
    messages = jax.nn.relu(message_input @ We.T + be)
    agg = jax.ops.segment_sum(messages, node0, num_segments=x.shape[0])
    node_input = jnp.concatenate([x, agg], axis=1)
    return jax.nn.relu(node_input @ Wn.T + bn)


def reference(x, edge_index, edge_attr, batch, We1, be1, Wn1, bn1, We2, be2, Wn2, bn2, Wg1, bg1, Wg2, bg2):
    h1 = _conv(x, edge_index, edge_attr, We1, be1, Wn1, bn1)
    h2 = _conv(h1, edge_index, edge_attr, We2, be2, Wn2, bn2)
    sums = jax.ops.segment_sum(h2, batch, num_segments=N_GRAPHS)
    counts = jax.ops.segment_sum(jnp.ones((h2.shape[0], 1), dtype=h2.dtype), batch, num_segments=N_GRAPHS)
    means = sums / jnp.clip(counts, 1.0, None)
    z = jax.nn.relu(means @ Wg1.T + bg1) @ Wg2.T + bg2
    return z

if __name__ == "__main__":
    import jax
    _d = setup_inputs()
    print(jax.jit(kernel)(*tuple(_d.values())))

</pallas_src>

<mosaic_0001>
#map = affine_map<(d0, d1) -> (0, 0)>
#map1 = affine_map<(d0, d1) -> (0, 0, 0)>
module attributes {stable_mosaic.version = 14 : i64} {
  func.func @_sc_conv_body(%arg0: i32, %arg1: i32, %arg2: memref<10000x32xbf16, #tpu.memory_space<hbm>>, %arg3: memref<10000x32xbf16, #tpu.memory_space<hbm>>, %arg4: memref<40000x128xf32, #tpu.memory_space<hbm>>, %arg5: memref<2x800x400xi32, #tpu.memory_space<hbm>>, %arg6: memref<10240x32xf32, #tpu.memory_space<hbm>>, %arg7: memref<2x10240x32xf32, #tpu.memory_space<hbm>>, %arg8: memref<10240x32xf32, #tpu.memory_space<vmem_shared>>, %arg9: memref<3x1x400xi32, #tpu.memory_space<vmem>>, %arg10: memref<3x1x400xi32, #tpu.memory_space<vmem>>, %arg11: memref<2x400x32xbf16, #tpu.memory_space<vmem>>, %arg12: memref<2x400x32xbf16, #tpu.memory_space<vmem>>, %arg13: memref<2x50x128xf32, #tpu.memory_space<vmem>>, %arg14: memref<2x400x32xf32, #tpu.memory_space<vmem>>, %arg15: memref<3x!tpu.dma_semaphore, #tpu.memory_space<semaphore_mem>>, %arg16: memref<2x!tpu.dma_semaphore, #tpu.memory_space<semaphore_mem>>, %arg17: memref<2x!tpu.dma_semaphore, #tpu.memory_space<semaphore_mem>>) attributes {dimension_semantics = [#tpu.dimension_semantics<core_parallel>, #tpu.dimension_semantics<subcore_parallel>], iteration_bounds = array<i64: 2, 16>, scalar_prefetch = 0 : i64, scratch_operands = 10 : i64, tpu.core_type = #tpu.core_type<sc_vector_subcore>, window_params = [{transform_indices = #map}, {transform_indices = #map}, {transform_indices = #map}, {transform_indices = #map1}, {transform_indices = #map}, {transform_indices = #map1}]} {
    %mul3A = arith.constant 16 : i32
    %mul3A_0 = arith.muli %arg0, %mul3A : i32
    %add3A = arith.addi %mul3A_0, %arg1 : i32
    %mul3A_1 = arith.constant 640 : i32
    %mul3A_2 = arith.muli %arg1, %mul3A_1 : i32
    %mul3A_3 = arith.constant 640 : i32
    %mul3A_4 = arith.muli %arg1, %mul3A_3 : i32
    "tpu.region"() ({
      %run_scoped3A = tpu.sem_alloc : memref<!tpu.dma_semaphore, #tpu.memory_space<semaphore_mem>>
      %dma_start3A_219 = arith.constant 0 : i32
      %dma_start3A_220 = tpu.memref_slice %arg8[%mul3A_4, %dma_start3A_219] : memref<10240x32xf32, #tpu.memory_space<vmem_shared>> -> memref<640x32xf32, #tpu.memory_space<vmem_shared>>
      %dma_start3A_221 = arith.constant 0 : i32
      %dma_start3A_222 = tpu.memref_slice %arg6[%mul3A_2, %dma_start3A_221] : memref<10240x32xf32, #tpu.memory_space<hbm>> -> memref<640x32xf32, #tpu.memory_space<hbm>>
      tpu.enqueue_dma source(%dma_start3A_222 : memref<640x32xf32, #tpu.memory_space<hbm>>) target(%dma_start3A_220 : memref<640x32xf32, #tpu.memory_space<vmem_shared>>) target_semaphore(%run_scoped3A : memref<!tpu.dma_semaphore, #tpu.memory_space<semaphore_mem>>)
      %dma_wait3A_223 = arith.constant 0 : i32
      %dma_wait3A_224 = tpu.memref_slice %arg8[%mul3A_4, %dma_wait3A_223] : memref<10240x32xf32, #tpu.memory_space<vmem_shared>> -> memref<640x32xf32, #tpu.memory_space<vmem_shared>>
      %dma_wait3A_225 = arith.constant 0 : i32
      %dma_wait3A_226 = tpu.memref_slice %arg6[%mul3A_2, %dma_wait3A_225] : memref<10240x32xf32, #tpu.memory_space<hbm>> -> memref<640x32xf32, #tpu.memory_space<hbm>>
      tpu.wait_dma2 semaphore(%run_scoped3A : memref<!tpu.dma_semaphore, #tpu.memory_space<semaphore_mem>>) src(%dma_wait3A_226 : memref<640x32xf32, #tpu.memory_space<hbm>>) dst(%dma_wait3A_224 : memref<640x32xf32, #tpu.memory_space<vmem_shared>>)
      tpu.yield
    }) : () -> ()
    %barrier3A = arith.constant 0 : index
    tpu.barrier barrier_id(%barrier3A)
    %mul3A_5 = arith.constant 25 : i32
    %mul3A_6 = arith.muli %add3A, %mul3A_5 : i32
    %mul3A_7 = arith.constant 10000 : i32
    %mul3A_8 = arith.muli %add3A, %mul3A_7 : i32
    %add3A_9 = arith.constant 0 : i32
    %add3A_10 = arith.addi %mul3A_6, %add3A_9 : i32
    %dma_start3A = arith.constant 0 : i32
    %dma_start3A_11 = arith.constant 0 : i32
    %dma_start3A_12 = arith.constant 0 : i32
    %dma_start3A_13 = arith.constant 0 : i32
    %dma_start3A_14 = arith.constant 0 : i32
    %dma_start3A_15 = tpu.memref_slice %arg9[%dma_start3A_11, %dma_start3A_13, %dma_start3A_14] : memref<3x1x400xi32, #tpu.memory_space<vmem>> -> memref<1x1x400xi32, #tpu.memory_space<vmem>>
    %dma_start3A_16 = tpu.memref_squeeze %dma_start3A_15 : memref<1x1x400xi32, #tpu.memory_space<vmem>> -> memref<1x400xi32, #tpu.memory_space<vmem>>
    %dma_start3A_17 = arith.constant 0 : i32
    %dma_start3A_18 = tpu.memref_slice %arg5[%dma_start3A, %add3A_10, %dma_start3A_17] : memref<2x800x400xi32, #tpu.memory_space<hbm>> -> memref<1x1x400xi32, #tpu.memory_space<hbm>>
    %dma_start3A_19 = tpu.memref_squeeze %dma_start3A_18 : memref<1x1x400xi32, #tpu.memory_space<hbm>> -> memref<1x400xi32, #tpu.memory_space<hbm>>
    %dma_start3A_20 = tpu.memref_slice %arg15[%dma_start3A_12] : memref<3x!tpu.dma_semaphore, #tpu.memory_space<semaphore_mem>> -> memref<1x!tpu.dma_semaphore, #tpu.memory_space<semaphore_mem>>
    %dma_start3A_21 = tpu.memref_squeeze %dma_start3A_20 : memref<1x!tpu.dma_semaphore, #tpu.memory_space<semaphore_mem>> -> memref<!tpu.dma_semaphore, #tpu.memory_space<semaphore_mem>>
    %dma_start3A_22 = arith.constant 0 : i32
    %dma_start3A_23 = arith.constant 0 : i32
    %dma_start3A_24 = tpu.memref_slice %arg9[%dma_start3A_11, %dma_start3A_22, %dma_start3A_23] : memref<3x1x400xi32, #tpu.memory_space<vmem>> -> memref<1x1x400xi32, #tpu.memory_space<vmem>>
    %dma_start3A_25 = tpu.memref_squeeze %dma_start3A_24 : memref<1x1x400xi32, #tpu.memory_space<vmem>> -> memref<1x400xi32, #tpu.memory_space<vmem>>
    %dma_start3A_26 = arith.constant 0 : i32
    %dma_start3A_27 = tpu.memref_slice %arg5[%dma_start3A, %add3A_10, %dma_start3A_26] : memref<2x800x400xi32, #tpu.memory_space<hbm>> -> memref<1x1x400xi32, #tpu.memory_space<hbm>>
    %dma_start3A_28 = tpu.memref_squeeze %dma_start3A_27 : memref<1x1x400xi32, #tpu.memory_space<hbm>> -> memref<1x400xi32, #tpu.memory_space<hbm>>
    tpu.enqueue_dma source(%dma_start3A_28 : memref<1x400xi32, #tpu.memory_space<hbm>>) target(%dma_start3A_25 : memref<1x400xi32, #tpu.memory_space<vmem>>) target_semaphore(%dma_start3A_21 : memref<!tpu.dma_semaphore, #tpu.memory_space<semaphore_mem>>)
    %dma_start3A_29 = arith.constant 1 : i32
    %dma_start3A_30 = arith.constant 0 : i32
    %dma_start3A_31 = arith.constant 0 : i32
    %dma_start3A_32 = arith.constant 0 : i32
    %dma_start3A_33 = arith.constant 0 : i32
    %dma_start3A_34 = tpu.memref_slice %arg10[%dma_start3A_30, %dma_start3A_32, %dma_start3A_33] : memref<3x1x400xi32, #tpu.memory_space<vmem>> -> memref<1x1x400xi32, #tpu.memory_space<vmem>>
    %dma_start3A_35 = tpu.memref_squeeze %dma_start3A_34 : memref<1x1x400xi32, #tpu.memory_space<vmem>> -> memref<1x400xi32, #tpu.memory_space<vmem>>
    %dma_start3A_36 = arith.constant 0 : i32
    %dma_start3A_37 = tpu.memref_slice %arg5[%dma_start3A_29, %add3A_10, %dma_start3A_36] : memref<2x800x400xi32, #tpu.memory_space<hbm>> -> memref<1x1x400xi32, #tpu.memory_space<hbm>>
    %dma_start3A_38 = tpu.memref_squeeze %dma_start3A_37 : memref<1x1x400xi32, #tpu.memory_space<hbm>> -> memref<1x400xi32, #tpu.memory_space<hbm>>
    %dma_start3A_39 = tpu.memref_slice %arg15[%dma_start3A_31] : memref<3x!tpu.dma_semaphore, #tpu.memory_space<semaphore_mem>> -> memref<1x!tpu.dma_semaphore, #tpu.memory_space<semaphore_mem>>
    %dma_start3A_40 = tpu.memref_squeeze %dma_start3A_39 : memref<1x!tpu.dma_semaphore, #tpu.memory_space<semaphore_mem>> -> memref<!tpu.dma_semaphore, #tpu.memory_space<semaphore_mem>>
    %dma_start3A_41 = arith.constant 0 : i32
    %dma_start3A_42 = arith.constant 0 : i32
    %dma_start3A_43 = tpu.memref_slice %arg10[%dma_start3A_30, %dma_start3A_41, %dma_start3A_42] : memref<3x1x400xi32, #tpu.memory_space<vmem>> -> memref<1x1x400xi32, #tpu.memory_space<vmem>>
    %dma_start3A_44 = tpu.memref_squeeze %dma_start3A_43 : memref<1x1x400xi32, #tpu.memory_space<vmem>> -> memref<1x400xi32, #tpu.memory_space<vmem>>
    %dma_start3A_45 = arith.constant 0 : i32
    %dma_start3A_46 = tpu.memref_slice %arg5[%dma_start3A_29, %add3A_10, %dma_start3A_45] : memref<2x800x400xi32, #tpu.memory_space<hbm>> -> memref<1x1x400xi32, #tpu.memory_space<hbm>>
    %dma_start3A_47 = tpu.memref_squeeze %dma_start3A_46 : memref<1x1x400xi32, #tpu.memory_space<hbm>> -> memref<1x400xi32, #tpu.memory_space<hbm>>
    tpu.enqueue_dma source(%dma_start3A_47 : memref<1x400xi32, #tpu.memory_space<hbm>>) target(%dma_start3A_44 : memref<1x400xi32, #tpu.memory_space<vmem>>) target_semaphore(%dma_start3A_40 : memref<!tpu.dma_semaphore, #tpu.memory_space<semaphore_mem>>)
    %add3A_48 = arith.constant 1 : i32
    %add3A_49 = arith.addi %mul3A_6, %add3A_48 : i32
    %dma_start3A_50 = arith.constant 0 : i32
    %dma_start3A_51 = arith.constant 1 : i32
    %dma_start3A_52 = arith.constant 1 : i32
    %dma_start3A_53 = arith.constant 0 : i32
    %dma_start3A_54 = arith.constant 0 : i32
    %dma_start3A_55 = tpu.memref_slice %arg9[%dma_start3A_51, %dma_start3A_53, %dma_start3A_54] : memref<3x1x400xi32, #tpu.memory_space<vmem>> -> memref<1x1x400xi32, #tpu.memory_space<vmem>>
    %dma_start3A_56 = tpu.memref_squeeze %dma_start3A_55 : memref<1x1x400xi32, #tpu.memory_space<vmem>> -> memref<1x400xi32, #tpu.memory_space<vmem>>
    %dma_start3A_57 = arith.constant 0 : i32
    %dma_start3A_58 = tpu.memref_slice %arg5[%dma_start3A_50, %add3A_49, %dma_start3A_57] : memref<2x800x400xi32, #tpu.memory_space<hbm>> -> memref<1x1x400xi32, #tpu.memory_space<hbm>>
    %dma_start3A_59 = tpu.memref_squeeze %dma_start3A_58 : memref<1x1x400xi32, #tpu.memory_space<hbm>> -> memref<1x400xi32, #tpu.memory_space<hbm>>
    %dma_start3A_60 = tpu.memref_slice %arg15[%dma_start3A_52] : memref<3x!tpu.dma_semaphore, #tpu.memory_space<semaphore_mem>> -> memref<1x!tpu.dma_semaphore, #tpu.memory_space<semaphore_mem>>
    %dma_start3A_61 = tpu.memref_squeeze %dma_start3A_60 : memref<1x!tpu.dma_semaphore, #tpu.memory_space<semaphore_mem>> -> memref<!tpu.dma_semaphore, #tpu.memory_space<semaphore_mem>>
    %dma_start3A_62 = arith.constant 0 : i32
    %dma_start3A_63 = arith.constant 0 : i32
    %dma_start3A_64 = tpu.memref_slice %arg9[%dma_start3A_51, %dma_start3A_62, %dma_start3A_63] : memref<3x1x400xi32, #tpu.memory_space<vmem>> -> memref<1x1x400xi32, #tpu.memory_space<vmem>>
    %dma_start3A_65 = tpu.memref_squeeze %dma_start3A_64 : memref<1x1x400xi32, #tpu.memory_space<vmem>> -> memref<1x400xi32, #tpu.memory_space<vmem>>
    %dma_start3A_66 = arith.constant 0 : i32
    %dma_start3A_67 = tpu.memref_slice %arg5[%dma_start3A_50, %add3A_49, %dma_start3A_66] : memref<2x800x400xi32, #tpu.memory_space<hbm>> -> memref<1x1x400xi32, #tpu.memory_space<hbm>>
    %dma_start3A_68 = tpu.memref_squeeze %dma_start3A_67 : memref<1x1x400xi32, #tpu.memory_space<hbm>> -> memref<1x400xi32, #tpu.memory_space<hbm>>
    tpu.enqueue_dma source(%dma_start3A_68 : memref<1x400xi32, #tpu.memory_space<hbm>>) target(%dma_start3A_65 : memref<1x400xi32, #tpu.memory_space<vmem>>) target_semaphore(%dma_start3A_61 : memref<!tpu.dma_semaphore, #tpu.memory_space<semaphore_mem>>)
    %dma_start3A_69 = arith.constant 1 : i32
    %dma_start3A_70 = arith.constant 1 : i32
    %dma_start3A_71 = arith.constant 1 : i32
    %dma_start3A_72 = arith.constant 0 : i32
    %dma_start3A_73 = arith.constant 0 : i32
    %dma_start3A_74 = tpu.memref_slice %arg10[%dma_start3A_70, %dma_start3A_72, %dma_start3A_73] : memref<3x1x400xi32, #tpu.memory_space<vmem>> -> memref<1x1x400xi32, #tpu.memory_space<vmem>>
    %dma_start3A_75 = tpu.memref_squeeze %dma_start3A_74 : memref<1x1x400xi32, #tpu.memory_space<vmem>> -> memref<1x400xi32, #tpu.memory_space<vmem>>
    %dma_start3A_76 = arith.constant 0 : i32
    %dma_start3A_77 = tpu.memref_slice %arg5[%dma_start3A_69, %add3A_49, %dma_start3A_76] : memref<2x800x400xi32, #tpu.memory_space<hbm>> -> memref<1x1x400xi32, #tpu.memory_space<hbm>>
    %dma_start3A_78 = tpu.memref_squeeze %dma_start3A_77 : memref<1x1x400xi32, #tpu.memory_space<hbm>> -> memref<1x400xi32, #tpu.memory_space<hbm>>
    %dma_start3A_79 = tpu.memref_slice %arg15[%dma_start3A_71] : memref<3x!tpu.dma_semaphore, #tpu.memory_space<semaphore_mem>> -> memref<1x!tpu.dma_semaphore, #tpu.memory_space<semaphore_mem>>
    %dma_start3A_80 = tpu.memref_squeeze %dma_start3A_79 : memref<1x!tpu.dma_semaphore, #tpu.memory_space<semaphore_mem>> -> memref<!tpu.dma_semaphore, #tpu.memory_space<semaphore_mem>>
    %dma_start3A_81 = arith.constant 0 : i32
    %dma_start3A_82 = arith.constant 0 : i32
    %dma_start3A_83 = tpu.memref_slice %arg10[%dma_start3A_70, %dma_start3A_81, %dma_start3A_82] : memref<3x1x400xi32, #tpu.memory_space<vmem>> -> memref<1x1x400xi32, #tpu.memory_space<vmem>>
    %dma_start3A_84 = tpu.memref_squeeze %dma_start3A_83 : memref<1x1x400xi32, #tpu.memory_space<vmem>> -> memref<1x400xi32, #tpu.memory_space<vmem>>
    %dma_start3A_85 = arith.constant 0 : i32
    %dma_start3A_86 = tpu.memref_slice %arg5[%dma_start3A_69, %add3A_49, %dma_start3A_85] : memref<2x800x400xi32, #tpu.memory_space<hbm>> -> memref<1x1x400xi32, #tpu.memory_space<hbm>>
    %dma_start3A_87 = tpu.memref_squeeze %dma_start3A_86 : memref<1x1x400xi32, #tpu.memory_space<hbm>> -> memref<1x400xi32, #tpu.memory_space<hbm>>
    tpu.enqueue_dma source(%dma_start3A_87 : memref<1x400xi32, #tpu.memory_space<hbm>>) target(%dma_start3A_84 : memref<1x400xi32, #tpu.memory_space<vmem>>) target_semaphore(%dma_start3A_80 : memref<!tpu.dma_semaphore, #tpu.memory_space<semaphore_mem>>)
    %add3A_88 = arith.constant 0 : i32
    %add3A_89 = arith.addi %mul3A_6, %add3A_88 : i32
    %dma_wait3A = arith.constant 0 : i32
    %dma_wait3A_90 = arith.constant 0 : i32
    %dma_wait3A_91 = arith.constant 0 : i32
    %dma_wait3A_92 = arith.constant 0 : i32
    %dma_wait3A_93 = arith.constant 0 : i32
    %dma_wait3A_94 = tpu.memref_slice %arg9[%dma_wait3A_90, %dma_wait3A_92, %dma_wait3A_93] : memref<3x1x400xi32, #tpu.memory_space<vmem>> -> memref<1x1x400xi32, #tpu.memory_space<vmem>>
    %dma_wait3A_95 = tpu.memref_squeeze %dma_wait3A_94 : memref<1x1x400xi32, #tpu.memory_space<vmem>> -> memref<1x400xi32, #tpu.memory_space<vmem>>
    %dma_wait3A_96 = arith.constant 0 : i32
    %dma_wait3A_97 = tpu.memref_slice %arg5[%dma_wait3A, %add3A_89, %dma_wait3A_96] : memref<2x800x400xi32, #tpu.memory_space<hbm>> -> memref<1x1x400xi32, #tpu.memory_space<hbm>>
    %dma_wait3A_98 = tpu.memref_squeeze %dma_wait3A_97 : memref<1x1x400xi32, #tpu.memory_space<hbm>> -> memref<1x400xi32, #tpu.memory_space<hbm>>
    %dma_wait3A_99 = tpu.memref_slice %arg15[%dma_wait3A_91] : memref<3x!tpu.dma_semaphore, #tpu.memory_space<semaphore_mem>> -> memref<1x!tpu.dma_semaphore, #tpu.memory_space<semaphore_mem>>
    %dma_wait3A_100 = tpu.memref_squeeze %dma_wait3A_99 : memref<1x!tpu.dma_semaphore, #tpu.memory_space<semaphore_mem>> -> memref<!tpu.dma_semaphore, #tpu.memory_space<semaphore_mem>>
    %dma_wait3A_101 = arith.constant 0 : i32
    %dma_wait3A_102 = arith.constant 0 : i32
    %dma_wait3A_103 = tpu.memref_slice %arg9[%dma_wait3A_90, %dma_wait3A_101, %dma_wait3A_102] : memref<3x1x400xi32, #tpu.memory_space<vmem>> -> memref<1x1x400xi32, #tpu.memory_space<vmem>>
    %dma_wait3A_104 = tpu.memref_squeeze %dma_wait3A_103 : memref<1x1x400xi32, #tpu.memory_space<vmem>> -> memref<1x400xi32, #tpu.memory_space<vmem>>
    %dma_wait3A_105 = arith.constant 0 : i32
    %dma_wait3A_106 = tpu.memref_slice %arg5[%dma_wait3A, %add3A_89, %dma_wait3A_105] : memref<2x800x400xi32, #tpu.memory_space<hbm>> -> memref<1x1x400xi32, #tpu.memory_space<hbm>>
    %dma_wait3A_107 = tpu.memref_squeeze %dma_wait3A_106 : memref<1x1x400xi32, #tpu.memory_space<hbm>> -> memref<1x400xi32, #tpu.memory_space<hbm>>
    tpu.wait_dma2 semaphore(%dma_wait3A_100 : memref<!tpu.dma_semaphore, #tpu.memory_space<semaphore_mem>>) src(%dma_wait3A_107 : memref<1x400xi32, #tpu.memory_space<hbm>>) dst(%dma_wait3A_104 : memref<1x400xi32, #tpu.memory_space<vmem>>)
    %dma_wait3A_108 = arith.constant 1 : i32
    %dma_wait3A_109 = arith.constant 0 : i32
    %dma_wait3A_110 = arith.constant 0 : i32
    %dma_wait3A_111 = arith.constant 0 : i32
    %dma_wait3A_112 = arith.constant 0 : i32
    %dma_wait3A_113 = tpu.memref_slice %arg10[%dma_wait3A_109, %dma_wait3A_111, %dma_wait3A_112] : memref<3x1x400xi32, #tpu.memory_space<vmem>> -> memref<1x1x400xi32, #tpu.memory_space<vmem>>
    %dma_wait3A_114 = tpu.memref_squeeze %dma_wait3A_113 : memref<1x1x400xi32, #tpu.memory_space<vmem>> -> memref<1x400xi32, #tpu.memory_space<vmem>>
    %dma_wait3A_115 = arith.constant 0 : i32
    %dma_wait3A_116 = tpu.memref_slice %arg5[%dma_wait3A_108, %add3A_89, %dma_wait3A_115] : memref<2x800x400xi32, #tpu.memory_space<hbm>> -> memref<1x1x400xi32, #tpu.memory_space<hbm>>
    %dma_wait3A_117 = tpu.memref_squeeze %dma_wait3A_116 : memref<1x1x400xi32, #tpu.memory_space<hbm>> -> memref<1x400xi32, #tpu.memory_space<hbm>>
    %dma_wait3A_118 = tpu.memref_slice %arg15[%dma_wait3A_110] : memref<3x!tpu.dma_semaphore, #tpu.memory_space<semaphore_mem>> -> memref<1x!tpu.dma_semaphore, #tpu.memory_space<semaphore_mem>>
    %dma_wait3A_119 = tpu.memref_squeeze %dma_wait3A_118 : memref<1x!tpu.dma_semaphore, #tpu.memory_space<semaphore_mem>> -> memref<!tpu.dma_semaphore, #tpu.memory_space<semaphore_mem>>
    %dma_wait3A_120 = arith.constant 0 : i32
    %dma_wait3A_121 = arith.constant 0 : i32
    %dma_wait3A_122 = tpu.memref_slice %arg10[%dma_wait3A_109, %dma_wait3A_120, %dma_wait3A_121] : memref<3x1x400xi32, #tpu.memory_space<vmem>> -> memref<1x1x400xi32, #tpu.memory_space<vmem>>
    %dma_wait3A_123 = tpu.memref_squeeze %dma_wait3A_122 : memref<1x1x400xi32, #tpu.memory_space<vmem>> -> memref<1x400xi32, #tpu.memory_space<vmem>>
    %dma_wait3A_124 = arith.constant 0 : i32
    %dma_wait3A_125 = tpu.memref_slice %arg5[%dma_wait3A_108, %add3A_89, %dma_wait3A_124] : memref<2x800x400xi32, #tpu.memory_space<hbm>> -> memref<1x1x400xi32, #tpu.memory_space<hbm>>
    %dma_wait3A_126 = tpu.memref_squeeze %dma_wait3A_125 : memref<1x1x400xi32, #tpu.memory_space<hbm>> -> memref<1x400xi32, #tpu.memory_space<hbm>>
    tpu.wait_dma2 semaphore(%dma_wait3A_119 : memref<!tpu.dma_semaphore, #tpu.memory_space<semaphore_mem>>) src(%dma_wait3A_126 : memref<1x400xi32, #tpu.memory_space<hbm>>) dst(%dma_wait3A_123 : memref<1x400xi32, #tpu.memory_space<vmem>>)
    %add3A_127 = arith.constant 0 : i32
    %add3A_128 = arith.addi %mul3A_8, %add3A_127 : i32
    %jit3A = arith.constant 8 : i32
    %div3A = arith.divsi %add3A_128, %jit3A : i32
    %sign3A = arith.constant 0 : i32
    %sign3A_129 = arith.cmpi sgt, %add3A_128, %sign3A : i32
    %sign3A_130 = arith.extui %sign3A_129 : i1 to i32
    %sign3A_131 = arith.constant 0 : i32
    %sign3A_132 = arith.cmpi slt, %add3A_128, %sign3A_131 : i32
    %sign3A_133 = arith.extui %sign3A_132 : i1 to i32
    %sign3A_134 = arith.subi %sign3A_130, %sign3A_133 : i32
    %sign3A_135 = arith.constant 0 : i32
    %sign3A_136 = arith.cmpi sgt, %jit3A, %sign3A_135 : i32
    %sign3A_137 = arith.extui %sign3A_136 : i1 to i32
    %sign3A_138 = arith.constant 0 : i32
    %sign3A_139 = arith.cmpi slt, %jit3A, %sign3A_138 : i32
    %sign3A_140 = arith.extui %sign3A_139 : i1 to i32
    %sign3A_141 = arith.subi %sign3A_137, %sign3A_140 : i32
    %ne3A = arith.cmpi ne, %sign3A_134, %sign3A_141 : i32
    %rem3A = arith.remsi %add3A_128, %jit3A : i32
    %ne3A_142 = arith.constant 0 : i32
    %ne3A_143 = arith.cmpi ne, %rem3A, %ne3A_142 : i32
    %and3A = arith.andi %ne3A, %ne3A_143 : i1
    %sub3A = arith.constant 1 : i32
    %sub3A_144 = arith.subi %div3A, %sub3A : i32
    %select_n3A = arith.select %and3A, %sub3A_144, %div3A : i32
    %dma_start3A_145 = arith.constant 0 : i32
    %dma_start3A_146 = arith.constant 0 : i32
    %dma_start3A_147 = arith.constant 0 : i32
    %dma_start3A_148 = arith.constant 0 : i32
    %dma_start3A_149 = tpu.memref_slice %arg13[%dma_start3A_145, %dma_start3A_147, %dma_start3A_148] : memref<2x50x128xf32, #tpu.memory_space<vmem>> -> memref<1x50x128xf32, #tpu.memory_space<vmem>>
    %dma_start3A_150 = tpu.memref_squeeze %dma_start3A_149 : memref<1x50x128xf32, #tpu.memory_space<vmem>> -> memref<50x128xf32, #tpu.memory_space<vmem>>
    %dma_start3A_151 = arith.constant 0 : i32
    %dma_start3A_152 = tpu.memref_slice %arg4[%select_n3A, %dma_start3A_151] : memref<40000x128xf32, #tpu.memory_space<hbm>> -> memref<50x128xf32, #tpu.memory_space<hbm>>
    %dma_start3A_153 = tpu.memref_slice %arg16[%dma_start3A_146] : memref<2x!tpu.dma_semaphore, #tpu.memory_space<semaphore_mem>> -> memref<1x!tpu.dma_semaphore, #tpu.memory_space<semaphore_mem>>
    %dma_start3A_154 = tpu.memref_squeeze %dma_start3A_153 : memref<1x!tpu.dma_semaphore, #tpu.memory_space<semaphore_mem>> -> memref<!tpu.dma_semaphore, #tpu.memory_space<semaphore_mem>>
    %dma_start3A_155 = arith.constant 0 : i32
    %dma_start3A_156 = arith.constant 0 : i32
    %dma_start3A_157 = tpu.memref_slice %arg13[%dma_start3A_145, %dma_start3A_155, %dma_start3A_156] : memref<2x50x128xf32, #tpu.memory_space<vmem>> -> memref<1x50x128xf32, #tpu.memory_space<vmem>>
    %dma_start3A_158 = tpu.memref_squeeze %dma_start3A_157 : memref<1x50x128xf32, #tpu.memory_space<vmem>> -> memref<50x128xf32, #tpu.memory_space<vmem>>
    %dma_start3A_159 = arith.constant 0 : i32
    %dma_start3A_160 = tpu.memref_slice %arg4[%select_n3A, %dma_start3A_159] : memref<40000x128xf32, #tpu.memory_space<hbm>> -> memref<50x128xf32, #tpu.memory_space<hbm>>
    tpu.enqueue_dma source(%dma_start3A_160 : memref<50x128xf32, #tpu.memory_space<hbm>>) target(%dma_start3A_158 : memref<50x128xf32, #tpu.memory_space<vmem>>) target_semaphore(%dma_start3A_154 : memref<!tpu.dma_semaphore, #tpu.memory_space<semaphore_mem>>)
    %dma_start3A_161 = arith.constant 0 : i32
    %dma_start3A_162 = arith.constant 0 : i32
    %dma_start3A_163 = arith.constant 0 : i32
    %dma_start3A_164 = arith.constant 0 : i32
    %dma_start3A_165 = arith.constant 0 : i32
    %dma_start3A_166 = arith.constant 0 : i32
    %dma_start3A_167 = tpu.memref_slice %arg11[%dma_start3A_163, %dma_start3A_165, %dma_start3A_166] : memref<2x400x32xbf16, #tpu.memory_space<vmem>> -> memref<1x400x32xbf16, #tpu.memory_space<vmem>>
    %dma_start3A_168 = tpu.memref_squeeze %dma_start3A_167 : memref<1x400x32xbf16, #tpu.memory_space<vmem>> -> memref<400x32xbf16, #tpu.memory_space<vmem>>
    %dma_start3A_169 = arith.constant 0 : i32
    %dma_start3A_170 = tpu.memref_slice %arg9[%dma_start3A_161, %dma_start3A_162, %dma_start3A_169] : memref<3x1x400xi32, #tpu.memory_space<vmem>> -> memref<1x1x400xi32, #tpu.memory_space<vmem>>
    %dma_start3A_171 = tpu.memref_squeeze %dma_start3A_170 : memref<1x1x400xi32, #tpu.memory_space<vmem>> -> memref<400xi32, #tpu.memory_space<vmem>>
    %dma_start3A_172 = arith.constant 0 : i32
    %dma_start3A_173 = arith.constant 0 : i32
    %dma_start3A_174 = tpu.memref_slice %arg2[%dma_start3A_172, %dma_start3A_173] : memref<10000x32xbf16, #tpu.memory_space<hbm>> -> memref<10000x32xbf16, #tpu.memory_space<hbm>>
    %dma_start3A_175 = tpu.memref_slice %arg16[%dma_start3A_164] : memref<2x!tpu.dma_semaphore, #tpu.memory_space<semaphore_mem>> -> memref<1x!tpu.dma_semaphore, #tpu.memory_space<semaphore_mem>>
    %dma_start3A_176 = tpu.memref_squeeze %dma_start3A_175 : memref<1x!tpu.dma_semaphore, #tpu.memory_space<semaphore_mem>> -> memref<!tpu.dma_semaphore, #tpu.memory_space<semaphore_mem>>
    tpu.enqueue_indirect_dma source(%dma_start3A_174 : memref<10000x32xbf16, #tpu.memory_space<hbm>>) target(%dma_start3A_168 : memref<400x32xbf16, #tpu.memory_space<vmem>>) offsets(%dma_start3A_171 : memref<400xi32, #tpu.memory_space<vmem>>) semaphore(%dma_start3A_176 : memref<!tpu.dma_semaphore, #tpu.memory_space<semaphore_mem>>)
    %dma_start3A_177 = arith.constant 0 : i32
    %dma_start3A_178 = arith.constant 0 : i32
    %dma_start3A_179 = arith.constant 0 : i32
    %dma_start3A_180 = arith.constant 0 : i32
    %dma_start3A_181 = arith.constant 0 : i32
    %dma_start3A_182 = arith.constant 0 : i32
    %dma_start3A_183 = tpu.memref_slice %arg12[%dma_start3A_179, %dma_start3A_181, %dma_start3A_182] : memref<2x400x32xbf16, #tpu.memory_space<vmem>> -> memref<1x400x32xbf16, #tpu.memory_space<vmem>>
    %dma_start3A_184 = tpu.memref_squeeze %dma_start3A_183 : memref<1x400x32xbf16, #tpu.memory_space<vmem>> -> memref<400x32xbf16, #tpu.memory_space<vmem>>
    %dma_start3A_185 = arith.constant 0 : i32
    %dma_start3A_186 = tpu.memref_slice %arg10[%dma_start3A_177, %dma_start3A_178, %dma_start3A_185] : memref<3x1x400xi32, #tpu.memory_space<vmem>> -> memref<1x1x400xi32, #tpu.memory_space<vmem>>
    %dma_start3A_187 = tpu.memref_squeeze %dma_start3A_186 : memref<1x1x400xi32, #tpu.memory_space<vmem>> -> memref<400xi32, #tpu.memory_space<vmem>>
    %dma_start3A_188 = arith.constant 0 : i32
    %dma_start3A_189 = arith.constant 0 : i32
    %dma_start3A_190 = tpu.memref_slice %arg3[%dma_start3A_188, %dma_start3A_189] : memref<10000x32xbf16, #tpu.memory_space<hbm>> -> memref<10000x32xbf16, #tpu.memory_space<hbm>>
    %dma_start3A_191 = tpu.memref_slice %arg16[%dma_start3A_180] : memref<2x!tpu.dma_semaphore, #tpu.memory_space<semaphore_mem>> -> memref<1x!tpu.dma_semaphore, #tpu.memory_space<semaphore_mem>>
    %dma_start3A_192 = tpu.memref_squeeze %dma_start3A_191 : memref<1x!tpu.dma_semaphore, #tpu.memory_space<semaphore_mem>> -> memref<!tpu.dma_semaphore, #tpu.memory_space<semaphore_mem>>
    tpu.enqueue_indirect_dma source(%dma_start3A_190 : memref<10000x32xbf16, #tpu.memory_space<hbm>>) target(%dma_start3A_184 : memref<400x32xbf16, #tpu.memory_space<vmem>>) offsets(%dma_start3A_187 : memref<400xi32, #tpu.memory_space<vmem>>) semaphore(%dma_start3A_192 : memref<!tpu.dma_semaphore, #tpu.memory_space<semaphore_mem>>)
    %scan3A = arith.constant 0 : i32
    %scan3A_193 = arith.constant 0 : i32
    %scan3A_194 = arith.constant 25 : i32
    %scan3A_195 = arith.addi %scan3A_193, %scan3A_194 : i32
    %scan3A_196 = arith.constant 1 : i32
    scf.for %scan3A_219 = %scan3A_193 to %scan3A_195 step %scan3A_196  : i32 {
      %jit3A_220 = arith.constant 2 : i32
      %eq3A = arith.constant 0 : i32
      %eq3A_221 = arith.cmpi eq, %jit3A_220, %eq3A : i32
      %jit3A_222 = arith.constant 1 : i32
      %select_n3A_223 = arith.select %eq3A_221, %jit3A_222, %jit3A_220 : i32
      %rem3A_224 = arith.remsi %scan3A_219, %select_n3A_223 : i32
      %ne3A_225 = arith.constant 0 : i32
      %ne3A_226 = arith.cmpi ne, %rem3A_224, %ne3A_225 : i32
      %lt3A = arith.constant 0 : i32
      %lt3A_227 = arith.cmpi slt, %rem3A_224, %lt3A : i32
      %lt3A_228 = arith.constant 0 : i32
      %lt3A_229 = arith.cmpi slt, %select_n3A_223, %lt3A_228 : i32
      %ne3A_230 = arith.xori %lt3A_227, %lt3A_229 : i1
      %and3A_231 = arith.andi %ne3A_230, %ne3A_226 : i1
      %add3A_232 = arith.addi %rem3A_224, %select_n3A_223 : i32
      %select_n3A_233 = arith.select %and3A_231, %add3A_232, %rem3A_224 : i32
      %jit3A_234 = arith.constant 2 : i32
      %eq3A_235 = arith.constant 0 : i32
      %eq3A_236 = arith.cmpi eq, %jit3A_234, %eq3A_235 : i32
      %jit3A_237 = arith.constant 1 : i32
      %select_n3A_238 = arith.select %eq3A_236, %jit3A_237, %jit3A_234 : i32
      %rem3A_239 = arith.remsi %scan3A_219, %select_n3A_238 : i32
      %ne3A_240 = arith.constant 0 : i32
      %ne3A_241 = arith.cmpi ne, %rem3A_239, %ne3A_240 : i32
      %lt3A_242 = arith.constant 0 : i32
      %lt3A_243 = arith.cmpi slt, %rem3A_239, %lt3A_242 : i32
      %lt3A_244 = arith.constant 0 : i32
      %lt3A_245 = arith.cmpi slt, %select_n3A_238, %lt3A_244 : i32
      %ne3A_246 = arith.xori %lt3A_243, %lt3A_245 : i1
      %and3A_247 = arith.andi %ne3A_246, %ne3A_241 : i1
      %add3A_248 = arith.addi %rem3A_239, %select_n3A_238 : i32
      %select_n3A_249 = arith.select %and3A_247, %add3A_248, %rem3A_239 : i32
      %jit3A_250 = arith.constant 3 : i32
      %eq3A_251 = arith.constant 0 : i32
      %eq3A_252 = arith.cmpi eq, %jit3A_250, %eq3A_251 : i32
      %jit3A_253 = arith.constant 1 : i32
      %select_n3A_254 = arith.select %eq3A_252, %jit3A_253, %jit3A_250 : i32
      %rem3A_255 = arith.remsi %scan3A_219, %select_n3A_254 : i32
      %ne3A_256 = arith.constant 0 : i32
      %ne3A_257 = arith.cmpi ne, %rem3A_255, %ne3A_256 : i32
      %lt3A_258 = arith.constant 0 : i32
      %lt3A_259 = arith.cmpi slt, %rem3A_255, %lt3A_258 : i32
      %lt3A_260 = arith.constant 0 : i32
      %lt3A_261 = arith.cmpi slt, %select_n3A_254, %lt3A_260 : i32
      %ne3A_262 = arith.xori %lt3A_259, %lt3A_261 : i1
      %and3A_263 = arith.andi %ne3A_262, %ne3A_257 : i1
      %add3A_264 = arith.addi %rem3A_255, %select_n3A_254 : i32
      %select_n3A_265 = arith.select %and3A_263, %add3A_264, %rem3A_255 : i32
      %ge3A = arith.constant 1 : i32
      %ge3A_266 = arith.cmpi sge, %scan3A_219, %ge3A : i32
      %convert_element_type3A = arith.extui %ge3A_266 : i1 to i32
      %cond3A = arith.constant 0 : i32
      %cond3A_267 = arith.cmpi ne, %convert_element_type3A, %cond3A : i32
      scf.if %cond3A_267 {
        %sub3A_374 = arith.constant 1 : i32
        %sub3A_375 = arith.subi %sub3A_374, %select_n3A_249 : i32
        %sub3A_376 = arith.constant 1 : i32
        %sub3A_377 = arith.subi %scan3A_219, %sub3A_376 : i32
        %jit3A_378 = arith.constant 3 : i32
        %eq3A_379 = arith.constant 0 : i32
        %eq3A_380 = arith.cmpi eq, %jit3A_378, %eq3A_379 : i32
        %jit3A_381 = arith.constant 1 : i32
        %select_n3A_382 = arith.select %eq3A_380, %jit3A_381, %jit3A_378 : i32
        %rem3A_383 = arith.remsi %sub3A_377, %select_n3A_382 : i32
        %ne3A_384 = arith.constant 0 : i32
        %ne3A_385 = arith.cmpi ne, %rem3A_383, %ne3A_384 : i32
        %lt3A_386 = arith.constant 0 : i32
        %lt3A_387 = arith.cmpi slt, %rem3A_383, %lt3A_386 : i32
        %lt3A_388 = arith.constant 0 : i32
        %lt3A_389 = arith.cmpi slt, %select_n3A_382, %lt3A_388 : i32
        %ne3A_390 = arith.xori %lt3A_387, %lt3A_389 : i1
        %and3A_391 = arith.andi %ne3A_390, %ne3A_385 : i1
        %add3A_392 = arith.addi %rem3A_383, %select_n3A_382 : i32
        %select_n3A_393 = arith.select %and3A_391, %add3A_392, %rem3A_383 : i32
        %dma_wait3A_394 = arith.constant 0 : i32
        %dma_wait3A_395 = arith.constant 0 : i32
        %dma_wait3A_396 = arith.constant 0 : i32
        %dma_wait3A_397 = tpu.memref_slice %arg14[%sub3A_375, %dma_wait3A_395, %dma_wait3A_396] : memref<2x400x32xf32, #tpu.memory_space<vmem>> -> memref<1x400x32xf32, #tpu.memory_space<vmem>>
        %dma_wait3A_398 = tpu.memref_squeeze %dma_wait3A_397 : memref<1x400x32xf32, #tpu.memory_space<vmem>> -> memref<400x32xf32, #tpu.memory_space<vmem>>
        %dma_wait3A_399 = arith.constant 0 : i32
        %dma_wait3A_400 = tpu.memref_slice %arg9[%select_n3A_393, %dma_wait3A_394, %dma_wait3A_399] : memref<3x1x400xi32, #tpu.memory_space<vmem>> -> memref<1x1x400xi32, #tpu.memory_space<vmem>>
        %dma_wait3A_401 = tpu.memref_squeeze %dma_wait3A_400 : memref<1x1x400xi32, #tpu.memory_space<vmem>> -> memref<400xi32, #tpu.memory_space<vmem>>
        %dma_wait3A_402 = arith.constant 0 : i32
        %dma_wait3A_403 = arith.constant 0 : i32
        %dma_wait3A_404 = tpu.memref_slice %arg8[%dma_wait3A_402, %dma_wait3A_403] : memref<10240x32xf32, #tpu.memory_space<vmem_shared>> -> memref<10240x32xf32, #tpu.memory_space<vmem_shared>>
        %dma_wait3A_405 = tpu.memref_slice %arg17[%sub3A_375] : memref<2x!tpu.dma_semaphore, #tpu.memory_space<semaphore_mem>> -> memref<1x!tpu.dma_semaphore, #tpu.memory_space<semaphore_mem>>
        %dma_wait3A_406 = tpu.memref_squeeze %dma_wait3A_405 : memref<1x!tpu.dma_semaphore, #tpu.memory_space<semaphore_mem>> -> memref<!tpu.dma_semaphore, #tpu.memory_space<semaphore_mem>>
        tpu.wait_indirect_dma semaphore(%dma_wait3A_406 : memref<!tpu.dma_semaphore, #tpu.memory_space<semaphore_mem>>) src(%dma_wait3A_398 : memref<400x32xf32, #tpu.memory_space<vmem>>) dst(%dma_wait3A_404 : memref<10240x32xf32, #tpu.memory_space<vmem_shared>>)
      } else {
      }
      %add3A_268 = arith.constant 2 : i32
      %add3A_269 = arith.addi %scan3A_219, %add3A_268 : i32
      %lt3A_270 = arith.constant 25 : i32
      %lt3A_271 = arith.cmpi slt, %add3A_269, %lt3A_270 : i32
      %convert_element_type3A_272 = arith.extui %lt3A_271 : i1 to i32
      %cond3A_273 = arith.constant 0 : i32
      %cond3A_274 = arith.cmpi ne, %convert_element_type3A_272, %cond3A_273 : i32
      scf.if %cond3A_274 {
        %add3A_374 = arith.constant 2 : i32
        %add3A_375 = arith.addi %scan3A_219, %add3A_374 : i32
        %add3A_376 = arith.constant 2 : i32
        %add3A_377 = arith.addi %scan3A_219, %add3A_376 : i32
        %jit3A_378 = arith.constant 3 : i32
        %eq3A_379 = arith.constant 0 : i32
        %eq3A_380 = arith.cmpi eq, %jit3A_378, %eq3A_379 : i32
        %jit3A_381 = arith.constant 1 : i32
        %select_n3A_382 = arith.select %eq3A_380, %jit3A_381, %jit3A_378 : i32
        %rem3A_383 = arith.remsi %add3A_377, %select_n3A_382 : i32
        %ne3A_384 = arith.constant 0 : i32
        %ne3A_385 = arith.cmpi ne, %rem3A_383, %ne3A_384 : i32
        %lt3A_386 = arith.constant 0 : i32
        %lt3A_387 = arith.cmpi slt, %rem3A_383, %lt3A_386 : i32
        %lt3A_388 = arith.constant 0 : i32
        %lt3A_389 = arith.cmpi slt, %select_n3A_382, %lt3A_388 : i32
        %ne3A_390 = arith.xori %lt3A_387, %lt3A_389 : i1
        %and3A_391 = arith.andi %ne3A_390, %ne3A_385 : i1
        %add3A_392 = arith.addi %rem3A_383, %select_n3A_382 : i32
        %select_n3A_393 = arith.select %and3A_391, %add3A_392, %rem3A_383 : i32
        %mul3A_394 = arith.constant 1 : i32
        %mul3A_395 = arith.muli %add3A_375, %mul3A_394 : i32
        %add3A_396 = arith.addi %mul3A_6, %mul3A_395 : i32
        %dma_start3A_397 = arith.constant 0 : i32
        %dma_start3A_398 = arith.constant 0 : i32
        %dma_start3A_399 = arith.constant 0 : i32
        %dma_start3A_400 = tpu.memref_slice %arg9[%select_n3A_393, %dma_start3A_398, %dma_start3A_399] : memref<3x1x400xi32, #tpu.memory_space<vmem>> -> memref<1x1x400xi32, #tpu.memory_space<vmem>>
        %dma_start3A_401 = tpu.memref_squeeze %dma_start3A_400 : memref<1x1x400xi32, #tpu.memory_space<vmem>> -> memref<1x400xi32, #tpu.memory_space<vmem>>
        %dma_start3A_402 = arith.constant 0 : i32
        %dma_start3A_403 = tpu.memref_slice %arg5[%dma_start3A_397, %add3A_396, %dma_start3A_402] : memref<2x800x400xi32, #tpu.memory_space<hbm>> -> memref<1x1x400xi32, #tpu.memory_space<hbm>>
        %dma_start3A_404 = tpu.memref_squeeze %dma_start3A_403 : memref<1x1x400xi32, #tpu.memory_space<hbm>> -> memref<1x400xi32, #tpu.memory_space<hbm>>
        %dma_start3A_405 = tpu.memref_slice %arg15[%select_n3A_393] : memref<3x!tpu.dma_semaphore, #tpu.memory_space<semaphore_mem>> -> memref<1x!tpu.dma_semaphore, #tpu.memory_space<semaphore_mem>>
        %dma_start3A_406 = tpu.memref_squeeze %dma_start3A_405 : memref<1x!tpu.dma_semaphore, #tpu.memory_space<semaphore_mem>> -> memref<!tpu.dma_semaphore, #tpu.memory_space<semaphore_mem>>
        %dma_start3A_407 = arith.constant 0 : i32
        %dma_start3A_408 = arith.constant 0 : i32
        %dma_start3A_409 = tpu.memref_slice %arg9[%select_n3A_393, %dma_start3A_407, %dma_start3A_408] : memref<3x1x400xi32, #tpu.memory_space<vmem>> -> memref<1x1x400xi32, #tpu.memory_space<vmem>>
        %dma_start3A_410 = tpu.memref_squeeze %dma_start3A_409 : memref<1x1x400xi32, #tpu.memory_space<vmem>> -> memref<1x400xi32, #tpu.memory_space<vmem>>
        %dma_start3A_411 = arith.constant 0 : i32
        %dma_start3A_412 = tpu.memref_slice %arg5[%dma_start3A_397, %add3A_396, %dma_start3A_411] : memref<2x800x400xi32, #tpu.memory_space<hbm>> -> memref<1x1x400xi32, #tpu.memory_space<hbm>>
        %dma_start3A_413 = tpu.memref_squeeze %dma_start3A_412 : memref<1x1x400xi32, #tpu.memory_space<hbm>> -> memref<1x400xi32, #tpu.memory_space<hbm>>
        tpu.enqueue_dma source(%dma_start3A_413 : memref<1x400xi32, #tpu.memory_space<hbm>>) target(%dma_start3A_410 : memref<1x400xi32, #tpu.memory_space<vmem>>) target_semaphore(%dma_start3A_406 : memref<!tpu.dma_semaphore, #tpu.memory_space<semaphore_mem>>)
        %dma_start3A_414 = arith.constant 1 : i32
        %dma_start3A_415 = arith.constant 0 : i32
        %dma_start3A_416 = arith.constant 0 : i32
        %dma_start3A_417 = tpu.memref_slice %arg10[%select_n3A_393, %dma_start3A_415, %dma_start3A_416] : memref<3x1x400xi32, #tpu.memory_space<vmem>> -> memref<1x1x400xi32, #tpu.memory_space<vmem>>
        %dma_start3A_418 = tpu.memref_squeeze %dma_start3A_417 : memref<1x1x400xi32, #tpu.memory_space<vmem>> -> memref<1x400xi32, #tpu.memory_space<vmem>>
        %dma_start3A_419 = arith.constant 0 : i32
        %dma_start3A_420 = tpu.memref_slice %arg5[%dma_start3A_414, %add3A_396, %dma_start3A_419] : memref<2x800x400xi32, #tpu.memory_space<hbm>> -> memref<1x1x400xi32, #tpu.memory_space<hbm>>
        %dma_start3A_421 = tpu.memref_squeeze %dma_start3A_420 : memref<1x1x400xi32, #tpu.memory_space<hbm>> -> memref<1x400xi32, #tpu.memory_space<hbm>>
        %dma_start3A_422 = tpu.memref_slice %arg15[%select_n3A_393] : memref<3x!tpu.dma_semaphore, #tpu.memory_space<semaphore_mem>> -> memref<1x!tpu.dma_semaphore, #tpu.memory_space<semaphore_mem>>
        %dma_start3A_423 = tpu.memref_squeeze %dma_start3A_422 : memref<1x!tpu.dma_semaphore, #tpu.memory_space<semaphore_mem>> -> memref<!tpu.dma_semaphore, #tpu.memory_space<semaphore_mem>>
        %dma_start3A_424 = arith.constant 0 : i32
        %dma_start3A_425 = arith.constant 0 : i32
        %dma_start3A_426 = tpu.memref_slice %arg10[%select_n3A_393, %dma_start3A_424, %dma_start3A_425] : memref<3x1x400xi32, #tpu.memory_space<vmem>> -> memref<1x1x400xi32, #tpu.memory_space<vmem>>
        %dma_start3A_427 = tpu.memref_squeeze %dma_start3A_426 : memref<1x1x400xi32, #tpu.memory_space<vmem>> -> memref<1x400xi32, #tpu.memory_space<vmem>>
        %dma_start3A_428 = arith.constant 0 : i32
        %dma_start3A_429 = tpu.memref_slice %arg5[%dma_start3A_414, %add3A_396, %dma_start3A_428] : memref<2x800x400xi32, #tpu.memory_space<hbm>> -> memref<1x1x400xi32, #tpu.memory_space<hbm>>
        %dma_start3A_430 = tpu.memref_squeeze %dma_start3A_429 : memref<1x1x400xi32, #tpu.memory_space<hbm>> -> memref<1x400xi32, #tpu.memory_space<hbm>>
        tpu.enqueue_dma source(%dma_start3A_430 : memref<1x400xi32, #tpu.memory_space<hbm>>) target(%dma_start3A_427 : memref<1x400xi32, #tpu.memory_space<vmem>>) target_semaphore(%dma_start3A_423 : memref<!tpu.dma_semaphore, #tpu.memory_space<semaphore_mem>>)
      } else {
      }
      %add3A_275 = arith.constant 1 : i32
      %add3A_276 = arith.addi %scan3A_219, %add3A_275 : i32
      %lt3A_277 = arith.constant 25 : i32
      %lt3A_278 = arith.cmpi slt, %add3A_276, %lt3A_277 : i32
      %convert_element_type3A_279 = arith.extui %lt3A_278 : i1 to i32
      %cond3A_280 = arith.constant 0 : i32
      %cond3A_281 = arith.cmpi ne, %convert_element_type3A_279, %cond3A_280 : i32
      scf.if %cond3A_281 {
        %add3A_374 = arith.constant 1 : i32
        %add3A_375 = arith.addi %scan3A_219, %add3A_374 : i32
        %add3A_376 = arith.constant 1 : i32
        %add3A_377 = arith.addi %scan3A_219, %add3A_376 : i32
        %jit3A_378 = arith.constant 3 : i32
        %eq3A_379 = arith.constant 0 : i32
        %eq3A_380 = arith.cmpi eq, %jit3A_378, %eq3A_379 : i32
        %jit3A_381 = arith.constant 1 : i32
        %select_n3A_382 = arith.select %eq3A_380, %jit3A_381, %jit3A_378 : i32
        %rem3A_383 = arith.remsi %add3A_377, %select_n3A_382 : i32
        %ne3A_384 = arith.constant 0 : i32
        %ne3A_385 = arith.cmpi ne, %rem3A_383, %ne3A_384 : i32
        %lt3A_386 = arith.constant 0 : i32
        %lt3A_387 = arith.cmpi slt, %rem3A_383, %lt3A_386 : i32
        %lt3A_388 = arith.constant 0 : i32
        %lt3A_389 = arith.cmpi slt, %select_n3A_382, %lt3A_388 : i32
        %ne3A_390 = arith.xori %lt3A_387, %lt3A_389 : i1
        %and3A_391 = arith.andi %ne3A_390, %ne3A_385 : i1
        %add3A_392 = arith.addi %rem3A_383, %select_n3A_382 : i32
        %select_n3A_393 = arith.select %and3A_391, %add3A_392, %rem3A_383 : i32
        %mul3A_394 = arith.constant 1 : i32
        %mul3A_395 = arith.muli %add3A_375, %mul3A_394 : i32
        %add3A_396 = arith.addi %mul3A_6, %mul3A_395 : i32
        %dma_wait3A_397 = arith.constant 0 : i32
        %dma_wait3A_398 = arith.constant 0 : i32
        %dma_wait3A_399 = arith.constant 0 : i32
        %dma_wait3A_400 = tpu.memref_slice %arg9[%select_n3A_393, %dma_wait3A_398, %dma_wait3A_399] : memref<3x1x400xi32, #tpu.memory_space<vmem>> -> memref<1x1x400xi32, #tpu.memory_space<vmem>>
        %dma_wait3A_401 = tpu.memref_squeeze %dma_wait3A_400 : memref<1x1x400xi32, #tpu.memory_space<vmem>> -> memref<1x400xi32, #tpu.memory_space<vmem>>
        %dma_wait3A_402 = arith.constant 0 : i32
        %dma_wait3A_403 = tpu.memref_slice %arg5[%dma_wait3A_397, %add3A_396, %dma_wait3A_402] : memref<2x800x400xi32, #tpu.memory_space<hbm>> -> memref<1x1x400xi32, #tpu.memory_space<hbm>>
        %dma_wait3A_404 = tpu.memref_squeeze %dma_wait3A_403 : memref<1x1x400xi32, #tpu.memory_space<hbm>> -> memref<1x400xi32, #tpu.memory_space<hbm>>
        %dma_wait3A_405 = tpu.memref_slice %arg15[%select_n3A_393] : memref<3x!tpu.dma_semaphore, #tpu.memory_space<semaphore_mem>> -> memref<1x!tpu.dma_semaphore, #tpu.memory_space<semaphore_mem>>
        %dma_wait3A_406 = tpu.memref_squeeze %dma_wait3A_405 : memref<1x!tpu.dma_semaphore, #tpu.memory_space<semaphore_mem>> -> memref<!tpu.dma_semaphore, #tpu.memory_space<semaphore_mem>>
        %dma_wait3A_407 = arith.constant 0 : i32
        %dma_wait3A_408 = arith.constant 0 : i32
        %dma_wait3A_409 = tpu.memref_slice %arg9[%select_n3A_393, %dma_wait3A_407, %dma_wait3A_408] : memref<3x1x400xi32, #tpu.memory_space<vmem>> -> memref<1x1x400xi32, #tpu.memory_space<vmem>>
        %dma_wait3A_410 = tpu.memref_squeeze %dma_wait3A_409 : memref<1x1x400xi32, #tpu.memory_space<vmem>> -> memref<1x400xi32, #tpu.memory_space<vmem>>
        %dma_wait3A_411 = arith.constant 0 : i32
        %dma_wait3A_412 = tpu.memref_slice %arg5[%dma_wait3A_397, %add3A_396, %dma_wait3A_411] : memref<2x800x400xi32, #tpu.memory_space<hbm>> -> memref<1x1x400xi32, #tpu.memory_space<hbm>>
        %dma_wait3A_413 = tpu.memref_squeeze %dma_wait3A_412 : memref<1x1x400xi32, #tpu.memory_space<hbm>> -> memref<1x400xi32, #tpu.memory_space<hbm>>
        tpu.wait_dma2 semaphore(%dma_wait3A_406 : memref<!tpu.dma_semaphore, #tpu.memory_space<semaphore_mem>>) src(%dma_wait3A_413 : memref<1x400xi32, #tpu.memory_space<hbm>>) dst(%dma_wait3A_410 : memref<1x400xi32, #tpu.memory_space<vmem>>)
        %dma_wait3A_414 = arith.constant 1 : i32
        %dma_wait3A_415 = arith.constant 0 : i32
        %dma_wait3A_416 = arith.constant 0 : i32
        %dma_wait3A_417 = tpu.memref_slice %arg10[%select_n3A_393, %dma_wait3A_415, %dma_wait3A_416] : memref<3x1x400xi32, #tpu.memory_space<vmem>> -> memref<1x1x400xi32, #tpu.memory_space<vmem>>
        %dma_wait3A_418 = tpu.memref_squeeze %dma_wait3A_417 : memref<1x1x400xi32, #tpu.memory_space<vmem>> -> memref<1x400xi32, #tpu.memory_space<vmem>>
        %dma_wait3A_419 = arith.constant 0 : i32
        %dma_wait3A_420 = tpu.memref_slice %arg5[%dma_wait3A_414, %add3A_396, %dma_wait3A_419] : memref<2x800x400xi32, #tpu.memory_space<hbm>> -> memref<1x1x400xi32, #tpu.memory_space<hbm>>
        %dma_wait3A_421 = tpu.memref_squeeze %dma_wait3A_420 : memref<1x1x400xi32, #tpu.memory_space<hbm>> -> memref<1x400xi32, #tpu.memory_space<hbm>>
        %dma_wait3A_422 = tpu.memref_slice %arg15[%select_n3A_393] : memref<3x!tpu.dma_semaphore, #tpu.memory_space<semaphore_mem>> -> memref<1x!tpu.dma_semaphore, #tpu.memory_space<semaphore_mem>>
        %dma_wait3A_423 = tpu.memref_squeeze %dma_wait3A_422 : memref<1x!tpu.dma_semaphore, #tpu.memory_space<semaphore_mem>> -> memref<!tpu.dma_semaphore, #tpu.memory_space<semaphore_mem>>
        %dma_wait3A_424 = arith.constant 0 : i32
        %dma_wait3A_425 = arith.constant 0 : i32
        %dma_wait3A_426 = tpu.memref_slice %arg10[%select_n3A_393, %dma_wait3A_424, %dma_wait3A_425] : memref<3x1x400xi32, #tpu.memory_space<vmem>> -> memref<1x1x400xi32, #tpu.memory_space<vmem>>
        %dma_wait3A_427 = tpu.memref_squeeze %dma_wait3A_426 : memref<1x1x400xi32, #tpu.memory_space<vmem>> -> memref<1x400xi32, #tpu.memory_space<vmem>>
        %dma_wait3A_428 = arith.constant 0 : i32
        %dma_wait3A_429 = tpu.memref_slice %arg5[%dma_wait3A_414, %add3A_396, %dma_wait3A_428] : memref<2x800x400xi32, #tpu.memory_space<hbm>> -> memref<1x1x400xi32, #tpu.memory_space<hbm>>
        %dma_wait3A_430 = tpu.memref_squeeze %dma_wait3A_429 : memref<1x1x400xi32, #tpu.memory_space<hbm>> -> memref<1x400xi32, #tpu.memory_space<hbm>>
        tpu.wait_dma2 semaphore(%dma_wait3A_423 : memref<!tpu.dma_semaphore, #tpu.memory_space<semaphore_mem>>) src(%dma_wait3A_430 : memref<1x400xi32, #tpu.memory_space<hbm>>) dst(%dma_wait3A_427 : memref<1x400xi32, #tpu.memory_space<vmem>>)
        %add3A_431 = arith.constant 1 : i32
        %add3A_432 = arith.addi %scan3A_219, %add3A_431 : i32
        %add3A_433 = arith.constant 1 : i32
        %add3A_434 = arith.addi %scan3A_219, %add3A_433 : i32
        %jit3A_435 = arith.constant 2 : i32
        %eq3A_436 = arith.constant 0 : i32
        %eq3A_437 = arith.cmpi eq, %jit3A_435, %eq3A_436 : i32
        %jit3A_438 = arith.constant 1 : i32
        %select_n3A_439 = arith.select %eq3A_437, %jit3A_438, %jit3A_435 : i32
        %rem3A_440 = arith.remsi %add3A_434, %select_n3A_439 : i32
        %ne3A_441 = arith.constant 0 : i32
        %ne3A_442 = arith.cmpi ne, %rem3A_440, %ne3A_441 : i32
        %lt3A_443 = arith.constant 0 : i32
        %lt3A_444 = arith.cmpi slt, %rem3A_440, %lt3A_443 : i32
        %lt3A_445 = arith.constant 0 : i32
        %lt3A_446 = arith.cmpi slt, %select_n3A_439, %lt3A_445 : i32
        %ne3A_447 = arith.xori %lt3A_444, %lt3A_446 : i1
        %and3A_448 = arith.andi %ne3A_447, %ne3A_442 : i1
        %add3A_449 = arith.addi %rem3A_440, %select_n3A_439 : i32
        %select_n3A_450 = arith.select %and3A_448, %add3A_449, %rem3A_440 : i32
        %add3A_451 = arith.constant 1 : i32
        %add3A_452 = arith.addi %scan3A_219, %add3A_451 : i32
        %jit3A_453 = arith.constant 3 : i32
        %eq3A_454 = arith.constant 0 : i32
        %eq3A_455 = arith.cmpi eq, %jit3A_453, %eq3A_454 : i32
        %jit3A_456 = arith.constant 1 : i32
        %select_n3A_457 = arith.select %eq3A_455, %jit3A_456, %jit3A_453 : i32
        %rem3A_458 = arith.remsi %add3A_452, %select_n3A_457 : i32
        %ne3A_459 = arith.constant 0 : i32
        %ne3A_460 = arith.cmpi ne, %rem3A_458, %ne3A_459 : i32
        %lt3A_461 = arith.constant 0 : i32
        %lt3A_462 = arith.cmpi slt, %rem3A_458, %lt3A_461 : i32
        %lt3A_463 = arith.constant 0 : i32
        %lt3A_464 = arith.cmpi slt, %select_n3A_457, %lt3A_463 : i32
        %ne3A_465 = arith.xori %lt3A_462, %lt3A_464 : i1
        %and3A_466 = arith.andi %ne3A_465, %ne3A_460 : i1
        %add3A_467 = arith.addi %rem3A_458, %select_n3A_457 : i32
        %select_n3A_468 = arith.select %and3A_466, %add3A_467, %rem3A_458 : i32
        %mul3A_469 = arith.constant 400 : i32
        %mul3A_470 = arith.muli %add3A_432, %mul3A_469 : i32
        %add3A_471 = arith.addi %mul3A_8, %mul3A_470 : i32
        %jit3A_472 = arith.constant 8 : i32
        %div3A_473 = arith.divsi %add3A_471, %jit3A_472 : i32
        %sign3A_474 = arith.constant 0 : i32
        %sign3A_475 = arith.cmpi sgt, %add3A_471, %sign3A_474 : i32
        %sign3A_476 = arith.extui %sign3A_475 : i1 to i32
        %sign3A_477 = arith.constant 0 : i32
        %sign3A_478 = arith.cmpi slt, %add3A_471, %sign3A_477 : i32
        %sign3A_479 = arith.extui %sign3A_478 : i1 to i32
        %sign3A_480 = arith.subi %sign3A_476, %sign3A_479 : i32
        %sign3A_481 = arith.constant 0 : i32
        %sign3A_482 = arith.cmpi sgt, %jit3A_472, %sign3A_481 : i32
        %sign3A_483 = arith.extui %sign3A_482 : i1 to i32
        %sign3A_484 = arith.constant 0 : i32
        %sign3A_485 = arith.cmpi slt, %jit3A_472, %sign3A_484 : i32
        %sign3A_486 = arith.extui %sign3A_485 : i1 to i32
        %sign3A_487 = arith.subi %sign3A_483, %sign3A_486 : i32
        %ne3A_488 = arith.cmpi ne, %sign3A_480, %sign3A_487 : i32
        %rem3A_489 = arith.remsi %add3A_471, %jit3A_472 : i32
        %ne3A_490 = arith.constant 0 : i32
        %ne3A_491 = arith.cmpi ne, %rem3A_489, %ne3A_490 : i32
        %and3A_492 = arith.andi %ne3A_488, %ne3A_491 : i1
        %sub3A_493 = arith.constant 1 : i32
        %sub3A_494 = arith.subi %div3A_473, %sub3A_493 : i32
        %select_n3A_495 = arith.select %and3A_492, %sub3A_494, %div3A_473 : i32
        %dma_start3A_496 = arith.constant 0 : i32
        %dma_start3A_497 = arith.constant 0 : i32
        %dma_start3A_498 = tpu.memref_slice %arg13[%select_n3A_450, %dma_start3A_496, %dma_start3A_497] : memref<2x50x128xf32, #tpu.memory_space<vmem>> -> memref<1x50x128xf32, #tpu.memory_space<vmem>>
        %dma_start3A_499 = tpu.memref_squeeze %dma_start3A_498 : memref<1x50x128xf32, #tpu.memory_space<vmem>> -> memref<50x128xf32, #tpu.memory_space<vmem>>
        %dma_start3A_500 = arith.constant 0 : i32
        %dma_start3A_501 = tpu.memref_slice %arg4[%select_n3A_495, %dma_start3A_500] : memref<40000x128xf32, #tpu.memory_space<hbm>> -> memref<50x128xf32, #tpu.memory_space<hbm>>
        %dma_start3A_502 = tpu.memref_slice %arg16[%select_n3A_450] : memref<2x!tpu.dma_semaphore, #tpu.memory_space<semaphore_mem>> -> memref<1x!tpu.dma_semaphore, #tpu.memory_space<semaphore_mem>>
        %dma_start3A_503 = tpu.memref_squeeze %dma_start3A_502 : memref<1x!tpu.dma_semaphore, #tpu.memory_space<semaphore_mem>> -> memref<!tpu.dma_semaphore, #tpu.memory_space<semaphore_mem>>
        %dma_start3A_504 = arith.constant 0 : i32
        %dma_start3A_505 = arith.constant 0 : i32
        %dma_start3A_506 = tpu.memref_slice %arg13[%select_n3A_450, %dma_start3A_504, %dma_start3A_505] : memref<2x50x128xf32, #tpu.memory_space<vmem>> -> memref<1x50x128xf32, #tpu.memory_space<vmem>>
        %dma_start3A_507 = tpu.memref_squeeze %dma_start3A_506 : memref<1x50x128xf32, #tpu.memory_space<vmem>> -> memref<50x128xf32, #tpu.memory_space<vmem>>
        %dma_start3A_508 = arith.constant 0 : i32
        %dma_start3A_509 = tpu.memref_slice %arg4[%select_n3A_495, %dma_start3A_508] : memref<40000x128xf32, #tpu.memory_space<hbm>> -> memref<50x128xf32, #tpu.memory_space<hbm>>
        tpu.enqueue_dma source(%dma_start3A_509 : memref<50x128xf32, #tpu.memory_space<hbm>>) target(%dma_start3A_507 : memref<50x128xf32, #tpu.memory_space<vmem>>) target_semaphore(%dma_start3A_503 : memref<!tpu.dma_semaphore, #tpu.memory_space<semaphore_mem>>)
        %dma_start3A_510 = arith.constant 0 : i32
        %dma_start3A_511 = arith.constant 0 : i32
        %dma_start3A_512 = arith.constant 0 : i32
        %dma_start3A_513 = tpu.memref_slice %arg11[%select_n3A_450, %dma_start3A_511, %dma_start3A_512] : memref<2x400x32xbf16, #tpu.memory_space<vmem>> -> memref<1x400x32xbf16, #tpu.memory_space<vmem>>
        %dma_start3A_514 = tpu.memref_squeeze %dma_start3A_513 : memref<1x400x32xbf16, #tpu.memory_space<vmem>> -> memref<400x32xbf16, #tpu.memory_space<vmem>>
        %dma_start3A_515 = arith.constant 0 : i32
        %dma_start3A_516 = tpu.memref_slice %arg9[%select_n3A_468, %dma_start3A_510, %dma_start3A_515] : memref<3x1x400xi32, #tpu.memory_space<vmem>> -> memref<1x1x400xi32, #tpu.memory_space<vmem>>
        %dma_start3A_517 = tpu.memref_squeeze %dma_start3A_516 : memref<1x1x400xi32, #tpu.memory_space<vmem>> -> memref<400xi32, #tpu.memory_space<vmem>>
        %dma_start3A_518 = arith.constant 0 : i32
        %dma_start3A_519 = arith.constant 0 : i32
        %dma_start3A_520 = tpu.memref_slice %arg2[%dma_start3A_518, %dma_start3A_519] : memref<10000x32xbf16, #tpu.memory_space<hbm>> -> memref<10000x32xbf16, #tpu.memory_space<hbm>>
        %dma_start3A_521 = tpu.memref_slice %arg16[%select_n3A_450] : memref<2x!tpu.dma_semaphore, #tpu.memory_space<semaphore_mem>> -> memref<1x!tpu.dma_semaphore, #tpu.memory_space<semaphore_mem>>
        %dma_start3A_522 = tpu.memref_squeeze %dma_start3A_521 : memref<1x!tpu.dma_semaphore, #tpu.memory_space<semaphore_mem>> -> memref<!tpu.dma_semaphore, #tpu.memory_space<semaphore_mem>>
        tpu.enqueue_indirect_dma source(%dma_start3A_520 : memref<10000x32xbf16, #tpu.memory_space<hbm>>) target(%dma_start3A_514 : memref<400x32xbf16, #tpu.memory_space<vmem>>) offsets(%dma_start3A_517 : memref<400xi32, #tpu.memory_space<vmem>>) semaphore(%dma_start3A_522 : memref<!tpu.dma_semaphore, #tpu.memory_space<semaphore_mem>>)
        %dma_start3A_523 = arith.constant 0 : i32
        %dma_start3A_524 = arith.constant 0 : i32
        %dma_start3A_525 = arith.constant 0 : i32
        %dma_start3A_526 = tpu.memref_slice %arg12[%select_n3A_450, %dma_start3A_524, %dma_start3A_525] : memref<2x400x32xbf16, #tpu.memory_space<vmem>> -> memref<1x400x32xbf16, #tpu.memory_space<vmem>>
        %dma_start3A_527 = tpu.memref_squeeze %dma_start3A_526 : memref<1x400x32xbf16, #tpu.memory_space<vmem>> -> memref<400x32xbf16, #tpu.memory_space<vmem>>
        %dma_start3A_528 = arith.constant 0 : i32
        %dma_start3A_529 = tpu.memref_slice %arg10[%select_n3A_468, %dma_start3A_523, %dma_start3A_528] : memref<3x1x400xi32, #tpu.memory_space<vmem>> -> memref<1x1x400xi32, #tpu.memory_space<vmem>>
        %dma_start3A_530 = tpu.memref_squeeze %dma_start3A_529 : memref<1x1x400xi32, #tpu.memory_space<vmem>> -> memref<400xi32, #tpu.memory_space<vmem>>
        %dma_start3A_531 = arith.constant 0 : i32
        %dma_start3A_532 = arith.constant 0 : i32
        %dma_start3A_533 = tpu.memref_slice %arg3[%dma_start3A_531, %dma_start3A_532] : memref<10000x32xbf16, #tpu.memory_space<hbm>> -> memref<10000x32xbf16, #tpu.memory_space<hbm>>
        %dma_start3A_534 = tpu.memref_slice %arg16[%select_n3A_450] : memref<2x!tpu.dma_semaphore, #tpu.memory_space<semaphore_mem>> -> memref<1x!tpu.dma_semaphore, #tpu.memory_space<semaphore_mem>>
        %dma_start3A_535 = tpu.memref_squeeze %dma_start3A_534 : memref<1x!tpu.dma_semaphore, #tpu.memory_space<semaphore_mem>> -> memref<!tpu.dma_semaphore, #tpu.memory_space<semaphore_mem>>
        tpu.enqueue_indirect_dma source(%dma_start3A_533 : memref<10000x32xbf16, #tpu.memory_space<hbm>>) target(%dma_start3A_527 : memref<400x32xbf16, #tpu.memory_space<vmem>>) offsets(%dma_start3A_530 : memref<400xi32, #tpu.memory_space<vmem>>) semaphore(%dma_start3A_535 : memref<!tpu.dma_semaphore, #tpu.memory_space<semaphore_mem>>)
      } else {
      }
      %mul3A_282 = arith.constant 400 : i32
      %mul3A_283 = arith.muli %scan3A_219, %mul3A_282 : i32
      %add3A_284 = arith.addi %mul3A_8, %mul3A_283 : i32
      %jit3A_285 = arith.constant 8 : i32
      %div3A_286 = arith.divsi %add3A_284, %jit3A_285 : i32
      %sign3A_287 = arith.constant 0 : i32
      %sign3A_288 = arith.cmpi sgt, %add3A_284, %sign3A_287 : i32
      %sign3A_289 = arith.extui %sign3A_288 : i1 to i32
      %sign3A_290 = arith.constant 0 : i32
      %sign3A_291 = arith.cmpi slt, %add3A_284, %sign3A_290 : i32
      %sign3A_292 = arith.extui %sign3A_291 : i1 to i32
      %sign3A_293 = arith.subi %sign3A_289, %sign3A_292 : i32
      %sign3A_294 = arith.constant 0 : i32
      %sign3A_295 = arith.cmpi sgt, %jit3A_285, %sign3A_294 : i32
      %sign3A_296 = arith.extui %sign3A_295 : i1 to i32
      %sign3A_297 = arith.constant 0 : i32
      %sign3A_298 = arith.cmpi slt, %jit3A_285, %sign3A_297 : i32
      %sign3A_299 = arith.extui %sign3A_298 : i1 to i32
      %sign3A_300 = arith.subi %sign3A_296, %sign3A_299 : i32
      %ne3A_301 = arith.cmpi ne, %sign3A_293, %sign3A_300 : i32
      %rem3A_302 = arith.remsi %add3A_284, %jit3A_285 : i32
      %ne3A_303 = arith.constant 0 : i32
      %ne3A_304 = arith.cmpi ne, %rem3A_302, %ne3A_303 : i32
      %and3A_305 = arith.andi %ne3A_301, %ne3A_304 : i1
      %sub3A_306 = arith.constant 1 : i32
      %sub3A_307 = arith.subi %div3A_286, %sub3A_306 : i32
      %select_n3A_308 = arith.select %and3A_305, %sub3A_307, %div3A_286 : i32
      %dma_wait3A_309 = arith.constant 0 : i32
      %dma_wait3A_310 = arith.constant 0 : i32
      %dma_wait3A_311 = tpu.memref_slice %arg13[%select_n3A_233, %dma_wait3A_309, %dma_wait3A_310] : memref<2x50x128xf32, #tpu.memory_space<vmem>> -> memref<1x50x128xf32, #tpu.memory_space<vmem>>
      %dma_wait3A_312 = tpu.memref_squeeze %dma_wait3A_311 : memref<1x50x128xf32, #tpu.memory_space<vmem>> -> memref<50x128xf32, #tpu.memory_space<vmem>>
      %dma_wait3A_313 = arith.constant 0 : i32
      %dma_wait3A_314 = tpu.memref_slice %arg4[%select_n3A_308, %dma_wait3A_313] : memref<40000x128xf32, #tpu.memory_space<hbm>> -> memref<50x128xf32, #tpu.memory_space<hbm>>
      %dma_wait3A_315 = tpu.memref_slice %arg16[%select_n3A_233] : memref<2x!tpu.dma_semaphore, #tpu.memory_space<semaphore_mem>> -> memref<1x!tpu.dma_semaphore, #tpu.memory_space<semaphore_mem>>
      %dma_wait3A_316 = tpu.memref_squeeze %dma_wait3A_315 : memref<1x!tpu.dma_semaphore, #tpu.memory_space<semaphore_mem>> -> memref<!tpu.dma_semaphore, #tpu.memory_space<semaphore_mem>>
      %dma_wait3A_317 = arith.constant 0 : i32
      %dma_wait3A_318 = arith.constant 0 : i32
      %dma_wait3A_319 = tpu.memref_slice %arg13[%select_n3A_233, %dma_wait3A_317, %dma_wait3A_318] : memref<2x50x128xf32, #tpu.memory_space<vmem>> -> memref<1x50x128xf32, #tpu.memory_space<vmem>>
      %dma_wait3A_320 = tpu.memref_squeeze %dma_wait3A_319 : memref<1x50x128xf32, #tpu.memory_space<vmem>> -> memref<50x128xf32, #tpu.memory_space<vmem>>
      %dma_wait3A_321 = arith.constant 0 : i32
      %dma_wait3A_322 = tpu.memref_slice %arg4[%select_n3A_308, %dma_wait3A_321] : memref<40000x128xf32, #tpu.memory_space<hbm>> -> memref<50x128xf32, #tpu.memory_space<hbm>>
      tpu.wait_dma2 semaphore(%dma_wait3A_316 : memref<!tpu.dma_semaphore, #tpu.memory_space<semaphore_mem>>) src(%dma_wait3A_322 : memref<50x128xf32, #tpu.memory_space<hbm>>) dst(%dma_wait3A_320 : memref<50x128xf32, #tpu.memory_space<vmem>>)
      %dma_wait3A_323 = arith.constant 0 : i32
      %dma_wait3A_324 = arith.constant 0 : i32
      %dma_wait3A_325 = tpu.memref_slice %arg11[%select_n3A_233, %dma_wait3A_323, %dma_wait3A_324] : memref<2x400x32xbf16, #tpu.memory_space<vmem>> -> memref<1x400x32xbf16, #tpu.memory_space<vmem>>
      %dma_wait3A_326 = tpu.memref_squeeze %dma_wait3A_325 : memref<1x400x32xbf16, #tpu.memory_space<vmem>> -> memref<400x32xbf16, #tpu.memory_space<vmem>>
      %dma_wait3A_327 = arith.constant 0 : i32
      %dma_wait3A_328 = arith.constant 0 : i32
      %dma_wait3A_329 = tpu.memref_slice %arg2[%dma_wait3A_327, %dma_wait3A_328] : memref<10000x32xbf16, #tpu.memory_space<hbm>> -> memref<400x32xbf16, #tpu.memory_space<hbm>>
      %dma_wait3A_330 = tpu.memref_slice %arg16[%select_n3A_233] : memref<2x!tpu.dma_semaphore, #tpu.memory_space<semaphore_mem>> -> memref<1x!tpu.dma_semaphore, #tpu.memory_space<semaphore_mem>>
      %dma_wait3A_331 = tpu.memref_squeeze %dma_wait3A_330 : memref<1x!tpu.dma_semaphore, #tpu.memory_space<semaphore_mem>> -> memref<!tpu.dma_semaphore, #tpu.memory_space<semaphore_mem>>
      %dma_wait3A_332 = arith.constant 0 : i32
      %dma_wait3A_333 = arith.constant 0 : i32
      %dma_wait3A_334 = tpu.memref_slice %arg11[%select_n3A_233, %dma_wait3A_332, %dma_wait3A_333] : memref<2x400x32xbf16, #tpu.memory_space<vmem>> -> memref<1x400x32xbf16, #tpu.memory_space<vmem>>
      %dma_wait3A_335 = tpu.memref_squeeze %dma_wait3A_334 : memref<1x400x32xbf16, #tpu.memory_space<vmem>> -> memref<400x32xbf16, #tpu.memory_space<vmem>>
      %dma_wait3A_336 = arith.constant 0 : i32
      %dma_wait3A_337 = arith.constant 0 : i32
      %dma_wait3A_338 = tpu.memref_slice %arg2[%dma_wait3A_336, %dma_wait3A_337] : memref<10000x32xbf16, #tpu.memory_space<hbm>> -> memref<400x32xbf16, #tpu.memory_space<hbm>>
      tpu.wait_dma2 semaphore(%dma_wait3A_331 : memref<!tpu.dma_semaphore, #tpu.memory_space<semaphore_mem>>) src(%dma_wait3A_338 : memref<400x32xbf16, #tpu.memory_space<hbm>>) dst(%dma_wait3A_335 : memref<400x32xbf16, #tpu.memory_space<vmem>>)
      %dma_wait3A_339 = arith.constant 0 : i32
      %dma_wait3A_340 = arith.constant 0 : i32
      %dma_wait3A_341 = tpu.memref_slice %arg12[%select_n3A_233, %dma_wait3A_339, %dma_wait3A_340] : memref<2x400x32xbf16, #tpu.memory_space<vmem>> -> memref<1x400x32xbf16, #tpu.memory_space<vmem>>
      %dma_wait3A_342 = tpu.memref_squeeze %dma_wait3A_341 : memref<1x400x32xbf16, #tpu.memory_space<vmem>> -> memref<400x32xbf16, #tpu.memory_space<vmem>>
      %dma_wait3A_343 = arith.constant 0 : i32
      %dma_wait3A_344 = arith.constant 0 : i32
      %dma_wait3A_345 = tpu.memref_slice %arg3[%dma_wait3A_343, %dma_wait3A_344] : memref<10000x32xbf16, #tpu.memory_space<hbm>> -> memref<400x32xbf16, #tpu.memory_space<hbm>>
      %dma_wait3A_346 = tpu.memref_slice %arg16[%select_n3A_233] : memref<2x!tpu.dma_semaphore, #tpu.memory_space<semaphore_mem>> -> memref<1x!tpu.dma_semaphore, #tpu.memory_space<semaphore_mem>>
      %dma_wait3A_347 = tpu.memref_squeeze %dma_wait3A_346 : memref<1x!tpu.dma_semaphore, #tpu.memory_space<semaphore_mem>> -> memref<!tpu.dma_semaphore, #tpu.memory_space<semaphore_mem>>
      %dma_wait3A_348 = arith.constant 0 : i32
      %dma_wait3A_349 = arith.constant 0 : i32
      %dma_wait3A_350 = tpu.memref_slice %arg12[%select_n3A_233, %dma_wait3A_348, %dma_wait3A_349] : memref<2x400x32xbf16, #tpu.memory_space<vmem>> -> memref<1x400x32xbf16, #tpu.memory_space<vmem>>
      %dma_wait3A_351 = tpu.memref_squeeze %dma_wait3A_350 : memref<1x400x32xbf16, #tpu.memory_space<vmem>> -> memref<400x32xbf16, #tpu.memory_space<vmem>>
      %dma_wait3A_352 = arith.constant 0 : i32
      %dma_wait3A_353 = arith.constant 0 : i32
      %dma_wait3A_354 = tpu.memref_slice %arg3[%dma_wait3A_352, %dma_wait3A_353] : memref<10000x32xbf16, #tpu.memory_space<hbm>> -> memref<400x32xbf16, #tpu.memory_space<hbm>>
      tpu.wait_dma2 semaphore(%dma_wait3A_347 : memref<!tpu.dma_semaphore, #tpu.memory_space<semaphore_mem>>) src(%dma_wait3A_354 : memref<400x32xbf16, #tpu.memory_space<hbm>>) dst(%dma_wait3A_351 : memref<400x32xbf16, #tpu.memory_space<vmem>>)
      %scan3A_355 = arith.constant 0 : i32
      %scan3A_356 = arith.constant 0 : i32
      %scan3A_357 = arith.constant 100 : i32
      %scan3A_358 = arith.addi %scan3A_356, %scan3A_357 : i32
      %scan3A_359 = arith.constant 1 : i32
      scf.for %scan3A_374 = %scan3A_356 to %scan3A_358 step %scan3A_359  : i32 {
        %mul3A_375 = arith.constant 4 : i32
        %mul3A_376 = arith.muli %scan3A_374, %mul3A_375 : i32
        %add3A_377 = arith.constant 0 : i32
        %add3A_378 = arith.addi %mul3A_376, %add3A_377 : i32
        %shift_right_arithmetic3A = arith.constant 3 : i32
        %shift_right_arithmetic3A_379 = arith.shrsi %add3A_378, %shift_right_arithmetic3A : i32
        %and3A_380 = arith.constant 7 : i32
        %and3A_381 = arith.andi %add3A_378, %and3A_380 : i32
        %mul3A_382 = arith.constant 16 : i32
        %mul3A_383 = arith.muli %and3A_381, %mul3A_382 : i32
        %get3A = arith.index_cast %select_n3A_233 : i32 to index
        %get3A_384 = arith.index_cast %add3A_378 : i32 to index
        %get3A_385 = arith.constant 0 : index
        %get3A_386 = tpu.vector_load %arg11[%get3A, %get3A_384, %get3A_385] {strides = array<i32>} : memref<2x400x32xbf16, #tpu.memory_space<vmem>>, vector<32xbf16>,
        %unpack3A = tpu.unpack_subelements %get3A_386, 0 {pack_format = #tpu.pack_format<interleaved>} : vector<32xbf16> -> vector<16xf32>
        %unpack3A_387 = tpu.unpack_subelements %get3A_386, 1 {pack_format = #tpu.pack_format<interleaved>} : vector<32xbf16> -> vector<16xf32>
        %get3A_388 = arith.index_cast %select_n3A_233 : i32 to index
        %get3A_389 = arith.index_cast %add3A_378 : i32 to index
        %get3A_390 = arith.constant 0 : index
        %get3A_391 = tpu.vector_load %arg12[%get3A_388, %get3A_389, %get3A_390] {strides = array<i32>} : memref<2x400x32xbf16, #tpu.memory_space<vmem>>, vector<32xbf16>,
        %unpack3A_392 = tpu.unpack_subelements %get3A_391, 0 {pack_format = #tpu.pack_format<interleaved>} : vector<32xbf16> -> vector<16xf32>
        %unpack3A_393 = tpu.unpack_subelements %get3A_391, 1 {pack_format = #tpu.pack_format<interleaved>} : vector<32xbf16> -> vector<16xf32>
        %get3A_394 = arith.index_cast %select_n3A_233 : i32 to index
        %get3A_395 = arith.index_cast %shift_right_arithmetic3A_379 : i32 to index
        %get3A_396 = arith.index_cast %mul3A_383 : i32 to index
        %get3A_397 = tpu.vector_load %arg13[%get3A_394, %get3A_395, %get3A_396] {strides = array<i32>} : memref<2x50x128xf32, #tpu.memory_space<vmem>>, vector<16xf32>,
        %bitcast3A = vector.bitcast %get3A_397 : vector<16xf32> to vector<32xbf16>
        %unpack3A_398 = tpu.unpack_subelements %bitcast3A, 0 {pack_format = #tpu.pack_format<interleaved>} : vector<32xbf16> -> vector<16xf32>
        %unpack3A_399 = tpu.unpack_subelements %bitcast3A, 1 {pack_format = #tpu.pack_format<interleaved>} : vector<32xbf16> -> vector<16xf32>
        %add3A_400 = arith.addf %unpack3A, %unpack3A_392 : vector<16xf32>
        %add3A_401 = arith.addf %add3A_400, %unpack3A_398 : vector<16xf32>
        %max3A = arith.constant 0.000000e+00 : f32
        %max3A_402 = vector.broadcast %max3A : f32 to vector<16xf32>
        %max3A_403 = arith.maximumf %add3A_401, %max3A_402 : vector<16xf32>
        %swap3A = arith.index_cast %select_n3A_249 : i32 to index
        %swap3A_404 = arith.index_cast %add3A_378 : i32 to index
        %swap3A_405 = arith.constant 0 : index
        %swap3A_406 = tpu.vector_load %arg14[%swap3A, %swap3A_404, %swap3A_405] {strides = array<i32>} : memref<2x400x32xf32, #tpu.memory_space<vmem>>, vector<16xf32>,
        tpu.vector_store %arg14[%swap3A, %swap3A_404, %swap3A_405], %max3A_403 {strides = array<i32>} : memref<2x400x32xf32, #tpu.memory_space<vmem>>, vector<16xf32>,
        %add3A_407 = arith.addf %unpack3A_387, %unpack3A_393 : vector<16xf32>
        %add3A_408 = arith.addf %add3A_407, %unpack3A_399 : vector<16xf32>
        %max3A_409 = arith.constant 0.000000e+00 : f32
        %max3A_410 = vector.broadcast %max3A_409 : f32 to vector<16xf32>
        %max3A_411 = arith.maximumf %add3A_408, %max3A_410 : vector<16xf32>
        %swap3A_412 = arith.index_cast %select_n3A_249 : i32 to index
        %swap3A_413 = arith.index_cast %add3A_378 : i32 to index
        %swap3A_414 = arith.constant 16 : index
        %swap3A_415 = tpu.vector_load %arg14[%swap3A_412, %swap3A_413, %swap3A_414] {strides = array<i32>} : memref<2x400x32xf32, #tpu.memory_space<vmem>>, vector<16xf32>,
        tpu.vector_store %arg14[%swap3A_412, %swap3A_413, %swap3A_414], %max3A_411 {strides = array<i32>} : memref<2x400x32xf32, #tpu.memory_space<vmem>>, vector<16xf32>,
        %mul3A_416 = arith.constant 4 : i32
        %mul3A_417 = arith.muli %scan3A_374, %mul3A_416 : i32
        %add3A_418 = arith.constant 1 : i32
        %add3A_419 = arith.addi %mul3A_417, %add3A_418 : i32
        %shift_right_arithmetic3A_420 = arith.constant 3 : i32
        %shift_right_arithmetic3A_421 = arith.shrsi %add3A_419, %shift_right_arithmetic3A_420 : i32
        %and3A_422 = arith.constant 7 : i32
        %and3A_423 = arith.andi %add3A_419, %and3A_422 : i32
        %mul3A_424 = arith.constant 16 : i32
        %mul3A_425 = arith.muli %and3A_423, %mul3A_424 : i32
        %get3A_426 = arith.index_cast %select_n3A_233 : i32 to index
        %get3A_427 = arith.index_cast %add3A_419 : i32 to index
        %get3A_428 = arith.constant 0 : index
        %get3A_429 = tpu.vector_load %arg11[%get3A_426, %get3A_427, %get3A_428] {strides = array<i32>} : memref<2x400x32xbf16, #tpu.memory_space<vmem>>, vector<32xbf16>,
        %unpack3A_430 = tpu.unpack_subelements %get3A_429, 0 {pack_format = #tpu.pack_format<interleaved>} : vector<32xbf16> -> vector<16xf32>
        %unpack3A_431 = tpu.unpack_subelements %get3A_429, 1 {pack_format = #tpu.pack_format<interleaved>} : vector<32xbf16> -> vector<16xf32>
        %get3A_432 = arith.index_cast %select_n3A_233 : i32 to index
        %get3A_433 = arith.index_cast %add3A_419 : i32 to index
        %get3A_434 = arith.constant 0 : index
        %get3A_435 = tpu.vector_load %arg12[%get3A_432, %get3A_433, %get3A_434] {strides = array<i32>} : memref<2x400x32xbf16, #tpu.memory_space<vmem>>, vector<32xbf16>,
        %unpack3A_436 = tpu.unpack_subelements %get3A_435, 0 {pack_format = #tpu.pack_format<interleaved>} : vector<32xbf16> -> vector<16xf32>
        %unpack3A_437 = tpu.unpack_subelements %get3A_435, 1 {pack_format = #tpu.pack_format<interleaved>} : vector<32xbf16> -> vector<16xf32>
        %get3A_438 = arith.index_cast %select_n3A_233 : i32 to index
        %get3A_439 = arith.index_cast %shift_right_arithmetic3A_421 : i32 to index
        %get3A_440 = arith.index_cast %mul3A_425 : i32 to index
        %get3A_441 = tpu.vector_load %arg13[%get3A_438, %get3A_439, %get3A_440] {strides = array<i32>} : memref<2x50x128xf32, #tpu.memory_space<vmem>>, vector<16xf32>,
        %bitcast3A_442 = vector.bitcast %get3A_441 : vector<16xf32> to vector<32xbf16>
        %unpack3A_443 = tpu.unpack_subelements %bitcast3A_442, 0 {pack_format = #tpu.pack_format<interleaved>} : vector<32xbf16> -> vector<16xf32>
        %unpack3A_444 = tpu.unpack_subelements %bitcast3A_442, 1 {pack_format = #tpu.pack_format<interleaved>} : vector<32xbf16> -> vector<16xf32>
        %add3A_445 = arith.addf %unpack3A_430, %unpack3A_436 : vector<16xf32>
        %add3A_446 = arith.addf %add3A_445, %unpack3A_443 : vector<16xf32>
        %max3A_447 = arith.constant 0.000000e+00 : f32
        %max3A_448 = vector.broadcast %max3A_447 : f32 to vector<16xf32>
        %max3A_449 = arith.maximumf %add3A_446, %max3A_448 : vector<16xf32>
        %swap3A_450 = arith.index_cast %select_n3A_249 : i32 to index
        %swap3A_451 = arith.index_cast %add3A_419 : i32 to index
        %swap3A_452 = arith.constant 0 : index
        %swap3A_453 = tpu.vector_load %arg14[%swap3A_450, %swap3A_451, %swap3A_452] {strides = array<i32>} : memref<2x400x32xf32, #tpu.memory_space<vmem>>, vector<16xf32>,
        tpu.vector_store %arg14[%swap3A_450, %swap3A_451, %swap3A_452], %max3A_449 {strides = array<i32>} : memref<2x400x32xf32, #tpu.memory_space<vmem>>, vector<16xf32>,
        %add3A_454 = arith.addf %unpack3A_431, %unpack3A_437 : vector<16xf32>
        %add3A_455 = arith.addf %add3A_454, %unpack3A_444 : vector<16xf32>
        %max3A_456 = arith.constant 0.000000e+00 : f32
        %max3A_457 = vector.broadcast %max3A_456 : f32 to vector<16xf32>
        %max3A_458 = arith.maximumf %add3A_455, %max3A_457 : vector<16xf32>
        %swap3A_459 = arith.index_cast %select_n3A_249 : i32 to index
        %swap3A_460 = arith.index_cast %add3A_419 : i32 to index
        %swap3A_461 = arith.constant 16 : index
        %swap3A_462 = tpu.vector_load %arg14[%swap3A_459, %swap3A_460, %swap3A_461] {strides = array<i32>} : memref<2x400x32xf32, #tpu.memory_space<vmem>>, vector<16xf32>,
        tpu.vector_store %arg14[%swap3A_459, %swap3A_460, %swap3A_461], %max3A_458 {strides = array<i32>} : memref<2x400x32xf32, #tpu.memory_space<vmem>>, vector<16xf32>,
        %mul3A_463 = arith.constant 4 : i32
        %mul3A_464 = arith.muli %scan3A_374, %mul3A_463 : i32
        %add3A_465 = arith.constant 2 : i32
        %add3A_466 = arith.addi %mul3A_464, %add3A_465 : i32
        %shift_right_arithmetic3A_467 = arith.constant 3 : i32
        %shift_right_arithmetic3A_468 = arith.shrsi %add3A_466, %shift_right_arithmetic3A_467 : i32
        %and3A_469 = arith.constant 7 : i32
        %and3A_470 = arith.andi %add3A_466, %and3A_469 : i32
        %mul3A_471 = arith.constant 16 : i32
        %mul3A_472 = arith.muli %and3A_470, %mul3A_471 : i32
        %get3A_473 = arith.index_cast %select_n3A_233 : i32 to index
        %get3A_474 = arith.index_cast %add3A_466 : i32 to index
        %get3A_475 = arith.constant 0 : index
        %get3A_476 = tpu.vector_load %arg11[%get3A_473, %get3A_474, %get3A_475] {strides = array<i32>} : memref<2x400x32xbf16, #tpu.memory_space<vmem>>, vector<32xbf16>,
        %unpack3A_477 = tpu.unpack_subelements %get3A_476, 0 {pack_format = #tpu.pack_format<interleaved>} : vector<32xbf16> -> vector<16xf32>
        %unpack3A_478 = tpu.unpack_subelements %get3A_476, 1 {pack_format = #tpu.pack_format<interleaved>} : vector<32xbf16> -> vector<16xf32>
        %get3A_479 = arith.index_cast %select_n3A_233 : i32 to index
        %get3A_480 = arith.index_cast %add3A_466 : i32 to index
        %get3A_481 = arith.constant 0 : index
        %get3A_482 = tpu.vector_load %arg12[%get3A_479, %get3A_480, %get3A_481] {strides = array<i32>} : memref<2x400x32xbf16, #tpu.memory_space<vmem>>, vector<32xbf16>,
        %unpack3A_483 = tpu.unpack_subelements %get3A_482, 0 {pack_format = #tpu.pack_format<interleaved>} : vector<32xbf16> -> vector<16xf32>
        %unpack3A_484 = tpu.unpack_subelements %get3A_482, 1 {pack_format = #tpu.pack_format<interleaved>} : vector<32xbf16> -> vector<16xf32>
        %get3A_485 = arith.index_cast %select_n3A_233 : i32 to index
        %get3A_486 = arith.index_cast %shift_right_arithmetic3A_468 : i32 to index
        %get3A_487 = arith.index_cast %mul3A_472 : i32 to index
        %get3A_488 = tpu.vector_load %arg13[%get3A_485, %get3A_486, %get3A_487] {strides = array<i32>} : memref<2x50x128xf32, #tpu.memory_space<vmem>>, vector<16xf32>,
        %bitcast3A_489 = vector.bitcast %get3A_488 : vector<16xf32> to vector<32xbf16>
        %unpack3A_490 = tpu.unpack_subelements %bitcast3A_489, 0 {pack_format = #tpu.pack_format<interleaved>} : vector<32xbf16> -> vector<16xf32>
        %unpack3A_491 = tpu.unpack_subelements %bitcast3A_489, 1 {pack_format = #tpu.pack_format<interleaved>} : vector<32xbf16> -> vector<16xf32>
        %add3A_492 = arith.addf %unpack3A_477, %unpack3A_483 : vector<16xf32>
        %add3A_493 = arith.addf %add3A_492, %unpack3A_490 : vector<16xf32>
        %max3A_494 = arith.constant 0.000000e+00 : f32
        %max3A_495 = vector.broadcast %max3A_494 : f32 to vector<16xf32>
        %max3A_496 = arith.maximumf %add3A_493, %max3A_495 : vector<16xf32>
        %swap3A_497 = arith.index_cast %select_n3A_249 : i32 to index
        %swap3A_498 = arith.index_cast %add3A_466 : i32 to index
        %swap3A_499 = arith.constant 0 : index
        %swap3A_500 = tpu.vector_load %arg14[%swap3A_497, %swap3A_498, %swap3A_499] {strides = array<i32>} : memref<2x400x32xf32, #tpu.memory_space<vmem>>, vector<16xf32>,
        tpu.vector_store %arg14[%swap3A_497, %swap3A_498, %swap3A_499], %max3A_496 {strides = array<i32>} : memref<2x400x32xf32, #tpu.memory_space<vmem>>, vector<16xf32>,
        %add3A_501 = arith.addf %unpack3A_478, %unpack3A_484 : vector<16xf32>
        %add3A_502 = arith.addf %add3A_501, %unpack3A_491 : vector<16xf32>
        %max3A_503 = arith.constant 0.000000e+00 : f32
        %max3A_504 = vector.broadcast %max3A_503 : f32 to vector<16xf32>
        %max3A_505 = arith.maximumf %add3A_502, %max3A_504 : vector<16xf32>
        %swap3A_506 = arith.index_cast %select_n3A_249 : i32 to index
        %swap3A_507 = arith.index_cast %add3A_466 : i32 to index
        %swap3A_508 = arith.constant 16 : index
        %swap3A_509 = tpu.vector_load %arg14[%swap3A_506, %swap3A_507, %swap3A_508] {strides = array<i32>} : memref<2x400x32xf32, #tpu.memory_space<vmem>>, vector<16xf32>,
        tpu.vector_store %arg14[%swap3A_506, %swap3A_507, %swap3A_508], %max3A_505 {strides = array<i32>} : memref<2x400x32xf32, #tpu.memory_space<vmem>>, vector<16xf32>,
        %mul3A_510 = arith.constant 4 : i32
        %mul3A_511 = arith.muli %scan3A_374, %mul3A_510 : i32
        %add3A_512 = arith.constant 3 : i32
        %add3A_513 = arith.addi %mul3A_511, %add3A_512 : i32
        %shift_right_arithmetic3A_514 = arith.constant 3 : i32
        %shift_right_arithmetic3A_515 = arith.shrsi %add3A_513, %shift_right_arithmetic3A_514 : i32
        %and3A_516 = arith.constant 7 : i32
        %and3A_517 = arith.andi %add3A_513, %and3A_516 : i32
        %mul3A_518 = arith.constant 16 : i32
        %mul3A_519 = arith.muli %and3A_517, %mul3A_518 : i32
        %get3A_520 = arith.index_cast %select_n3A_233 : i32 to index
        %get3A_521 = arith.index_cast %add3A_513 : i32 to index
        %get3A_522 = arith.constant 0 : index
        %get3A_523 = tpu.vector_load %arg11[%get3A_520, %get3A_521, %get3A_522] {strides = array<i32>} : memref<2x400x32xbf16, #tpu.memory_space<vmem>>, vector<32xbf16>,
        %unpack3A_524 = tpu.unpack_subelements %get3A_523, 0 {pack_format = #tpu.pack_format<interleaved>} : vector<32xbf16> -> vector<16xf32>
        %unpack3A_525 = tpu.unpack_subelements %get3A_523, 1 {pack_format = #tpu.pack_format<interleaved>} : vector<32xbf16> -> vector<16xf32>
        %get3A_526 = arith.index_cast %select_n3A_233 : i32 to index
        %get3A_527 = arith.index_cast %add3A_513 : i32 to index
        %get3A_528 = arith.constant 0 : index
        %get3A_529 = tpu.vector_load %arg12[%get3A_526, %get3A_527, %get3A_528] {strides = array<i32>} : memref<2x400x32xbf16, #tpu.memory_space<vmem>>, vector<32xbf16>,
        %unpack3A_530 = tpu.unpack_subelements %get3A_529, 0 {pack_format = #tpu.pack_format<interleaved>} : vector<32xbf16> -> vector<16xf32>
        %unpack3A_531 = tpu.unpack_subelements %get3A_529, 1 {pack_format = #tpu.pack_format<interleaved>} : vector<32xbf16> -> vector<16xf32>
        %get3A_532 = arith.index_cast %select_n3A_233 : i32 to index
        %get3A_533 = arith.index_cast %shift_right_arithmetic3A_515 : i32 to index
        %get3A_534 = arith.index_cast %mul3A_519 : i32 to index
        %get3A_535 = tpu.vector_load %arg13[%get3A_532, %get3A_533, %get3A_534] {strides = array<i32>} : memref<2x50x128xf32, #tpu.memory_space<vmem>>, vector<16xf32>,
        %bitcast3A_536 = vector.bitcast %get3A_535 : vector<16xf32> to vector<32xbf16>
        %unpack3A_537 = tpu.unpack_subelements %bitcast3A_536, 0 {pack_format = #tpu.pack_format<interleaved>} : vector<32xbf16> -> vector<16xf32>
        %unpack3A_538 = tpu.unpack_subelements %bitcast3A_536, 1 {pack_format = #tpu.pack_format<interleaved>} : vector<32xbf16> -> vector<16xf32>
        %add3A_539 = arith.addf %unpack3A_524, %unpack3A_530 : vector<16xf32>
        %add3A_540 = arith.addf %add3A_539, %unpack3A_537 : vector<16xf32>
        %max3A_541 = arith.constant 0.000000e+00 : f32
        %max3A_542 = vector.broadcast %max3A_541 : f32 to vector<16xf32>
        %max3A_543 = arith.maximumf %add3A_540, %max3A_542 : vector<16xf32>
        %swap3A_544 = arith.index_cast %select_n3A_249 : i32 to index
        %swap3A_545 = arith.index_cast %add3A_513 : i32 to index
        %swap3A_546 = arith.constant 0 : index
        %swap3A_547 = tpu.vector_load %arg14[%swap3A_544, %swap3A_545, %swap3A_546] {strides = array<i32>} : memref<2x400x32xf32, #tpu.memory_space<vmem>>, vector<16xf32>,
        tpu.vector_store %arg14[%swap3A_544, %swap3A_545, %swap3A_546], %max3A_543 {strides = array<i32>} : memref<2x400x32xf32, #tpu.memory_space<vmem>>, vector<16xf32>,
        %add3A_548 = arith.addf %unpack3A_525, %unpack3A_531 : vector<16xf32>
        %add3A_549 = arith.addf %add3A_548, %unpack3A_538 : vector<16xf32>
        %max3A_550 = arith.constant 0.000000e+00 : f32
        %max3A_551 = vector.broadcast %max3A_550 : f32 to vector<16xf32>
        %max3A_552 = arith.maximumf %add3A_549, %max3A_551 : vector<16xf32>
        %swap3A_553 = arith.index_cast %select_n3A_249 : i32 to index
        %swap3A_554 = arith.index_cast %add3A_513 : i32 to index
        %swap3A_555 = arith.constant 16 : index
        %swap3A_556 = tpu.vector_load %arg14[%swap3A_553, %swap3A_554, %swap3A_555] {strides = array<i32>} : memref<2x400x32xf32, #tpu.memory_space<vmem>>, vector<16xf32>,
        tpu.vector_store %arg14[%swap3A_553, %swap3A_554, %swap3A_555], %max3A_552 {strides = array<i32>} : memref<2x400x32xf32, #tpu.memory_space<vmem>>, vector<16xf32>,
      }
      %scan3A_360 = arith.constant 100 : i32
      %dma_start3A_361 = arith.constant 0 : i32
      %dma_start3A_362 = arith.constant 0 : i32
      %dma_start3A_363 = arith.constant 0 : i32
      %dma_start3A_364 = tpu.memref_slice %arg14[%select_n3A_249, %dma_start3A_362, %dma_start3A_363] : memref<2x400x32xf32, #tpu.memory_space<vmem>> -> memref<1x400x32xf32, #tpu.memory_space<vmem>>
      %dma_start3A_365 = tpu.memref_squeeze %dma_start3A_364 : memref<1x400x32xf32, #tpu.memory_space<vmem>> -> memref<400x32xf32, #tpu.memory_space<vmem>>
      %dma_start3A_366 = arith.constant 0 : i32
      %dma_start3A_367 = tpu.memref_slice %arg9[%select_n3A_265, %dma_start3A_361, %dma_start3A_366] : memref<3x1x400xi32, #tpu.memory_space<vmem>> -> memref<1x1x400xi32, #tpu.memory_space<vmem>>
      %dma_start3A_368 = tpu.memref_squeeze %dma_start3A_367 : memref<1x1x400xi32, #tpu.memory_space<vmem>> -> memref<400xi32, #tpu.memory_space<vmem>>
      %dma_start3A_369 = arith.constant 0 : i32
      %dma_start3A_370 = arith.constant 0 : i32
      %dma_start3A_371 = tpu.memref_slice %arg8[%dma_start3A_369, %dma_start3A_370] : memref<10240x32xf32, #tpu.memory_space<vmem_shared>> -> memref<10240x32xf32, #tpu.memory_space<vmem_shared>>
      %dma_start3A_372 = tpu.memref_slice %arg17[%select_n3A_249] : memref<2x!tpu.dma_semaphore, #tpu.memory_space<semaphore_mem>> -> memref<1x!tpu.dma_semaphore, #tpu.memory_space<semaphore_mem>>
      %dma_start3A_373 = tpu.memref_squeeze %dma_start3A_372 : memref<1x!tpu.dma_semaphore, #tpu.memory_space<semaphore_mem>> -> memref<!tpu.dma_semaphore, #tpu.memory_space<semaphore_mem>>
      tpu.enqueue_indirect_dma source(%dma_start3A_365 : memref<400x32xf32, #tpu.memory_space<vmem>>) target(%dma_start3A_371 : memref<10240x32xf32, #tpu.memory_space<vmem_shared>>) offsets(%dma_start3A_368 : memref<400xi32, #tpu.memory_space<vmem>>) semaphore(%dma_start3A_373 : memref<!tpu.dma_semaphore, #tpu.memory_space<semaphore_mem>>) {add = true}
    }
    %scan3A_197 = arith.constant 25 : i32
    %dma_wait3A_198 = arith.constant 0 : i32
    %dma_wait3A_199 = arith.constant 0 : i32
    %dma_wait3A_200 = arith.constant 0 : i32
    %dma_wait3A_201 = arith.constant 0 : i32
    %dma_wait3A_202 = arith.constant 0 : i32
    %dma_wait3A_203 = arith.constant 0 : i32
    %dma_wait3A_204 = tpu.memref_slice %arg14[%dma_wait3A_198, %dma_wait3A_202, %dma_wait3A_203] : memref<2x400x32xf32, #tpu.memory_space<vmem>> -> memref<1x400x32xf32, #tpu.memory_space<vmem>>
    %dma_wait3A_205 = tpu.memref_squeeze %dma_wait3A_204 : memref<1x400x32xf32, #tpu.memory_space<vmem>> -> memref<400x32xf32, #tpu.memory_space<vmem>>
    %dma_wait3A_206 = arith.constant 0 : i32
    %dma_wait3A_207 = tpu.memref_slice %arg9[%dma_wait3A_199, %dma_wait3A_200, %dma_wait3A_206] : memref<3x1x400xi32, #tpu.memory_space<vmem>> -> memref<1x1x400xi32, #tpu.memory_space<vmem>>
    %dma_wait3A_208 = tpu.memref_squeeze %dma_wait3A_207 : memref<1x1x400xi32, #tpu.memory_space<vmem>> -> memref<400xi32, #tpu.memory_space<vmem>>
    %dma_wait3A_209 = arith.constant 0 : i32
    %dma_wait3A_210 = arith.constant 0 : i32
    %dma_wait3A_211 = tpu.memref_slice %arg8[%dma_wait3A_209, %dma_wait3A_210] : memref<10240x32xf32, #tpu.memory_space<vmem_shared>> -> memref<10240x32xf32, #tpu.memory_space<vmem_shared>>
    %dma_wait3A_212 = tpu.memref_slice %arg17[%dma_wait3A_201] : memref<2x!tpu.dma_semaphore, #tpu.memory_space<semaphore_mem>> -> memref<1x!tpu.dma_semaphore, #tpu.memory_space<semaphore_mem>>
    %dma_wait3A_213 = tpu.memref_squeeze %dma_wait3A_212 : memref<1x!tpu.dma_semaphore, #tpu.memory_space<semaphore_mem>> -> memref<!tpu.dma_semaphore, #tpu.memory_space<semaphore_mem>>
    tpu.wait_indirect_dma semaphore(%dma_wait3A_213 : memref<!tpu.dma_semaphore, #tpu.memory_space<semaphore_mem>>) src(%dma_wait3A_205 : memref<400x32xf32, #tpu.memory_space<vmem>>) dst(%dma_wait3A_211 : memref<10240x32xf32, #tpu.memory_space<vmem_shared>>)
    %barrier3A_214 = arith.constant 0 : index
    tpu.barrier barrier_id(%barrier3A_214)
    %mul3A_215 = arith.constant 640 : i32
    %mul3A_216 = arith.muli %arg1, %mul3A_215 : i32
    %mul3A_217 = arith.constant 640 : i32
    %mul3A_218 = arith.muli %arg1, %mul3A_217 : i32
    "tpu.region"() ({
      %run_scoped3A = tpu.sem_alloc : memref<!tpu.dma_semaphore, #tpu.memory_space<semaphore_mem>>
      %dma_start3A_219 = arith.constant 0 : i32
      %dma_start3A_220 = tpu.memref_slice %arg7[%arg0, %mul3A_218, %dma_start3A_219] : memref<2x10240x32xf32, #tpu.memory_space<hbm>> -> memref<1x640x32xf32, #tpu.memory_space<hbm>>
      %dma_start3A_221 = tpu.memref_squeeze %dma_start3A_220 : memref<1x640x32xf32, #tpu.memory_space<hbm>> -> memref<640x32xf32, #tpu.memory_space<hbm>>
      %dma_start3A_222 = arith.constant 0 : i32
      %dma_start3A_223 = tpu.memref_slice %arg8[%mul3A_216, %dma_start3A_222] : memref<10240x32xf32, #tpu.memory_space<vmem_shared>> -> memref<640x32xf32, #tpu.memory_space<vmem_shared>>
      tpu.enqueue_dma source(%dma_start3A_223 : memref<640x32xf32, #tpu.memory_space<vmem_shared>>) target(%dma_start3A_221 : memref<640x32xf32, #tpu.memory_space<hbm>>) target_semaphore(%run_scoped3A : memref<!tpu.dma_semaphore, #tpu.memory_space<semaphore_mem>>)
      %dma_wait3A_224 = arith.constant 0 : i32
      %dma_wait3A_225 = tpu.memref_slice %arg7[%arg0, %mul3A_218, %dma_wait3A_224] : memref<2x10240x32xf32, #tpu.memory_space<hbm>> -> memref<1x640x32xf32, #tpu.memory_space<hbm>>
      %dma_wait3A_226 = tpu.memref_squeeze %dma_wait3A_225 : memref<1x640x32xf32, #tpu.memory_space<hbm>> -> memref<640x32xf32, #tpu.memory_space<hbm>>
      %dma_wait3A_227 = arith.constant 0 : i32
      %dma_wait3A_228 = tpu.memref_slice %arg8[%mul3A_216, %dma_wait3A_227] : memref<10240x32xf32, #tpu.memory_space<vmem_shared>> -> memref<640x32xf32, #tpu.memory_space<vmem_shared>>
      tpu.wait_dma2 semaphore(%run_scoped3A : memref<!tpu.dma_semaphore, #tpu.memory_space<semaphore_mem>>) src(%dma_wait3A_228 : memref<640x32xf32, #tpu.memory_space<vmem_shared>>) dst(%dma_wait3A_226 : memref<640x32xf32, #tpu.memory_space<hbm>>)
      tpu.yield
    }) : () -> ()
    return
  }
}

#map = affine_map<(d0, d1) -> (0, 0)>
#map1 = affine_map<(d0, d1) -> (0, 0, 0)>
module attributes {stable_mosaic.version = 14 : i64} {
  func.func @_sc_conv_body(%arg0: i32, %arg1: i32, %arg2: memref<10000x32xbf16, #tpu.memory_space<hbm>>, %arg3: memref<10000x32xbf16, #tpu.memory_space<hbm>>, %arg4: memref<40000x128xf32, #tpu.memory_space<hbm>>, %arg5: memref<2x800x400xi32, #tpu.memory_space<hbm>>, %arg6: memref<10240x32xf32, #tpu.memory_space<hbm>>, %arg7: memref<2x10240x32xf32, #tpu.memory_space<hbm>>, %arg8: memref<10240x32xf32, #tpu.memory_space<vmem_shared>>, %arg9: memref<3x1x400xi32, #tpu.memory_space<vmem>>, %arg10: memref<3x1x400xi32, #tpu.memory_space<vmem>>, %arg11: memref<2x400x32xbf16, #tpu.memory_space<vmem>>, %arg12: memref<2x400x32xbf16, #tpu.memory_space<vmem>>, %arg13: memref<2x50x128xf32, #tpu.memory_space<vmem>>, %arg14: memref<2x400x32xf32, #tpu.memory_space<vmem>>, %arg15: memref<3x!tpu.dma_semaphore, #tpu.memory_space<semaphore_mem>>, %arg16: memref<2x!tpu.dma_semaphore, #tpu.memory_space<semaphore_mem>>, %arg17: memref<2x!tpu.dma_semaphore, #tpu.memory_space<semaphore_mem>>) attributes {dimension_semantics = [#tpu.dimension_semantics<core_parallel>, #tpu.dimension_semantics<subcore_parallel>], iteration_bounds = array<i64: 2, 16>, scalar_prefetch = 0 : i64, scratch_operands = 10 : i64, tpu.core_type = #tpu.core_type<sc_vector_subcore>, window_params = [{transform_indices = #map}, {transform_indices = #map}, {transform_indices = #map}, {transform_indices = #map1}, {transform_indices = #map}, {transform_indices = #map1}]} {
    %mul3A = arith.constant 16 : i32
    %mul3A_0 = arith.muli %arg0, %mul3A : i32
    %add3A = arith.addi %mul3A_0, %arg1 : i32
    %mul3A_1 = arith.constant 640 : i32
    %mul3A_2 = arith.muli %arg1, %mul3A_1 : i32
    %mul3A_3 = arith.constant 640 : i32
    %mul3A_4 = arith.muli %arg1, %mul3A_3 : i32
    "tpu.region"() ({
      %run_scoped3A = tpu.sem_alloc : memref<!tpu.dma_semaphore, #tpu.memory_space<semaphore_mem>>
      %dma_start3A_219 = arith.constant 0 : i32
      %dma_start3A_220 = tpu.memref_slice %arg8[%mul3A_4, %dma_start3A_219] : memref<10240x32xf32, #tpu.memory_space<vmem_shared>> -> memref<640x32xf32, #tpu.memory_space<vmem_shared>>
      %dma_start3A_221 = arith.constant 0 : i32
      %dma_start3A_222 = tpu.memref_slice %arg6[%mul3A_2, %dma_start3A_221] : memref<10240x32xf32, #tpu.memory_space<hbm>> -> memref<640x32xf32, #tpu.memory_space<hbm>>
      tpu.enqueue_dma source(%dma_start3A_222 : memref<640x32xf32, #tpu.memory_space<hbm>>) target(%dma_start3A_220 : memref<640x32xf32, #tpu.memory_space<vmem_shared>>) target_semaphore(%run_scoped3A : memref<!tpu.dma_semaphore, #tpu.memory_space<semaphore_mem>>)
      %dma_wait3A_223 = arith.constant 0 : i32
      %dma_wait3A_224 = tpu.memref_slice %arg8[%mul3A_4, %dma_wait3A_223] : memref<10240x32xf32, #tpu.memory_space<vmem_shared>> -> memref<640x32xf32, #tpu.memory_space<vmem_shared>>
      %dma_wait3A_225 = arith.constant 0 : i32
      %dma_wait3A_226 = tpu.memref_slice %arg6[%mul3A_2, %dma_wait3A_225] : memref<10240x32xf32, #tpu.memory_space<hbm>> -> memref<640x32xf32, #tpu.memory_space<hbm>>
      tpu.wait_dma2 semaphore(%run_scoped3A : memref<!tpu.dma_semaphore, #tpu.memory_space<semaphore_mem>>) src(%dma_wait3A_226 : memref<640x32xf32, #tpu.memory_space<hbm>>) dst(%dma_wait3A_224 : memref<640x32xf32, #tpu.memory_space<vmem_shared>>)
      tpu.yield
    }) : () -> ()
    %barrier3A = arith.constant 0 : index
    tpu.barrier barrier_id(%barrier3A)
    %mul3A_5 = arith.constant 25 : i32
    %mul3A_6 = arith.muli %add3A, %mul3A_5 : i32
    %mul3A_7 = arith.constant 10000 : i32
    %mul3A_8 = arith.muli %add3A, %mul3A_7 : i32
    %add3A_9 = arith.constant 0 : i32
    %add3A_10 = arith.addi %mul3A_6, %add3A_9 : i32
    %dma_start3A = arith.constant 0 : i32
    %dma_start3A_11 = arith.constant 0 : i32
    %dma_start3A_12 = arith.constant 0 : i32
    %dma_start3A_13 = arith.constant 0 : i32
    %dma_start3A_14 = arith.constant 0 : i32
    %dma_start3A_15 = tpu.memref_slice %arg9[%dma_start3A_11, %dma_start3A_13, %dma_start3A_14] : memref<3x1x400xi32, #tpu.memory_space<vmem>> -> memref<1x1x400xi32, #tpu.memory_space<vmem>>
    %dma_start3A_16 = tpu.memref_squeeze %dma_start3A_15 : memref<1x1x400xi32, #tpu.memory_space<vmem>> -> memref<1x400xi32, #tpu.memory_space<vmem>>
    %dma_start3A_17 = arith.constant 0 : i32
    %dma_start3A_18 = tpu.memref_slice %arg5[%dma_start3A, %add3A_10, %dma_start3A_17] : memref<2x800x400xi32, #tpu.memory_space<hbm>> -> memref<1x1x400xi32, #tpu.memory_space<hbm>>
    %dma_start3A_19 = tpu.memref_squeeze %dma_start3A_18 : memref<1x1x400xi32, #tpu.memory_space<hbm>> -> memref<1x400xi32, #tpu.memory_space<hbm>>
    %dma_start3A_20 = tpu.memref_slice %arg15[%dma_start3A_12] : memref<3x!tpu.dma_semaphore, #tpu.memory_space<semaphore_mem>> -> memref<1x!tpu.dma_semaphore, #tpu.memory_space<semaphore_mem>>
    %dma_start3A_21 = tpu.memref_squeeze %dma_start3A_20 : memref<1x!tpu.dma_semaphore, #tpu.memory_space<semaphore_mem>> -> memref<!tpu.dma_semaphore, #tpu.memory_space<semaphore_mem>>
    %dma_start3A_22 = arith.constant 0 : i32
    %dma_start3A_23 = arith.constant 0 : i32
    %dma_start3A_24 = tpu.memref_slice %arg9[%dma_start3A_11, %dma_start3A_22, %dma_start3A_23] : memref<3x1x400xi32, #tpu.memory_space<vmem>> -> memref<1x1x400xi32, #tpu.memory_space<vmem>>
    %dma_start3A_25 = tpu.memref_squeeze %dma_start3A_24 : memref<1x1x400xi32, #tpu.memory_space<vmem>> -> memref<1x400xi32, #tpu.memory_space<vmem>>
    %dma_start3A_26 = arith.constant 0 : i32
    %dma_start3A_27 = tpu.memref_slice %arg5[%dma_start3A, %add3A_10, %dma_start3A_26] : memref<2x800x400xi32, #tpu.memory_space<hbm>> -> memref<1x1x400xi32, #tpu.memory_space<hbm>>
    %dma_start3A_28 = tpu.memref_squeeze %dma_start3A_27 : memref<1x1x400xi32, #tpu.memory_space<hbm>> -> memref<1x400xi32, #tpu.memory_space<hbm>>
    tpu.enqueue_dma source(%dma_start3A_28 : memref<1x400xi32, #tpu.memory_space<hbm>>) target(%dma_start3A_25 : memref<1x400xi32, #tpu.memory_space<vmem>>) target_semaphore(%dma_start3A_21 : memref<!tpu.dma_semaphore, #tpu.memory_space<semaphore_mem>>)
    %dma_start3A_29 = arith.constant 1 : i32
    %dma_start3A_30 = arith.constant 0 : i32
    %dma_start3A_31 = arith.constant 0 : i32
    %dma_start3A_32 = arith.constant 0 : i32
    %dma_start3A_33 = arith.constant 0 : i32
    %dma_start3A_34 = tpu.memref_slice %arg10[%dma_start3A_30, %dma_start3A_32, %dma_start3A_33] : memref<3x1x400xi32, #tpu.memory_space<vmem>> -> memref<1x1x400xi32, #tpu.memory_space<vmem>>
    %dma_start3A_35 = tpu.memref_squeeze %dma_start3A_34 : memref<1x1x400xi32, #tpu.memory_space<vmem>> -> memref<1x400xi32, #tpu.memory_space<vmem>>
    %dma_start3A_36 = arith.constant 0 : i32
    %dma_start3A_37 = tpu.memref_slice %arg5[%dma_start3A_29, %add3A_10, %dma_start3A_36] : memref<2x800x400xi32, #tpu.memory_space<hbm>> -> memref<1x1x400xi32, #tpu.memory_space<hbm>>
    %dma_start3A_38 = tpu.memref_squeeze %dma_start3A_37 : memref<1x1x400xi32, #tpu.memory_space<hbm>> -> memref<1x400xi32, #tpu.memory_space<hbm>>
    %dma_start3A_39 = tpu.memref_slice %arg15[%dma_start3A_31] : memref<3x!tpu.dma_semaphore, #tpu.memory_space<semaphore_mem>> -> memref<1x!tpu.dma_semaphore, #tpu.memory_space<semaphore_mem>>
    %dma_start3A_40 = tpu.memref_squeeze %dma_start3A_39 : memref<1x!tpu.dma_semaphore, #tpu.memory_space<semaphore_mem>> -> memref<!tpu.dma_semaphore, #tpu.memory_space<semaphore_mem>>
    %dma_start3A_41 = arith.constant 0 : i32
    %dma_start3A_42 = arith.constant 0 : i32
    %dma_start3A_43 = tpu.memref_slice %arg10[%dma_start3A_30, %dma_start3A_41, %dma_start3A_42] : memref<3x1x400xi32, #tpu.memory_space<vmem>> -> memref<1x1x400xi32, #tpu.memory_space<vmem>>
    %dma_start3A_44 = tpu.memref_squeeze %dma_start3A_43 : memref<1x1x400xi32, #tpu.memory_space<vmem>> -> memref<1x400xi32, #tpu.memory_space<vmem>>
    %dma_start3A_45 = arith.constant 0 : i32
    %dma_start3A_46 = tpu.memref_slice %arg5[%dma_start3A_29, %add3A_10, %dma_start3A_45] : memref<2x800x400xi32, #tpu.memory_space<hbm>> -> memref<1x1x400xi32, #tpu.memory_space<hbm>>
    %dma_start3A_47 = tpu.memref_squeeze %dma_start3A_46 : memref<1x1x400xi32, #tpu.memory_space<hbm>> -> memref<1x400xi32, #tpu.memory_space<hbm>>
    tpu.enqueue_dma source(%dma_start3A_47 : memref<1x400xi32, #tpu.memory_space<hbm>>) target(%dma_start3A_44 : memref<1x400xi32, #tpu.memory_space<vmem>>) target_semaphore(%dma_start3A_40 : memref<!tpu.dma_semaphore, #tpu.memory_space<semaphore_mem>>)
    %add3A_48 = arith.constant 1 : i32
    %add3A_49 = arith.addi %mul3A_6, %add3A_48 : i32
    %dma_start3A_50 = arith.constant 0 : i32
    %dma_start3A_51 = arith.constant 1 : i32
    %dma_start3A_52 = arith.constant 1 : i32
    %dma_start3A_53 = arith.constant 0 : i32
    %dma_start3A_54 = arith.constant 0 : i32
    %dma_start3A_55 = tpu.memref_slice %arg9[%dma_start3A_51, %dma_start3A_53, %dma_start3A_54] : memref<3x1x400xi32, #tpu.memory_space<vmem>> -> memref<1x1x400xi32, #tpu.memory_space<vmem>>
    %dma_start3A_56 = tpu.memref_squeeze %dma_start3A_55 : memref<1x1x400xi32, #tpu.memory_space<vmem>> -> memref<1x400xi32, #tpu.memory_space<vmem>>
    %dma_start3A_57 = arith.constant 0 : i32
    %dma_start3A_58 = tpu.memref_slice %arg5[%dma_start3A_50, %add3A_49, %dma_start3A_57] : memref<2x800x400xi32, #tpu.memory_space<hbm>> -> memref<1x1x400xi32, #tpu.memory_space<hbm>>
    %dma_start3A_59 = tpu.memref_squeeze %dma_start3A_58 : memref<1x1x400xi32, #tpu.memory_space<hbm>> -> memref<1x400xi32, #tpu.memory_space<hbm>>
    %dma_start3A_60 = tpu.memref_slice %arg15[%dma_start3A_52] : memref<3x!tpu.dma_semaphore, #tpu.memory_space<semaphore_mem>> -> memref<1x!tpu.dma_semaphore, #tpu.memory_space<semaphore_mem>>
    %dma_start3A_61 = tpu.memref_squeeze %dma_start3A_60 : memref<1x!tpu.dma_semaphore, #tpu.memory_space<semaphore_mem>> -> memref<!tpu.dma_semaphore, #tpu.memory_space<semaphore_mem>>
    %dma_start3A_62 = arith.constant 0 : i32
    %dma_start3A_63 = arith.constant 0 : i32
    %dma_start3A_64 = tpu.memref_slice %arg9[%dma_start3A_51, %dma_start3A_62, %dma_start3A_63] : memref<3x1x400xi32, #tpu.memory_space<vmem>> -> memref<1x1x400xi32, #tpu.memory_space<vmem>>
    %dma_start3A_65 = tpu.memref_squeeze %dma_start3A_64 : memref<1x1x400xi32, #tpu.memory_space<vmem>> -> memref<1x400xi32, #tpu.memory_space<vmem>>
    %dma_start3A_66 = arith.constant 0 : i32
    %dma_start3A_67 = tpu.memref_slice %arg5[%dma_start3A_50, %add3A_49, %dma_start3A_66] : memref<2x800x400xi32, #tpu.memory_space<hbm>> -> memref<1x1x400xi32, #tpu.memory_space<hbm>>
    %dma_start3A_68 = tpu.memref_squeeze %dma_start3A_67 : memref<1x1x400xi32, #tpu.memory_space<hbm>> -> memref<1x400xi32, #tpu.memory_space<hbm>>
    tpu.enqueue_dma source(%dma_start3A_68 : memref<1x400xi32, #tpu.memory_space<hbm>>) target(%dma_start3A_65 : memref<1x400xi32, #tpu.memory_space<vmem>>) target_semaphore(%dma_start3A_61 : memref<!tpu.dma_semaphore, #tpu.memory_space<semaphore_mem>>)
    %dma_start3A_69 = arith.constant 1 : i32
    %dma_start3A_70 = arith.constant 1 : i32
    %dma_start3A_71 = arith.constant 1 : i32
    %dma_start3A_72 = arith.constant 0 : i32
    %dma_start3A_73 = arith.constant 0 : i32
    %dma_start3A_74 = tpu.memref_slice %arg10[%dma_start3A_70, %dma_start3A_72, %dma_start3A_73] : memref<3x1x400xi32, #tpu.memory_space<vmem>> -> memref<1x1x400xi32, #tpu.memory_space<vmem>>
    %dma_start3A_75 = tpu.memref_squeeze %dma_start3A_74 : memref<1x1x400xi32, #tpu.memory_space<vmem>> -> memref<1x400xi32, #tpu.memory_space<vmem>>
    %dma_start3A_76 = arith.constant 0 : i32
    %dma_start3A_77 = tpu.memref_slice %arg5[%dma_start3A_69, %add3A_49, %dma_start3A_76] : memref<2x800x400xi32, #tpu.memory_space<hbm>> -> memref<1x1x400xi32, #tpu.memory_space<hbm>>
    %dma_start3A_78 = tpu.memref_squeeze %dma_start3A_77 : memref<1x1x400xi32, #tpu.memory_space<hbm>> -> memref<1x400xi32, #tpu.memory_space<hbm>>
    %dma_start3A_79 = tpu.memref_slice %arg15[%dma_start3A_71] : memref<3x!tpu.dma_semaphore, #tpu.memory_space<semaphore_mem>> -> memref<1x!tpu.dma_semaphore, #tpu.memory_space<semaphore_mem>>
    %dma_start3A_80 = tpu.memref_squeeze %dma_start3A_79 : memref<1x!tpu.dma_semaphore, #tpu.memory_space<semaphore_mem>> -> memref<!tpu.dma_semaphore, #tpu.memory_space<semaphore_mem>>
    %dma_start3A_81 = arith.constant 0 : i32
    %dma_start3A_82 = arith.constant 0 : i32
    %dma_start3A_83 = tpu.memref_slice %arg10[%dma_start3A_70, %dma_start3A_81, %dma_start3A_82] : memref<3x1x400xi32, #tpu.memory_space<vmem>> -> memref<1x1x400xi32, #tpu.memory_space<vmem>>
    %dma_start3A_84 = tpu.memref_squeeze %dma_start3A_83 : memref<1x1x400xi32, #tpu.memory_space<vmem>> -> memref<1x400xi32, #tpu.memory_space<vmem>>
    %dma_start3A_85 = arith.constant 0 : i32
    %dma_start3A_86 = tpu.memref_slice %arg5[%dma_start3A_69, %add3A_49, %dma_start3A_85] : memref<2x800x400xi32, #tpu.memory_space<hbm>> -> memref<1x1x400xi32, #tpu.memory_space<hbm>>
    %dma_start3A_87 = tpu.memref_squeeze %dma_start3A_86 : memref<1x1x400xi32, #tpu.memory_space<hbm>> -> memref<1x400xi32, #tpu.memory_space<hbm>>
    tpu.enqueue_dma source(%dma_start3A_87 : memref<1x400xi32, #tpu.memory_space<hbm>>) target(%dma_start3A_84 : memref<1x400xi32, #tpu.memory_space<vmem>>) target_semaphore(%dma_start3A_80 : memref<!tpu.dma_semaphore, #tpu.memory_space<semaphore_mem>>)
    %add3A_88 = arith.constant 0 : i32
    %add3A_89 = arith.addi %mul3A_6, %add3A_88 : i32
    %dma_wait3A = arith.constant 0 : i32
    %dma_wait3A_90 = arith.constant 0 : i32
    %dma_wait3A_91 = arith.constant 0 : i32
    %dma_wait3A_92 = arith.constant 0 : i32
    %dma_wait3A_93 = arith.constant 0 : i32
    %dma_wait3A_94 = tpu.memref_slice %arg9[%dma_wait3A_90, %dma_wait3A_92, %dma_wait3A_93] : memref<3x1x400xi32, #tpu.memory_space<vmem>> -> memref<1x1x400xi32, #tpu.memory_space<vmem>>
    %dma_wait3A_95 = tpu.memref_squeeze %dma_wait3A_94 : memref<1x1x400xi32, #tpu.memory_space<vmem>> -> memref<1x400xi32, #tpu.memory_space<vmem>>
    %dma_wait3A_96 = arith.constant 0 : i32
    %dma_wait3A_97 = tpu.memref_slice %arg5[%dma_wait3A, %add3A_89, %dma_wait3A_96] : memref<2x800x400xi32, #tpu.memory_space<hbm>> -> memref<1x1x400xi32, #tpu.memory_space<hbm>>
    %dma_wait3A_98 = tpu.memref_squeeze %dma_wait3A_97 : memref<1x1x400xi32, #tpu.memory_space<hbm>> -> memref<1x400xi32, #tpu.memory_space<hbm>>
    %dma_wait3A_99 = tpu.memref_slice %arg15[%dma_wait3A_91] : memref<3x!tpu.dma_semaphore, #tpu.memory_space<semaphore_mem>> -> memref<1x!tpu.dma_semaphore, #tpu.memory_space<semaphore_mem>>
    %dma_wait3A_100 = tpu.memref_squeeze %dma_wait3A_99 : memref<1x!tpu.dma_semaphore, #tpu.memory_space<semaphore_mem>> -> memref<!tpu.dma_semaphore, #tpu.memory_space<semaphore_mem>>
    %dma_wait3A_101 = arith.constant 0 : i32
    %dma_wait3A_102 = arith.constant 0 : i32
    %dma_wait3A_103 = tpu.memref_slice %arg9[%dma_wait3A_90, %dma_wait3A_101, %dma_wait3A_102] : memref<3x1x400xi32, #tpu.memory_space<vmem>> -> memref<1x1x400xi32, #tpu.memory_space<vmem>>
    %dma_wait3A_104 = tpu.memref_squeeze %dma_wait3A_103 : memref<1x1x400xi32, #tpu.memory_space<vmem>> -> memref<1x400xi32, #tpu.memory_space<vmem>>
    %dma_wait3A_105 = arith.constant 0 : i32
    %dma_wait3A_106 = tpu.memref_slice %arg5[%dma_wait3A, %add3A_89, %dma_wait3A_105] : memref<2x800x400xi32, #tpu.memory_space<hbm>> -> memref<1x1x400xi32, #tpu.memory_space<hbm>>
    %dma_wait3A_107 = tpu.memref_squeeze %dma_wait3A_106 : memref<1x1x400xi32, #tpu.memory_space<hbm>> -> memref<1x400xi32, #tpu.memory_space<hbm>>
    tpu.wait_dma2 semaphore(%dma_wait3A_100 : memref<!tpu.dma_semaphore, #tpu.memory_space<semaphore_mem>>) src(%dma_wait3A_107 : memref<1x400xi32, #tpu.memory_space<hbm>>) dst(%dma_wait3A_104 : memref<1x400xi32, #tpu.memory_space<vmem>>)
    %dma_wait3A_108 = arith.constant 1 : i32
    %dma_wait3A_109 = arith.constant 0 : i32
    %dma_wait3A_110 = arith.constant 0 : i32
    %dma_wait3A_111 = arith.constant 0 : i32
    %dma_wait3A_112 = arith.constant 0 : i32
    %dma_wait3A_113 = tpu.memref_slice %arg10[%dma_wait3A_109, %dma_wait3A_111, %dma_wait3A_112] : memref<3x1x400xi32, #tpu.memory_space<vmem>> -> memref<1x1x400xi32, #tpu.memory_space<vmem>>
    %dma_wait3A_114 = tpu.memref_squeeze %dma_wait3A_113 : memref<1x1x400xi32, #tpu.memory_space<vmem>> -> memref<1x400xi32, #tpu.memory_space<vmem>>
    %dma_wait3A_115 = arith.constant 0 : i32
    %dma_wait3A_116 = tpu.memref_slice %arg5[%dma_wait3A_108, %add3A_89, %dma_wait3A_115] : memref<2x800x400xi32, #tpu.memory_space<hbm>> -> memref<1x1x400xi32, #tpu.memory_space<hbm>>
    %dma_wait3A_117 = tpu.memref_squeeze %dma_wait3A_116 : memref<1x1x400xi32, #tpu.memory_space<hbm>> -> memref<1x400xi32, #tpu.memory_space<hbm>>
    %dma_wait3A_118 = tpu.memref_slice %arg15[%dma_wait3A_110] : memref<3x!tpu.dma_semaphore, #tpu.memory_space<semaphore_mem>> -> memref<1x!tpu.dma_semaphore, #tpu.memory_space<semaphore_mem>>
    %dma_wait3A_119 = tpu.memref_squeeze %dma_wait3A_118 : memref<1x!tpu.dma_semaphore, #tpu.memory_space<semaphore_mem>> -> memref<!tpu.dma_semaphore, #tpu.memory_space<semaphore_mem>>
    %dma_wait3A_120 = arith.constant 0 : i32
    %dma_wait3A_121 = arith.constant 0 : i32
    %dma_wait3A_122 = tpu.memref_slice %arg10[%dma_wait3A_109, %dma_wait3A_120, %dma_wait3A_121] : memref<3x1x400xi32, #tpu.memory_space<vmem>> -> memref<1x1x400xi32, #tpu.memory_space<vmem>>
    %dma_wait3A_123 = tpu.memref_squeeze %dma_wait3A_122 : memref<1x1x400xi32, #tpu.memory_space<vmem>> -> memref<1x400xi32, #tpu.memory_space<vmem>>
    %dma_wait3A_124 = arith.constant 0 : i32
    %dma_wait3A_125 = tpu.memref_slice %arg5[%dma_wait3A_108, %add3A_89, %dma_wait3A_124] : memref<2x800x400xi32, #tpu.memory_space<hbm>> -> memref<1x1x400xi32, #tpu.memory_space<hbm>>
    %dma_wait3A_126 = tpu.memref_squeeze %dma_wait3A_125 : memref<1x1x400xi32, #tpu.memory_space<hbm>> -> memref<1x400xi32, #tpu.memory_space<hbm>>
    tpu.wait_dma2 semaphore(%dma_wait3A_119 : memref<!tpu.dma_semaphore, #tpu.memory_space<semaphore_mem>>) src(%dma_wait3A_126 : memref<1x400xi32, #tpu.memory_space<hbm>>) dst(%dma_wait3A_123 : memref<1x400xi32, #tpu.memory_space<vmem>>)
    %add3A_127 = arith.constant 0 : i32
    %add3A_128 = arith.addi %mul3A_8, %add3A_127 : i32
    %jit3A = arith.constant 8 : i32
    %div3A = arith.divsi %add3A_128, %jit3A : i32
    %sign3A = arith.constant 0 : i32
    %sign3A_129 = arith.cmpi sgt, %add3A_128, %sign3A : i32
    %sign3A_130 = arith.extui %sign3A_129 : i1 to i32
    %sign3A_131 = arith.constant 0 : i32
    %sign3A_132 = arith.cmpi slt, %add3A_128, %sign3A_131 : i32
    %sign3A_133 = arith.extui %sign3A_132 : i1 to i32
    %sign3A_134 = arith.subi %sign3A_130, %sign3A_133 : i32
    %sign3A_135 = arith.constant 0 : i32
    %sign3A_136 = arith.cmpi sgt, %jit3A, %sign3A_135 : i32
    %sign3A_137 = arith.extui %sign3A_136 : i1 to i32
    %sign3A_138 = arith.constant 0 : i32
    %sign3A_139 = arith.cmpi slt, %jit3A, %sign3A_138 : i32
    %sign3A_140 = arith.extui %sign3A_139 : i1 to i32
    %sign3A_141 = arith.subi %sign3A_137, %sign3A_140 : i32
    %ne3A = arith.cmpi ne, %sign3A_134, %sign3A_141 : i32
    %rem3A = arith.remsi %add3A_128, %jit3A : i32
    %ne3A_142 = arith.constant 0 : i32
    %ne3A_143 = arith.cmpi ne, %rem3A, %ne3A_142 : i32
    %and3A = arith.andi %ne3A, %ne3A_143 : i1
    %sub3A = arith.constant 1 : i32
    %sub3A_144 = arith.subi %div3A, %sub3A : i32
    %select_n3A = arith.select %and3A, %sub3A_144, %div3A : i32
    %dma_start3A_145 = arith.constant 0 : i32
    %dma_start3A_146 = arith.constant 0 : i32
    %dma_start3A_147 = arith.constant 0 : i32
    %dma_start3A_148 = arith.constant 0 : i32
    %dma_start3A_149 = tpu.memref_slice %arg13[%dma_start3A_145, %dma_start3A_147, %dma_start3A_148] : memref<2x50x128xf32, #tpu.memory_space<vmem>> -> memref<1x50x128xf32, #tpu.memory_space<vmem>>
    %dma_start3A_150 = tpu.memref_squeeze %dma_start3A_149 : memref<1x50x128xf32, #tpu.memory_space<vmem>> -> memref<50x128xf32, #tpu.memory_space<vmem>>
    %dma_start3A_151 = arith.constant 0 : i32
    %dma_start3A_152 = tpu.memref_slice %arg4[%select_n3A, %dma_start3A_151] : memref<40000x128xf32, #tpu.memory_space<hbm>> -> memref<50x128xf32, #tpu.memory_space<hbm>>
    %dma_start3A_153 = tpu.memref_slice %arg16[%dma_start3A_146] : memref<2x!tpu.dma_semaphore, #tpu.memory_space<semaphore_mem>> -> memref<1x!tpu.dma_semaphore, #tpu.memory_space<semaphore_mem>>
    %dma_start3A_154 = tpu.memref_squeeze %dma_start3A_153 : memref<1x!tpu.dma_semaphore, #tpu.memory_space<semaphore_mem>> -> memref<!tpu.dma_semaphore, #tpu.memory_space<semaphore_mem>>
    %dma_start3A_155 = arith.constant 0 : i32
    %dma_start3A_156 = arith.constant 0 : i32
    %dma_start3A_157 = tpu.memref_slice %arg13[%dma_start3A_145, %dma_start3A_155, %dma_start3A_156] : memref<2x50x128xf32, #tpu.memory_space<vmem>> -> memref<1x50x128xf32, #tpu.memory_space<vmem>>
    %dma_start3A_158 = tpu.memref_squeeze %dma_start3A_157 : memref<1x50x128xf32, #tpu.memory_space<vmem>> -> memref<50x128xf32, #tpu.memory_space<vmem>>
    %dma_start3A_159 = arith.constant 0 : i32
    %dma_start3A_160 = tpu.memref_slice %arg4[%select_n3A, %dma_start3A_159] : memref<40000x128xf32, #tpu.memory_space<hbm>> -> memref<50x128xf32, #tpu.memory_space<hbm>>
    tpu.enqueue_dma source(%dma_start3A_160 : memref<50x128xf32, #tpu.memory_space<hbm>>) target(%dma_start3A_158 : memref<50x128xf32, #tpu.memory_space<vmem>>) target_semaphore(%dma_start3A_154 : memref<!tpu.dma_semaphore, #tpu.memory_space<semaphore_mem>>)
    %dma_start3A_161 = arith.constant 0 : i32
    %dma_start3A_162 = arith.constant 0 : i32
    %dma_start3A_163 = arith.constant 0 : i32
    %dma_start3A_164 = arith.constant 0 : i32
    %dma_start3A_165 = arith.constant 0 : i32
    %dma_start3A_166 = arith.constant 0 : i32
    %dma_start3A_167 = tpu.memref_slice %arg11[%dma_start3A_163, %dma_start3A_165, %dma_start3A_166] : memref<2x400x32xbf16, #tpu.memory_space<vmem>> -> memref<1x400x32xbf16, #tpu.memory_space<vmem>>
    %dma_start3A_168 = tpu.memref_squeeze %dma_start3A_167 : memref<1x400x32xbf16, #tpu.memory_space<vmem>> -> memref<400x32xbf16, #tpu.memory_space<vmem>>
    %dma_start3A_169 = arith.constant 0 : i32
    %dma_start3A_170 = tpu.memref_slice %arg9[%dma_start3A_161, %dma_start3A_162, %dma_start3A_169] : memref<3x1x400xi32, #tpu.memory_space<vmem>> -> memref<1x1x400xi32, #tpu.memory_space<vmem>>
    %dma_start3A_171 = tpu.memref_squeeze %dma_start3A_170 : memref<1x1x400xi32, #tpu.memory_space<vmem>> -> memref<400xi32, #tpu.memory_space<vmem>>
    %dma_start3A_172 = arith.constant 0 : i32
    %dma_start3A_173 = arith.constant 0 : i32
    %dma_start3A_174 = tpu.memref_slice %arg2[%dma_start3A_172, %dma_start3A_173] : memref<10000x32xbf16, #tpu.memory_space<hbm>> -> memref<10000x32xbf16, #tpu.memory_space<hbm>>
    %dma_start3A_175 = tpu.memref_slice %arg16[%dma_start3A_164] : memref<2x!tpu.dma_semaphore, #tpu.memory_space<semaphore_mem>> -> memref<1x!tpu.dma_semaphore, #tpu.memory_space<semaphore_mem>>
    %dma_start3A_176 = tpu.memref_squeeze %dma_start3A_175 : memref<1x!tpu.dma_semaphore, #tpu.memory_space<semaphore_mem>> -> memref<!tpu.dma_semaphore, #tpu.memory_space<semaphore_mem>>
    tpu.enqueue_indirect_dma source(%dma_start3A_174 : memref<10000x32xbf16, #tpu.memory_space<hbm>>) target(%dma_start3A_168 : memref<400x32xbf16, #tpu.memory_space<vmem>>) offsets(%dma_start3A_171 : memref<400xi32, #tpu.memory_space<vmem>>) semaphore(%dma_start3A_176 : memref<!tpu.dma_semaphore, #tpu.memory_space<semaphore_mem>>)
    %dma_start3A_177 = arith.constant 0 : i32
    %dma_start3A_178 = arith.constant 0 : i32
    %dma_start3A_179 = arith.constant 0 : i32
    %dma_start3A_180 = arith.constant 0 : i32
    %dma_start3A_181 = arith.constant 0 : i32
    %dma_start3A_182 = arith.constant 0 : i32
    %dma_start3A_183 = tpu.memref_slice %arg12[%dma_start3A_179, %dma_start3A_181, %dma_start3A_182] : memref<2x400x32xbf16, #tpu.memory_space<vmem>> -> memref<1x400x32xbf16, #tpu.memory_space<vmem>>
    %dma_start3A_184 = tpu.memref_squeeze %dma_start3A_183 : memref<1x400x32xbf16, #tpu.memory_space<vmem>> -> memref<400x32xbf16, #tpu.memory_space<vmem>>
    %dma_start3A_185 = arith.constant 0 : i32
    %dma_start3A_186 = tpu.memref_slice %arg10[%dma_start3A_177, %dma_start3A_178, %dma_start3A_185] : memref<3x1x400xi32, #tpu.memory_space<vmem>> -> memref<1x1x400xi32, #tpu.memory_space<vmem>>
    %dma_start3A_187 = tpu.memref_squeeze %dma_start3A_186 : memref<1x1x400xi32, #tpu.memory_space<vmem>> -> memref<400xi32, #tpu.memory_space<vmem>>
    %dma_start3A_188 = arith.constant 0 : i32
    %dma_start3A_189 = arith.constant 0 : i32
    %dma_start3A_190 = tpu.memref_slice %arg3[%dma_start3A_188, %dma_start3A_189] : memref<10000x32xbf16, #tpu.memory_space<hbm>> -> memref<10000x32xbf16, #tpu.memory_space<hbm>>
    %dma_start3A_191 = tpu.memref_slice %arg16[%dma_start3A_180] : memref<2x!tpu.dma_semaphore, #tpu.memory_space<semaphore_mem>> -> memref<1x!tpu.dma_semaphore, #tpu.memory_space<semaphore_mem>>
    %dma_start3A_192 = tpu.memref_squeeze %dma_start3A_191 : memref<1x!tpu.dma_semaphore, #tpu.memory_space<semaphore_mem>> -> memref<!tpu.dma_semaphore, #tpu.memory_space<semaphore_mem>>
    tpu.enqueue_indirect_dma source(%dma_start3A_190 : memref<10000x32xbf16, #tpu.memory_space<hbm>>) target(%dma_start3A_184 : memref<400x32xbf16, #tpu.memory_space<vmem>>) offsets(%dma_start3A_187 : memref<400xi32, #tpu.memory_space<vmem>>) semaphore(%dma_start3A_192 : memref<!tpu.dma_semaphore, #tpu.memory_space<semaphore_mem>>)
    %scan3A = arith.constant 0 : i32
    %scan3A_193 = arith.constant 0 : i32
    %scan3A_194 = arith.constant 25 : i32
    %scan3A_195 = arith.addi %scan3A_193, %scan3A_194 : i32
    %scan3A_196 = arith.constant 1 : i32
    scf.for %scan3A_219 = %scan3A_193 to %scan3A_195 step %scan3A_196  : i32 {
      %jit3A_220 = arith.constant 2 : i32
      %eq3A = arith.constant 0 : i32
      %eq3A_221 = arith.cmpi eq, %jit3A_220, %eq3A : i32
      %jit3A_222 = arith.constant 1 : i32
      %select_n3A_223 = arith.select %eq3A_221, %jit3A_222, %jit3A_220 : i32
      %rem3A_224 = arith.remsi %scan3A_219, %select_n3A_223 : i32
      %ne3A_225 = arith.constant 0 : i32
      %ne3A_226 = arith.cmpi ne, %rem3A_224, %ne3A_225 : i32
      %lt3A = arith.constant 0 : i32
      %lt3A_227 = arith.cmpi slt, %rem3A_224, %lt3A : i32
      %lt3A_228 = arith.constant 0 : i32
      %lt3A_229 = arith.cmpi slt, %select_n3A_223, %lt3A_228 : i32
      %ne3A_230 = arith.xori %lt3A_227, %lt3A_229 : i1
      %and3A_231 = arith.andi %ne3A_230, %ne3A_226 : i1
      %add3A_232 = arith.addi %rem3A_224, %select_n3A_223 : i32
      %select_n3A_233 = arith.select %and3A_231, %add3A_232, %rem3A_224 : i32
      %jit3A_234 = arith.constant 2 : i32
      %eq3A_235 = arith.constant 0 : i32
      %eq3A_236 = arith.cmpi eq, %jit3A_234, %eq3A_235 : i32
      %jit3A_237 = arith.constant 1 : i32
      %select_n3A_238 = arith.select %eq3A_236, %jit3A_237, %jit3A_234 : i32
      %rem3A_239 = arith.remsi %scan3A_219, %select_n3A_238 : i32
      %ne3A_240 = arith.constant 0 : i32
      %ne3A_241 = arith.cmpi ne, %rem3A_239, %ne3A_240 : i32
      %lt3A_242 = arith.constant 0 : i32
      %lt3A_243 = arith.cmpi slt, %rem3A_239, %lt3A_242 : i32
      %lt3A_244 = arith.constant 0 : i32
      %lt3A_245 = arith.cmpi slt, %select_n3A_238, %lt3A_244 : i32
      %ne3A_246 = arith.xori %lt3A_243, %lt3A_245 : i1
      %and3A_247 = arith.andi %ne3A_246, %ne3A_241 : i1
      %add3A_248 = arith.addi %rem3A_239, %select_n3A_238 : i32
      %select_n3A_249 = arith.select %and3A_247, %add3A_248, %rem3A_239 : i32
      %jit3A_250 = arith.constant 3 : i32
      %eq3A_251 = arith.constant 0 : i32
      %eq3A_252 = arith.cmpi eq, %jit3A_250, %eq3A_251 : i32
      %jit3A_253 = arith.constant 1 : i32
      %select_n3A_254 = arith.select %eq3A_252, %jit3A_253, %jit3A_250 : i32
      %rem3A_255 = arith.remsi %scan3A_219, %select_n3A_254 : i32
      %ne3A_256 = arith.constant 0 : i32
      %ne3A_257 = arith.cmpi ne, %rem3A_255, %ne3A_256 : i32
      %lt3A_258 = arith.constant 0 : i32
      %lt3A_259 = arith.cmpi slt, %rem3A_255, %lt3A_258 : i32
      %lt3A_260 = arith.constant 0 : i32
      %lt3A_261 = arith.cmpi slt, %select_n3A_254, %lt3A_260 : i32
      %ne3A_262 = arith.xori %lt3A_259, %lt3A_261 : i1
      %and3A_263 = arith.andi %ne3A_262, %ne3A_257 : i1
      %add3A_264 = arith.addi %rem3A_255, %select_n3A_254 : i32
      %select_n3A_265 = arith.select %and3A_263, %add3A_264, %rem3A_255 : i32
      %ge3A = arith.constant 1 : i32
      %ge3A_266 = arith.cmpi sge, %scan3A_219, %ge3A : i32
      %convert_element_type3A = arith.extui %ge3A_266 : i1 to i32
      %cond3A = arith.constant 0 : i32
      %cond3A_267 = arith.cmpi ne, %convert_element_type3A, %cond3A : i32
      scf.if %cond3A_267 {
        %sub3A_374 = arith.constant 1 : i32
        %sub3A_375 = arith.subi %sub3A_374, %select_n3A_249 : i32
        %sub3A_376 = arith.constant 1 : i32
        %sub3A_377 = arith.subi %scan3A_219, %sub3A_376 : i32
        %jit3A_378 = arith.constant 3 : i32
        %eq3A_379 = arith.constant 0 : i32
        %eq3A_380 = arith.cmpi eq, %jit3A_378, %eq3A_379 : i32
        %jit3A_381 = arith.constant 1 : i32
        %select_n3A_382 = arith.select %eq3A_380, %jit3A_381, %jit3A_378 : i32
        %rem3A_383 = arith.remsi %sub3A_377, %select_n3A_382 : i32
        %ne3A_384 = arith.constant 0 : i32
        %ne3A_385 = arith.cmpi ne, %rem3A_383, %ne3A_384 : i32
        %lt3A_386 = arith.constant 0 : i32
        %lt3A_387 = arith.cmpi slt, %rem3A_383, %lt3A_386 : i32
        %lt3A_388 = arith.constant 0 : i32
        %lt3A_389 = arith.cmpi slt, %select_n3A_382, %lt3A_388 : i32
        %ne3A_390 = arith.xori %lt3A_387, %lt3A_389 : i1
        %and3A_391 = arith.andi %ne3A_390, %ne3A_385 : i1
        %add3A_392 = arith.addi %rem3A_383, %select_n3A_382 : i32
        %select_n3A_393 = arith.select %and3A_391, %add3A_392, %rem3A_383 : i32
        %dma_wait3A_394 = arith.constant 0 : i32
        %dma_wait3A_395 = arith.constant 0 : i32
        %dma_wait3A_396 = arith.constant 0 : i32
        %dma_wait3A_397 = tpu.memref_slice %arg14[%sub3A_375, %dma_wait3A_395, %dma_wait3A_396] : memref<2x400x32xf32, #tpu.memory_space<vmem>> -> memref<1x400x32xf32, #tpu.memory_space<vmem>>
        %dma_wait3A_398 = tpu.memref_squeeze %dma_wait3A_397 : memref<1x400x32xf32, #tpu.memory_space<vmem>> -> memref<400x32xf32, #tpu.memory_space<vmem>>
        %dma_wait3A_399 = arith.constant 0 : i32
        %dma_wait3A_400 = tpu.memref_slice %arg9[%select_n3A_393, %dma_wait3A_394, %dma_wait3A_399] : memref<3x1x400xi32, #tpu.memory_space<vmem>> -> memref<1x1x400xi32, #tpu.memory_space<vmem>>
        %dma_wait3A_401 = tpu.memref_squeeze %dma_wait3A_400 : memref<1x1x400xi32, #tpu.memory_space<vmem>> -> memref<400xi32, #tpu.memory_space<vmem>>
        %dma_wait3A_402 = arith.constant 0 : i32
        %dma_wait3A_403 = arith.constant 0 : i32
        %dma_wait3A_404 = tpu.memref_slice %arg8[%dma_wait3A_402, %dma_wait3A_403] : memref<10240x32xf32, #tpu.memory_space<vmem_shared>> -> memref<10240x32xf32, #tpu.memory_space<vmem_shared>>
        %dma_wait3A_405 = tpu.memref_slice %arg17[%sub3A_375] : memref<2x!tpu.dma_semaphore, #tpu.memory_space<semaphore_mem>> -> memref<1x!tpu.dma_semaphore, #tpu.memory_space<semaphore_mem>>
        %dma_wait3A_406 = tpu.memref_squeeze %dma_wait3A_405 : memref<1x!tpu.dma_semaphore, #tpu.memory_space<semaphore_mem>> -> memref<!tpu.dma_semaphore, #tpu.memory_space<semaphore_mem>>
        tpu.wait_indirect_dma semaphore(%dma_wait3A_406 : memref<!tpu.dma_semaphore, #tpu.memory_space<semaphore_mem>>) src(%dma_wait3A_398 : memref<400x32xf32, #tpu.memory_space<vmem>>) dst(%dma_wait3A_404 : memref<10240x32xf32, #tpu.memory_space<vmem_shared>>)
      } else {
      }
      %add3A_268 = arith.constant 2 : i32
      %add3A_269 = arith.addi %scan3A_219, %add3A_268 : i32
      %lt3A_270 = arith.constant 25 : i32
      %lt3A_271 = arith.cmpi slt, %add3A_269, %lt3A_270 : i32
      %convert_element_type3A_272 = arith.extui %lt3A_271 : i1 to i32
      %cond3A_273 = arith.constant 0 : i32
      %cond3A_274 = arith.cmpi ne, %convert_element_type3A_272, %cond3A_273 : i32
      scf.if %cond3A_274 {
        %add3A_374 = arith.constant 2 : i32
        %add3A_375 = arith.addi %scan3A_219, %add3A_374 : i32
        %add3A_376 = arith.constant 2 : i32
        %add3A_377 = arith.addi %scan3A_219, %add3A_376 : i32
        %jit3A_378 = arith.constant 3 : i32
        %eq3A_379 = arith.constant 0 : i32
        %eq3A_380 = arith.cmpi eq, %jit3A_378, %eq3A_379 : i32
        %jit3A_381 = arith.constant 1 : i32
        %select_n3A_382 = arith.select %eq3A_380, %jit3A_381, %jit3A_378 : i32
        %rem3A_383 = arith.remsi %add3A_377, %select_n3A_382 : i32
        %ne3A_384 = arith.constant 0 : i32
        %ne3A_385 = arith.cmpi ne, %rem3A_383, %ne3A_384 : i32
        %lt3A_386 = arith.constant 0 : i32
        %lt3A_387 = arith.cmpi slt, %rem3A_383, %lt3A_386 : i32
        %lt3A_388 = arith.constant 0 : i32
        %lt3A_389 = arith.cmpi slt, %select_n3A_382, %lt3A_388 : i32
        %ne3A_390 = arith.xori %lt3A_387, %lt3A_389 : i1
        %and3A_391 = arith.andi %ne3A_390, %ne3A_385 : i1
        %add3A_392 = arith.addi %rem3A_383, %select_n3A_382 : i32
        %select_n3A_393 = arith.select %and3A_391, %add3A_392, %rem3A_383 : i32
        %mul3A_394 = arith.constant 1 : i32
        %mul3A_395 = arith.muli %add3A_375, %mul3A_394 : i32
        %add3A_396 = arith.addi %mul3A_6, %mul3A_395 : i32
        %dma_start3A_397 = arith.constant 0 : i32
        %dma_start3A_398 = arith.constant 0 : i32
        %dma_start3A_399 = arith.constant 0 : i32
        %dma_start3A_400 = tpu.memref_slice %arg9[%select_n3A_393, %dma_start3A_398, %dma_start3A_399] : memref<3x1x400xi32, #tpu.memory_space<vmem>> -> memref<1x1x400xi32, #tpu.memory_space<vmem>>
        %dma_start3A_401 = tpu.memref_squeeze %dma_start3A_400 : memref<1x1x400xi32, #tpu.memory_space<vmem>> -> memref<1x400xi32, #tpu.memory_space<vmem>>
        %dma_start3A_402 = arith.constant 0 : i32
        %dma_start3A_403 = tpu.memref_slice %arg5[%dma_start3A_397, %add3A_396, %dma_start3A_402] : memref<2x800x400xi32, #tpu.memory_space<hbm>> -> memref<1x1x400xi32, #tpu.memory_space<hbm>>
        %dma_start3A_404 = tpu.memref_squeeze %dma_start3A_403 : memref<1x1x400xi32, #tpu.memory_space<hbm>> -> memref<1x400xi32, #tpu.memory_space<hbm>>
        %dma_start3A_405 = tpu.memref_slice %arg15[%select_n3A_393] : memref<3x!tpu.dma_semaphore, #tpu.memory_space<semaphore_mem>> -> memref<1x!tpu.dma_semaphore, #tpu.memory_space<semaphore_mem>>
        %dma_start3A_406 = tpu.memref_squeeze %dma_start3A_405 : memref<1x!tpu.dma_semaphore, #tpu.memory_space<semaphore_mem>> -> memref<!tpu.dma_semaphore, #tpu.memory_space<semaphore_mem>>
        %dma_start3A_407 = arith.constant 0 : i32
        %dma_start3A_408 = arith.constant 0 : i32
        %dma_start3A_409 = tpu.memref_slice %arg9[%select_n3A_393, %dma_start3A_407, %dma_start3A_408] : memref<3x1x400xi32, #tpu.memory_space<vmem>> -> memref<1x1x400xi32, #tpu.memory_space<vmem>>
        %dma_start3A_410 = tpu.memref_squeeze %dma_start3A_409 : memref<1x1x400xi32, #tpu.memory_space<vmem>> -> memref<1x400xi32, #tpu.memory_space<vmem>>
        %dma_start3A_411 = arith.constant 0 : i32
        %dma_start3A_412 = tpu.memref_slice %arg5[%dma_start3A_397, %add3A_396, %dma_start3A_411] : memref<2x800x400xi32, #tpu.memory_space<hbm>> -> memref<1x1x400xi32, #tpu.memory_space<hbm>>
        %dma_start3A_413 = tpu.memref_squeeze %dma_start3A_412 : memref<1x1x400xi32, #tpu.memory_space<hbm>> -> memref<1x400xi32, #tpu.memory_space<hbm>>
        tpu.enqueue_dma source(%dma_start3A_413 : memref<1x400xi32, #tpu.memory_space<hbm>>) target(%dma_start3A_410 : memref<1x400xi32, #tpu.memory_space<vmem>>) target_semaphore(%dma_start3A_406 : memref<!tpu.dma_semaphore, #tpu.memory_space<semaphore_mem>>)
        %dma_start3A_414 = arith.constant 1 : i32
        %dma_start3A_415 = arith.constant 0 : i32
        %dma_start3A_416 = arith.constant 0 : i32
        %dma_start3A_417 = tpu.memref_slice %arg10[%select_n3A_393, %dma_start3A_415, %dma_start3A_416] : memref<3x1x400xi32, #tpu.memory_space<vmem>> -> memref<1x1x400xi32, #tpu.memory_space<vmem>>
        %dma_start3A_418 = tpu.memref_squeeze %dma_start3A_417 : memref<1x1x400xi32, #tpu.memory_space<vmem>> -> memref<1x400xi32, #tpu.memory_space<vmem>>
        %dma_start3A_419 = arith.constant 0 : i32
        %dma_start3A_420 = tpu.memref_slice %arg5[%dma_start3A_414, %add3A_396, %dma_start3A_419] : memref<2x800x400xi32, #tpu.memory_space<hbm>> -> memref<1x1x400xi32, #tpu.memory_space<hbm>>
        %dma_start3A_421 = tpu.memref_squeeze %dma_start3A_420 : memref<1x1x400xi32, #tpu.memory_space<hbm>> -> memref<1x400xi32, #tpu.memory_space<hbm>>
        %dma_start3A_422 = tpu.memref_slice %arg15[%select_n3A_393] : memref<3x!tpu.dma_semaphore, #tpu.memory_space<semaphore_mem>> -> memref<1x!tpu.dma_semaphore, #tpu.memory_space<semaphore_mem>>
        %dma_start3A_423 = tpu.memref_squeeze %dma_start3A_422 : memref<1x!tpu.dma_semaphore, #tpu.memory_space<semaphore_mem>> -> memref<!tpu.dma_semaphore, #tpu.memory_space<semaphore_mem>>
        %dma_start3A_424 = arith.constant 0 : i32
        %dma_start3A_425 = arith.constant 0 : i32
        %dma_start3A_426 = tpu.memref_slice %arg10[%select_n3A_393, %dma_start3A_424, %dma_start3A_425] : memref<3x1x400xi32, #tpu.memory_space<vmem>> -> memref<1x1x400xi32, #tpu.memory_space<vmem>>
        %dma_start3A_427 = tpu.memref_squeeze %dma_start3A_426 : memref<1x1x400xi32, #tpu.memory_space<vmem>> -> memref<1x400xi32, #tpu.memory_space<vmem>>
        %dma_start3A_428 = arith.constant 0 : i32
        %dma_start3A_429 = tpu.memref_slice %arg5[%dma_start3A_414, %add3A_396, %dma_start3A_428] : memref<2x800x400xi32, #tpu.memory_space<hbm>> -> memref<1x1x400xi32, #tpu.memory_space<hbm>>
        %dma_start3A_430 = tpu.memref_squeeze %dma_start3A_429 : memref<1x1x400xi32, #tpu.memory_space<hbm>> -> memref<1x400xi32, #tpu.memory_space<hbm>>
        tpu.enqueue_dma source(%dma_start3A_430 : memref<1x400xi32, #tpu.memory_space<hbm>>) target(%dma_start3A_427 : memref<1x400xi32, #tpu.memory_space<vmem>>) target_semaphore(%dma_start3A_423 : memref<!tpu.dma_semaphore, #tpu.memory_space<semaphore_mem>>)
      } else {
      }
      %add3A_275 = arith.constant 1 : i32
      %add3A_276 = arith.addi %scan3A_219, %add3A_275 : i32
      %lt3A_277 = arith.constant 25 : i32
      %lt3A_278 = arith.cmpi slt, %add3A_276, %lt3A_277 : i32
      %convert_element_type3A_279 = arith.extui %lt3A_278 : i1 to i32
      %cond3A_280 = arith.constant 0 : i32
      %cond3A_281 = arith.cmpi ne, %convert_element_type3A_279, %cond3A_280 : i32
      scf.if %cond3A_281 {
        %add3A_374 = arith.constant 1 : i32
        %add3A_375 = arith.addi %scan3A_219, %add3A_374 : i32
        %add3A_376 = arith.constant 1 : i32
        %add3A_377 = arith.addi %scan3A_219, %add3A_376 : i32
        %jit3A_378 = arith.constant 3 : i32
        %eq3A_379 = arith.constant 0 : i32
        %eq3A_380 = arith.cmpi eq, %jit3A_378, %eq3A_379 : i32
        %jit3A_381 = arith.constant 1 : i32
        %select_n3A_382 = arith.select %eq3A_380, %jit3A_381, %jit3A_378 : i32
        %rem3A_383 = arith.remsi %add3A_377, %select_n3A_382 : i32
        %ne3A_384 = arith.constant 0 : i32
        %ne3A_385 = arith.cmpi ne, %rem3A_383, %ne3A_384 : i32
        %lt3A_386 = arith.constant 0 : i32
        %lt3A_387 = arith.cmpi slt, %rem3A_383, %lt3A_386 : i32
        %lt3A_388 = arith.constant 0 : i32
        %lt3A_389 = arith.cmpi slt, %select_n3A_382, %lt3A_388 : i32
        %ne3A_390 = arith.xori %lt3A_387, %lt3A_389 : i1
        %and3A_391 = arith.andi %ne3A_390, %ne3A_385 : i1
        %add3A_392 = arith.addi %rem3A_383, %select_n3A_382 : i32
        %select_n3A_393 = arith.select %and3A_391, %add3A_392, %rem3A_383 : i32
        %mul3A_394 = arith.constant 1 : i32
        %mul3A_395 = arith.muli %add3A_375, %mul3A_394 : i32
        %add3A_396 = arith.addi %mul3A_6, %mul3A_395 : i32
        %dma_wait3A_397 = arith.constant 0 : i32
        %dma_wait3A_398 = arith.constant 0 : i32
        %dma_wait3A_399 = arith.constant 0 : i32
        %dma_wait3A_400 = tpu.memref_slice %arg9[%select_n3A_393, %dma_wait3A_398, %dma_wait3A_399] : memref<3x1x400xi32, #tpu.memory_space<vmem>> -> memref<1x1x400xi32, #tpu.memory_space<vmem>>
        %dma_wait3A_401 = tpu.memref_squeeze %dma_wait3A_400 : memref<1x1x400xi32, #tpu.memory_space<vmem>> -> memref<1x400xi32, #tpu.memory_space<vmem>>
        %dma_wait3A_402 = arith.constant 0 : i32
        %dma_wait3A_403 = tpu.memref_slice %arg5[%dma_wait3A_397, %add3A_396, %dma_wait3A_402] : memref<2x800x400xi32, #tpu.memory_space<hbm>> -> memref<1x1x400xi32, #tpu.memory_space<hbm>>
        %dma_wait3A_404 = tpu.memref_squeeze %dma_wait3A_403 : memref<1x1x400xi32, #tpu.memory_space<hbm>> -> memref<1x400xi32, #tpu.memory_space<hbm>>
        %dma_wait3A_405 = tpu.memref_slice %arg15[%select_n3A_393] : memref<3x!tpu.dma_semaphore, #tpu.memory_space<semaphore_mem>> -> memref<1x!tpu.dma_semaphore, #tpu.memory_space<semaphore_mem>>
        %dma_wait3A_406 = tpu.memref_squeeze %dma_wait3A_405 : memref<1x!tpu.dma_semaphore, #tpu.memory_space<semaphore_mem>> -> memref<!tpu.dma_semaphore, #tpu.memory_space<semaphore_mem>>
        %dma_wait3A_407 = arith.constant 0 : i32
        %dma_wait3A_408 = arith.constant 0 : i32
        %dma_wait3A_409 = tpu.memref_slice %arg9[%select_n3A_393, %dma_wait3A_407, %dma_wait3A_408] : memref<3x1x400xi32, #tpu.memory_space<vmem>> -> memref<1x1x400xi32, #tpu.memory_space<vmem>>
        %dma_wait3A_410 = tpu.memref_squeeze %dma_wait3A_409 : memref<1x1x400xi32, #tpu.memory_space<vmem>> -> memref<1x400xi32, #tpu.memory_space<vmem>>
        %dma_wait3A_411 = arith.constant 0 : i32
        %dma_wait3A_412 = tpu.memref_slice %arg5[%dma_wait3A_397, %add3A_396, %dma_wait3A_411] : memref<2x800x400xi32, #tpu.memory_space<hbm>> -> memref<1x1x400xi32, #tpu.memory_space<hbm>>
        %dma_wait3A_413 = tpu.memref_squeeze %dma_wait3A_412 : memref<1x1x400xi32, #tpu.memory_space<hbm>> -> memref<1x400xi32, #tpu.memory_space<hbm>>
        tpu.wait_dma2 semaphore(%dma_wait3A_406 : memref<!tpu.dma_semaphore, #tpu.memory_space<semaphore_mem>>) src(%dma_wait3A_413 : memref<1x400xi32, #tpu.memory_space<hbm>>) dst(%dma_wait3A_410 : memref<1x400xi32, #tpu.memory_space<vmem>>)
        %dma_wait3A_414 = arith.constant 1 : i32
        %dma_wait3A_415 = arith.constant 0 : i32
        %dma_wait3A_416 = arith.constant 0 : i32
        %dma_wait3A_417 = tpu.memref_slice %arg10[%select_n3A_393, %dma_wait3A_415, %dma_wait3A_416] : memref<3x1x400xi32, #tpu.memory_space<vmem>> -> memref<1x1x400xi32, #tpu.memory_space<vmem>>
        %dma_wait3A_418 = tpu.memref_squeeze %dma_wait3A_417 : memref<1x1x400xi32, #tpu.memory_space<vmem>> -> memref<1x400xi32, #tpu.memory_space<vmem>>
        %dma_wait3A_419 = arith.constant 0 : i32
        %dma_wait3A_420 = tpu.memref_slice %arg5[%dma_wait3A_414, %add3A_396, %dma_wait3A_419] : memref<2x800x400xi32, #tpu.memory_space<hbm>> -> memref<1x1x400xi32, #tpu.memory_space<hbm>>
        %dma_wait3A_421 = tpu.memref_squeeze %dma_wait3A_420 : memref<1x1x400xi32, #tpu.memory_space<hbm>> -> memref<1x400xi32, #tpu.memory_space<hbm>>
        %dma_wait3A_422 = tpu.memref_slice %arg15[%select_n3A_393] : memref<3x!tpu.dma_semaphore, #tpu.memory_space<semaphore_mem>> -> memref<1x!tpu.dma_semaphore, #tpu.memory_space<semaphore_mem>>
        %dma_wait3A_423 = tpu.memref_squeeze %dma_wait3A_422 : memref<1x!tpu.dma_semaphore, #tpu.memory_space<semaphore_mem>> -> memref<!tpu.dma_semaphore, #tpu.memory_space<semaphore_mem>>
        %dma_wait3A_424 = arith.constant 0 : i32
        %dma_wait3A_425 = arith.constant 0 : i32
        %dma_wait3A_426 = tpu.memref_slice %arg10[%select_n3A_393, %dma_wait3A_424, %dma_wait3A_425] : memref<3x1x400xi32, #tpu.memory_space<vmem>> -> memref<1x1x400xi32, #tpu.memory_space<vmem>>
        %dma_wait3A_427 = tpu.memref_squeeze %dma_wait3A_426 : memref<1x1x400xi32, #tpu.memory_space<vmem>> -> memref<1x400xi32, #tpu.memory_space<vmem>>
        %dma_wait3A_428 = arith.constant 0 : i32
        %dma_wait3A_429 = tpu.memref_slice %arg5[%dma_wait3A_414, %add3A_396, %dma_wait3A_428] : memref<2x800x400xi32, #tpu.memory_space<hbm>> -> memref<1x1x400xi32, #tpu.memory_space<hbm>>
        %dma_wait3A_430 = tpu.memref_squeeze %dma_wait3A_429 : memref<1x1x400xi32, #tpu.memory_space<hbm>> -> memref<1x400xi32, #tpu.memory_space<hbm>>
        tpu.wait_dma2 semaphore(%dma_wait3A_423 : memref<!tpu.dma_semaphore, #tpu.memory_space<semaphore_mem>>) src(%dma_wait3A_430 : memref<1x400xi32, #tpu.memory_space<hbm>>) dst(%dma_wait3A_427 : memref<1x400xi32, #tpu.memory_space<vmem>>)
        %add3A_431 = arith.constant 1 : i32
        %add3A_432 = arith.addi %scan3A_219, %add3A_431 : i32
        %add3A_433 = arith.constant 1 : i32
        %add3A_434 = arith.addi %scan3A_219, %add3A_433 : i32
        %jit3A_435 = arith.constant 2 : i32
        %eq3A_436 = arith.constant 0 : i32
        %eq3A_437 = arith.cmpi eq, %jit3A_435, %eq3A_436 : i32
        %jit3A_438 = arith.constant 1 : i32
        %select_n3A_439 = arith.select %eq3A_437, %jit3A_438, %jit3A_435 : i32
        %rem3A_440 = arith.remsi %add3A_434, %select_n3A_439 : i32
        %ne3A_441 = arith.constant 0 : i32
        %ne3A_442 = arith.cmpi ne, %rem3A_440, %ne3A_441 : i32
        %lt3A_443 = arith.constant 0 : i32
        %lt3A_444 = arith.cmpi slt, %rem3A_440, %lt3A_443 : i32
        %lt3A_445 = arith.constant 0 : i32
        %lt3A_446 = arith.cmpi slt, %select_n3A_439, %lt3A_445 : i32
        %ne3A_447 = arith.xori %lt3A_444, %lt3A_446 : i1
        %and3A_448 = arith.andi %ne3A_447, %ne3A_442 : i1
        %add3A_449 = arith.addi %rem3A_440, %select_n3A_439 : i32
        %select_n3A_450 = arith.select %and3A_448, %add3A_449, %rem3A_440 : i32
        %add3A_451 = arith.constant 1 : i32
        %add3A_452 = arith.addi %scan3A_219, %add3A_451 : i32
        %jit3A_453 = arith.constant 3 : i32
        %eq3A_454 = arith.constant 0 : i32
        %eq3A_455 = arith.cmpi eq, %jit3A_453, %eq3A_454 : i32
        %jit3A_456 = arith.constant 1 : i32
        %select_n3A_457 = arith.select %eq3A_455, %jit3A_456, %jit3A_453 : i32
        %rem3A_458 = arith.remsi %add3A_452, %select_n3A_457 : i32
        %ne3A_459 = arith.constant 0 : i32
        %ne3A_460 = arith.cmpi ne, %rem3A_458, %ne3A_459 : i32
        %lt3A_461 = arith.constant 0 : i32
        %lt3A_462 = arith.cmpi slt, %rem3A_458, %lt3A_461 : i32
        %lt3A_463 = arith.constant 0 : i32
        %lt3A_464 = arith.cmpi slt, %select_n3A_457, %lt3A_463 : i32
        %ne3A_465 = arith.xori %lt3A_462, %lt3A_464 : i1
        %and3A_466 = arith.andi %ne3A_465, %ne3A_460 : i1
        %add3A_467 = arith.addi %rem3A_458, %select_n3A_457 : i32
        %select_n3A_468 = arith.select %and3A_466, %add3A_467, %rem3A_458 : i32
        %mul3A_469 = arith.constant 400 : i32
        %mul3A_470 = arith.muli %add3A_432, %mul3A_469 : i32
        %add3A_471 = arith.addi %mul3A_8, %mul3A_470 : i32
        %jit3A_472 = arith.constant 8 : i32
        %div3A_473 = arith.divsi %add3A_471, %jit3A_472 : i32
        %sign3A_474 = arith.constant 0 : i32
        %sign3A_475 = arith.cmpi sgt, %add3A_471, %sign3A_474 : i32
        %sign3A_476 = arith.extui %sign3A_475 : i1 to i32
        %sign3A_477 = arith.constant 0 : i32
        %sign3A_478 = arith.cmpi slt, %add3A_471, %sign3A_477 : i32
        %sign3A_479 = arith.extui %sign3A_478 : i1 to i32
        %sign3A_480 = arith.subi %sign3A_476, %sign3A_479 : i32
        %sign3A_481 = arith.constant 0 : i32
        %sign3A_482 = arith.cmpi sgt, %jit3A_472, %sign3A_481 : i32
        %sign3A_483 = arith.extui %sign3A_482 : i1 to i32
        %sign3A_484 = arith.constant 0 : i32
        %sign3A_485 = arith.cmpi slt, %jit3A_472, %sign3A_484 : i32
        %sign3A_486 = arith.extui %sign3A_485 : i1 to i32
        %sign3A_487 = arith.subi %sign3A_483, %sign3A_486 : i32
        %ne3A_488 = arith.cmpi ne, %sign3A_480, %sign3A_487 : i32
        %rem3A_489 = arith.remsi %add3A_471, %jit3A_472 : i32
        %ne3A_490 = arith.constant 0 : i32
        %ne3A_491 = arith.cmpi ne, %rem3A_489, %ne3A_490 : i32
        %and3A_492 = arith.andi %ne3A_488, %ne3A_491 : i1
        %sub3A_493 = arith.constant 1 : i32
        %sub3A_494 = arith.subi %div3A_473, %sub3A_493 : i32
        %select_n3A_495 = arith.select %and3A_492, %sub3A_494, %div3A_473 : i32
        %dma_start3A_496 = arith.constant 0 : i32
        %dma_start3A_497 = arith.constant 0 : i32
        %dma_start3A_498 = tpu.memref_slice %arg13[%select_n3A_450, %dma_start3A_496, %dma_start3A_497] : memref<2x50x128xf32, #tpu.memory_space<vmem>> -> memref<1x50x128xf32, #tpu.memory_space<vmem>>
        %dma_start3A_499 = tpu.memref_squeeze %dma_start3A_498 : memref<1x50x128xf32, #tpu.memory_space<vmem>> -> memref<50x128xf32, #tpu.memory_space<vmem>>
        %dma_start3A_500 = arith.constant 0 : i32
        %dma_start3A_501 = tpu.memref_slice %arg4[%select_n3A_495, %dma_start3A_500] : memref<40000x128xf32, #tpu.memory_space<hbm>> -> memref<50x128xf32, #tpu.memory_space<hbm>>
        %dma_start3A_502 = tpu.memref_slice %arg16[%select_n3A_450] : memref<2x!tpu.dma_semaphore, #tpu.memory_space<semaphore_mem>> -> memref<1x!tpu.dma_semaphore, #tpu.memory_space<semaphore_mem>>
        %dma_start3A_503 = tpu.memref_squeeze %dma_start3A_502 : memref<1x!tpu.dma_semaphore, #tpu.memory_space<semaphore_mem>> -> memref<!tpu.dma_semaphore, #tpu.memory_space<semaphore_mem>>
        %dma_start3A_504 = arith.constant 0 : i32
        %dma_start3A_505 = arith.constant 0 : i32
        %dma_start3A_506 = tpu.memref_slice %arg13[%select_n3A_450, %dma_start3A_504, %dma_start3A_505] : memref<2x50x128xf32, #tpu.memory_space<vmem>> -> memref<1x50x128xf32, #tpu.memory_space<vmem>>
        %dma_start3A_507 = tpu.memref_squeeze %dma_start3A_506 : memref<1x50x128xf32, #tpu.memory_space<vmem>> -> memref<50x128xf32, #tpu.memory_space<vmem>>
        %dma_start3A_508 = arith.constant 0 : i32
        %dma_start3A_509 = tpu.memref_slice %arg4[%select_n3A_495, %dma_start3A_508] : memref<40000x128xf32, #tpu.memory_space<hbm>> -> memref<50x128xf32, #tpu.memory_space<hbm>>
        tpu.enqueue_dma source(%dma_start3A_509 : memref<50x128xf32, #tpu.memory_space<hbm>>) target(%dma_start3A_507 : memref<50x128xf32, #tpu.memory_space<vmem>>) target_semaphore(%dma_start3A_503 : memref<!tpu.dma_semaphore, #tpu.memory_space<semaphore_mem>>)
        %dma_start3A_510 = arith.constant 0 : i32
        %dma_start3A_511 = arith.constant 0 : i32
        %dma_start3A_512 = arith.constant 0 : i32
        %dma_start3A_513 = tpu.memref_slice %arg11[%select_n3A_450, %dma_start3A_511, %dma_start3A_512] : memref<2x400x32xbf16, #tpu.memory_space<vmem>> -> memref<1x400x32xbf16, #tpu.memory_space<vmem>>
        %dma_start3A_514 = tpu.memref_squeeze %dma_start3A_513 : memref<1x400x32xbf16, #tpu.memory_space<vmem>> -> memref<400x32xbf16, #tpu.memory_space<vmem>>
        %dma_start3A_515 = arith.constant 0 : i32
        %dma_start3A_516 = tpu.memref_slice %arg9[%select_n3A_468, %dma_start3A_510, %dma_start3A_515] : memref<3x1x400xi32, #tpu.memory_space<vmem>> -> memref<1x1x400xi32, #tpu.memory_space<vmem>>
        %dma_start3A_517 = tpu.memref_squeeze %dma_start3A_516 : memref<1x1x400xi32, #tpu.memory_space<vmem>> -> memref<400xi32, #tpu.memory_space<vmem>>
        %dma_start3A_518 = arith.constant 0 : i32
        %dma_start3A_519 = arith.constant 0 : i32
        %dma_start3A_520 = tpu.memref_slice %arg2[%dma_start3A_518, %dma_start3A_519] : memref<10000x32xbf16, #tpu.memory_space<hbm>> -> memref<10000x32xbf16, #tpu.memory_space<hbm>>
        %dma_start3A_521 = tpu.memref_slice %arg16[%select_n3A_450] : memref<2x!tpu.dma_semaphore, #tpu.memory_space<semaphore_mem>> -> memref<1x!tpu.dma_semaphore, #tpu.memory_space<semaphore_mem>>
        %dma_start3A_522 = tpu.memref_squeeze %dma_start3A_521 : memref<1x!tpu.dma_semaphore, #tpu.memory_space<semaphore_mem>> -> memref<!tpu.dma_semaphore, #tpu.memory_space<semaphore_mem>>
        tpu.enqueue_indirect_dma source(%dma_start3A_520 : memref<10000x32xbf16, #tpu.memory_space<hbm>>) target(%dma_start3A_514 : memref<400x32xbf16, #tpu.memory_space<vmem>>) offsets(%dma_start3A_517 : memref<400xi32, #tpu.memory_space<vmem>>) semaphore(%dma_start3A_522 : memref<!tpu.dma_semaphore, #tpu.memory_space<semaphore_mem>>)
        %dma_start3A_523 = arith.constant 0 : i32
        %dma_start3A_524 = arith.constant 0 : i32
        %dma_start3A_525 = arith.constant 0 : i32
        %dma_start3A_526 = tpu.memref_slice %arg12[%select_n3A_450, %dma_start3A_524, %dma_start3A_525] : memref<2x400x32xbf16, #tpu.memory_space<vmem>> -> memref<1x400x32xbf16, #tpu.memory_space<vmem>>
        %dma_start3A_527 = tpu.memref_squeeze %dma_start3A_526 : memref<1x400x32xbf16, #tpu.memory_space<vmem>> -> memref<400x32xbf16, #tpu.memory_space<vmem>>
        %dma_start3A_528 = arith.constant 0 : i32
        %dma_start3A_529 = tpu.memref_slice %arg10[%select_n3A_468, %dma_start3A_523, %dma_start3A_528] : memref<3x1x400xi32, #tpu.memory_space<vmem>> -> memref<1x1x400xi32, #tpu.memory_space<vmem>>
        %dma_start3A_530 = tpu.memref_squeeze %dma_start3A_529 : memref<1x1x400xi32, #tpu.memory_space<vmem>> -> memref<400xi32, #tpu.memory_space<vmem>>
        %dma_start3A_531 = arith.constant 0 : i32
        %dma_start3A_532 = arith.constant 0 : i32
        %dma_start3A_533 = tpu.memref_slice %arg3[%dma_start3A_531, %dma_start3A_532] : memref<10000x32xbf16, #tpu.memory_space<hbm>> -> memref<10000x32xbf16, #tpu.memory_space<hbm>>
        %dma_start3A_534 = tpu.memref_slice %arg16[%select_n3A_450] : memref<2x!tpu.dma_semaphore, #tpu.memory_space<semaphore_mem>> -> memref<1x!tpu.dma_semaphore, #tpu.memory_space<semaphore_mem>>
        %dma_start3A_535 = tpu.memref_squeeze %dma_start3A_534 : memref<1x!tpu.dma_semaphore, #tpu.memory_space<semaphore_mem>> -> memref<!tpu.dma_semaphore, #tpu.memory_space<semaphore_mem>>
        tpu.enqueue_indirect_dma source(%dma_start3A_533 : memref<10000x32xbf16, #tpu.memory_space<hbm>>) target(%dma_start3A_527 : memref<400x32xbf16, #tpu.memory_space<vmem>>) offsets(%dma_start3A_530 : memref<400xi32, #tpu.memory_space<vmem>>) semaphore(%dma_start3A_535 : memref<!tpu.dma_semaphore, #tpu.memory_space<semaphore_mem>>)
      } else {
      }
      %mul3A_282 = arith.constant 400 : i32
      %mul3A_283 = arith.muli %scan3A_219, %mul3A_282 : i32
      %add3A_284 = arith.addi %mul3A_8, %mul3A_283 : i32
      %jit3A_285 = arith.constant 8 : i32
      %div3A_286 = arith.divsi %add3A_284, %jit3A_285 : i32
      %sign3A_287 = arith.constant 0 : i32
      %sign3A_288 = arith.cmpi sgt, %add3A_284, %sign3A_287 : i32
      %sign3A_289 = arith.extui %sign3A_288 : i1 to i32
      %sign3A_290 = arith.constant 0 : i32
      %sign3A_291 = arith.cmpi slt, %add3A_284, %sign3A_290 : i32
      %sign3A_292 = arith.extui %sign3A_291 : i1 to i32
      %sign3A_293 = arith.subi %sign3A_289, %sign3A_292 : i32
      %sign3A_294 = arith.constant 0 : i32
      %sign3A_295 = arith.cmpi sgt, %jit3A_285, %sign3A_294 : i32
      %sign3A_296 = arith.extui %sign3A_295 : i1 to i32
      %sign3A_297 = arith.constant 0 : i32
      %sign3A_298 = arith.cmpi slt, %jit3A_285, %sign3A_297 : i32
      %sign3A_299 = arith.extui %sign3A_298 : i1 to i32
      %sign3A_300 = arith.subi %sign3A_296, %sign3A_299 : i32
      %ne3A_301 = arith.cmpi ne, %sign3A_293, %sign3A_300 : i32
      %rem3A_302 = arith.remsi %add3A_284, %jit3A_285 : i32
      %ne3A_303 = arith.constant 0 : i32
      %ne3A_304 = arith.cmpi ne, %rem3A_302, %ne3A_303 : i32
      %and3A_305 = arith.andi %ne3A_301, %ne3A_304 : i1
      %sub3A_306 = arith.constant 1 : i32
      %sub3A_307 = arith.subi %div3A_286, %sub3A_306 : i32
      %select_n3A_308 = arith.select %and3A_305, %sub3A_307, %div3A_286 : i32
      %dma_wait3A_309 = arith.constant 0 : i32
      %dma_wait3A_310 = arith.constant 0 : i32
      %dma_wait3A_311 = tpu.memref_slice %arg13[%select_n3A_233, %dma_wait3A_309, %dma_wait3A_310] : memref<2x50x128xf32, #tpu.memory_space<vmem>> -> memref<1x50x128xf32, #tpu.memory_space<vmem>>
      %dma_wait3A_312 = tpu.memref_squeeze %dma_wait3A_311 : memref<1x50x128xf32, #tpu.memory_space<vmem>> -> memref<50x128xf32, #tpu.memory_space<vmem>>
      %dma_wait3A_313 = arith.constant 0 : i32
      %dma_wait3A_314 = tpu.memref_slice %arg4[%select_n3A_308, %dma_wait3A_313] : memref<40000x128xf32, #tpu.memory_space<hbm>> -> memref<50x128xf32, #tpu.memory_space<hbm>>
      %dma_wait3A_315 = tpu.memref_slice %arg16[%select_n3A_233] : memref<2x!tpu.dma_semaphore, #tpu.memory_space<semaphore_mem>> -> memref<1x!tpu.dma_semaphore, #tpu.memory_space<semaphore_mem>>
      %dma_wait3A_316 = tpu.memref_squeeze %dma_wait3A_315 : memref<1x!tpu.dma_semaphore, #tpu.memory_space<semaphore_mem>> -> memref<!tpu.dma_semaphore, #tpu.memory_space<semaphore_mem>>
      %dma_wait3A_317 = arith.constant 0 : i32
      %dma_wait3A_318 = arith.constant 0 : i32
      %dma_wait3A_319 = tpu.memref_slice %arg13[%select_n3A_233, %dma_wait3A_317, %dma_wait3A_318] : memref<2x50x128xf32, #tpu.memory_space<vmem>> -> memref<1x50x128xf32, #tpu.memory_space<vmem>>
      %dma_wait3A_320 = tpu.memref_squeeze %dma_wait3A_319 : memref<1x50x128xf32, #tpu.memory_space<vmem>> -> memref<50x128xf32, #tpu.memory_space<vmem>>
      %dma_wait3A_321 = arith.constant 0 : i32
      %dma_wait3A_322 = tpu.memref_slice %arg4[%select_n3A_308, %dma_wait3A_321] : memref<40000x128xf32, #tpu.memory_space<hbm>> -> memref<50x128xf32, #tpu.memory_space<hbm>>
      tpu.wait_dma2 semaphore(%dma_wait3A_316 : memref<!tpu.dma_semaphore, #tpu.memory_space<semaphore_mem>>) src(%dma_wait3A_322 : memref<50x128xf32, #tpu.memory_space<hbm>>) dst(%dma_wait3A_320 : memref<50x128xf32, #tpu.memory_space<vmem>>)
      %dma_wait3A_323 = arith.constant 0 : i32
      %dma_wait3A_324 = arith.constant 0 : i32
      %dma_wait3A_325 = tpu.memref_slice %arg11[%select_n3A_233, %dma_wait3A_323, %dma_wait3A_324] : memref<2x400x32xbf16, #tpu.memory_space<vmem>> -> memref<1x400x32xbf16, #tpu.memory_space<vmem>>
      %dma_wait3A_326 = tpu.memref_squeeze %dma_wait3A_325 : memref<1x400x32xbf16, #tpu.memory_space<vmem>> -> memref<400x32xbf16, #tpu.memory_space<vmem>>
      %dma_wait3A_327 = arith.constant 0 : i32
      %dma_wait3A_328 = arith.constant 0 : i32
      %dma_wait3A_329 = tpu.memref_slice %arg2[%dma_wait3A_327, %dma_wait3A_328] : memref<10000x32xbf16, #tpu.memory_space<hbm>> -> memref<400x32xbf16, #tpu.memory_space<hbm>>
      %dma_wait3A_330 = tpu.memref_slice %arg16[%select_n3A_233] : memref<2x!tpu.dma_semaphore, #tpu.memory_space<semaphore_mem>> -> memref<1x!tpu.dma_semaphore, #tpu.memory_space<semaphore_mem>>
      %dma_wait3A_331 = tpu.memref_squeeze %dma_wait3A_330 : memref<1x!tpu.dma_semaphore, #tpu.memory_space<semaphore_mem>> -> memref<!tpu.dma_semaphore, #tpu.memory_space<semaphore_mem>>
      %dma_wait3A_332 = arith.constant 0 : i32
      %dma_wait3A_333 = arith.constant 0 : i32
      %dma_wait3A_334 = tpu.memref_slice %arg11[%select_n3A_233, %dma_wait3A_332, %dma_wait3A_333] : memref<2x400x32xbf16, #tpu.memory_space<vmem>> -> memref<1x400x32xbf16, #tpu.memory_space<vmem>>
      %dma_wait3A_335 = tpu.memref_squeeze %dma_wait3A_334 : memref<1x400x32xbf16, #tpu.memory_space<vmem>> -> memref<400x32xbf16, #tpu.memory_space<vmem>>
      %dma_wait3A_336 = arith.constant 0 : i32
      %dma_wait3A_337 = arith.constant 0 : i32
      %dma_wait3A_338 = tpu.memref_slice %arg2[%dma_wait3A_336, %dma_wait3A_337] : memref<10000x32xbf16, #tpu.memory_space<hbm>> -> memref<400x32xbf16, #tpu.memory_space<hbm>>
      tpu.wait_dma2 semaphore(%dma_wait3A_331 : memref<!tpu.dma_semaphore, #tpu.memory_space<semaphore_mem>>) src(%dma_wait3A_338 : memref<400x32xbf16, #tpu.memory_space<hbm>>) dst(%dma_wait3A_335 : memref<400x32xbf16, #tpu.memory_space<vmem>>)
      %dma_wait3A_339 = arith.constant 0 : i32
      %dma_wait3A_340 = arith.constant 0 : i32
      %dma_wait3A_341 = tpu.memref_slice %arg12[%select_n3A_233, %dma_wait3A_339, %dma_wait3A_340] : memref<2x400x32xbf16, #tpu.memory_space<vmem>> -> memref<1x400x32xbf16, #tpu.memory_space<vmem>>
      %dma_wait3A_342 = tpu.memref_squeeze %dma_wait3A_341 : memref<1x400x32xbf16, #tpu.memory_space<vmem>> -> memref<400x32xbf16, #tpu.memory_space<vmem>>
      %dma_wait3A_343 = arith.constant 0 : i32
      %dma_wait3A_344 = arith.constant 0 : i32
      %dma_wait3A_345 = tpu.memref_slice %arg3[%dma_wait3A_343, %dma_wait3A_344] : memref<10000x32xbf16, #tpu.memory_space<hbm>> -> memref<400x32xbf16, #tpu.memory_space<hbm>>
      %dma_wait3A_346 = tpu.memref_slice %arg16[%select_n3A_233] : memref<2x!tpu.dma_semaphore, #tpu.memory_space<semaphore_mem>> -> memref<1x!tpu.dma_semaphore, #tpu.memory_space<semaphore_mem>>
      %dma_wait3A_347 = tpu.memref_squeeze %dma_wait3A_346 : memref<1x!tpu.dma_semaphore, #tpu.memory_space<semaphore_mem>> -> memref<!tpu.dma_semaphore, #tpu.memory_space<semaphore_mem>>
      %dma_wait3A_348 = arith.constant 0 : i32
      %dma_wait3A_349 = arith.constant 0 : i32
      %dma_wait3A_350 = tpu.memref_slice %arg12[%select_n3A_233, %dma_wait3A_348, %dma_wait3A_349] : memref<2x400x32xbf16, #tpu.memory_space<vmem>> -> memref<1x400x32xbf16, #tpu.memory_space<vmem>>
      %dma_wait3A_351 = tpu.memref_squeeze %dma_wait3A_350 : memref<1x400x32xbf16, #tpu.memory_space<vmem>> -> memref<400x32xbf16, #tpu.memory_space<vmem>>
      %dma_wait3A_352 = arith.constant 0 : i32
      %dma_wait3A_353 = arith.constant 0 : i32
      %dma_wait3A_354 = tpu.memref_slice %arg3[%dma_wait3A_352, %dma_wait3A_353] : memref<10000x32xbf16, #tpu.memory_space<hbm>> -> memref<400x32xbf16, #tpu.memory_space<hbm>>
      tpu.wait_dma2 semaphore(%dma_wait3A_347 : memref<!tpu.dma_semaphore, #tpu.memory_space<semaphore_mem>>) src(%dma_wait3A_354 : memref<400x32xbf16, #tpu.memory_space<hbm>>) dst(%dma_wait3A_351 : memref<400x32xbf16, #tpu.memory_space<vmem>>)
      %scan3A_355 = arith.constant 0 : i32
      %scan3A_356 = arith.constant 0 : i32
      %scan3A_357 = arith.constant 100 : i32
      %scan3A_358 = arith.addi %scan3A_356, %scan3A_357 : i32
      %scan3A_359 = arith.constant 1 : i32
      scf.for %scan3A_374 = %scan3A_356 to %scan3A_358 step %scan3A_359  : i32 {
        %mul3A_375 = arith.constant 4 : i32
        %mul3A_376 = arith.muli %scan3A_374, %mul3A_375 : i32
        %add3A_377 = arith.constant 0 : i32
        %add3A_378 = arith.addi %mul3A_376, %add3A_377 : i32
        %shift_right_arithmetic3A = arith.constant 3 : i32
        %shift_right_arithmetic3A_379 = arith.shrsi %add3A_378, %shift_right_arithmetic3A : i32
        %and3A_380 = arith.constant 7 : i32
        %and3A_381 = arith.andi %add3A_378, %and3A_380 : i32
        %mul3A_382 = arith.constant 16 : i32
        %mul3A_383 = arith.muli %and3A_381, %mul3A_382 : i32
        %get3A = arith.index_cast %select_n3A_233 : i32 to index
        %get3A_384 = arith.index_cast %add3A_378 : i32 to index
        %get3A_385 = arith.constant 0 : index
        %get3A_386 = tpu.vector_load %arg11[%get3A, %get3A_384, %get3A_385] {strides = array<i32>} : memref<2x400x32xbf16, #tpu.memory_space<vmem>>, vector<32xbf16>,
        %unpack3A = tpu.unpack_subelements %get3A_386, 0 {pack_format = #tpu.pack_format<interleaved>} : vector<32xbf16> -> vector<16xf32>
        %unpack3A_387 = tpu.unpack_subelements %get3A_386, 1 {pack_format = #tpu.pack_format<interleaved>} : vector<32xbf16> -> vector<16xf32>
        %get3A_388 = arith.index_cast %select_n3A_233 : i32 to index
        %get3A_389 = arith.index_cast %add3A_378 : i32 to index
        %get3A_390 = arith.constant 0 : index
        %get3A_391 = tpu.vector_load %arg12[%get3A_388, %get3A_389, %get3A_390] {strides = array<i32>} : memref<2x400x32xbf16, #tpu.memory_space<vmem>>, vector<32xbf16>,
        %unpack3A_392 = tpu.unpack_subelements %get3A_391, 0 {pack_format = #tpu.pack_format<interleaved>} : vector<32xbf16> -> vector<16xf32>
        %unpack3A_393 = tpu.unpack_subelements %get3A_391, 1 {pack_format = #tpu.pack_format<interleaved>} : vector<32xbf16> -> vector<16xf32>
        %get3A_394 = arith.index_cast %select_n3A_233 : i32 to index
        %get3A_395 = arith.index_cast %shift_right_arithmetic3A_379 : i32 to index
        %get3A_396 = arith.index_cast %mul3A_383 : i32 to index
        %get3A_397 = tpu.vector_load %arg13[%get3A_394, %get3A_395, %get3A_396] {strides = array<i32>} : memref<2x50x128xf32, #tpu.memory_space<vmem>>, vector<16xf32>,
        %bitcast3A = vector.bitcast %get3A_397 : vector<16xf32> to vector<32xbf16>
        %unpack3A_398 = tpu.unpack_subelements %bitcast3A, 0 {pack_format = #tpu.pack_format<interleaved>} : vector<32xbf16> -> vector<16xf32>
        %unpack3A_399 = tpu.unpack_subelements %bitcast3A, 1 {pack_format = #tpu.pack_format<interleaved>} : vector<32xbf16> -> vector<16xf32>
        %add3A_400 = arith.addf %unpack3A, %unpack3A_392 : vector<16xf32>
        %add3A_401 = arith.addf %add3A_400, %unpack3A_398 : vector<16xf32>
        %max3A = arith.constant 0.000000e+00 : f32
        %max3A_402 = vector.broadcast %max3A : f32 to vector<16xf32>
        %max3A_403 = arith.maximumf %add3A_401, %max3A_402 : vector<16xf32>
        %swap3A = arith.index_cast %select_n3A_249 : i32 to index
        %swap3A_404 = arith.index_cast %add3A_378 : i32 to index
        %swap3A_405 = arith.constant 0 : index
        %swap3A_406 = tpu.vector_load %arg14[%swap3A, %swap3A_404, %swap3A_405] {strides = array<i32>} : memref<2x400x32xf32, #tpu.memory_space<vmem>>, vector<16xf32>,
        tpu.vector_store %arg14[%swap3A, %swap3A_404, %swap3A_405], %max3A_403 {strides = array<i32>} : memref<2x400x32xf32, #tpu.memory_space<vmem>>, vector<16xf32>,
        %add3A_407 = arith.addf %unpack3A_387, %unpack3A_393 : vector<16xf32>
        %add3A_408 = arith.addf %add3A_407, %unpack3A_399 : vector<16xf32>
        %max3A_409 = arith.constant 0.000000e+00 : f32
        %max3A_410 = vector.broadcast %max3A_409 : f32 to vector<16xf32>
        %max3A_411 = arith.maximumf %add3A_408, %max3A_410 : vector<16xf32>
        %swap3A_412 = arith.index_cast %select_n3A_249 : i32 to index
        %swap3A_413 = arith.index_cast %add3A_378 : i32 to index
        %swap3A_414 = arith.constant 16 : index
        %swap3A_415 = tpu.vector_load %arg14[%swap3A_412, %swap3A_413, %swap3A_414] {strides = array<i32>} : memref<2x400x32xf32, #tpu.memory_space<vmem>>, vector<16xf32>,
        tpu.vector_store %arg14[%swap3A_412, %swap3A_413, %swap3A_414], %max3A_411 {strides = array<i32>} : memref<2x400x32xf32, #tpu.memory_space<vmem>>, vector<16xf32>,
        %mul3A_416 = arith.constant 4 : i32
        %mul3A_417 = arith.muli %scan3A_374, %mul3A_416 : i32
        %add3A_418 = arith.constant 1 : i32
        %add3A_419 = arith.addi %mul3A_417, %add3A_418 : i32
        %shift_right_arithmetic3A_420 = arith.constant 3 : i32
        %shift_right_arithmetic3A_421 = arith.shrsi %add3A_419, %shift_right_arithmetic3A_420 : i32
        %and3A_422 = arith.constant 7 : i32
        %and3A_423 = arith.andi %add3A_419, %and3A_422 : i32
        %mul3A_424 = arith.constant 16 : i32
        %mul3A_425 = arith.muli %and3A_423, %mul3A_424 : i32
        %get3A_426 = arith.index_cast %select_n3A_233 : i32 to index
        %get3A_427 = arith.index_cast %add3A_419 : i32 to index
        %get3A_428 = arith.constant 0 : index
        %get3A_429 = tpu.vector_load %arg11[%get3A_426, %get3A_427, %get3A_428] {strides = array<i32>} : memref<2x400x32xbf16, #tpu.memory_space<vmem>>, vector<32xbf16>,
        %unpack3A_430 = tpu.unpack_subelements %get3A_429, 0 {pack_format = #tpu.pack_format<interleaved>} : vector<32xbf16> -> vector<16xf32>
        %unpack3A_431 = tpu.unpack_subelements %get3A_429, 1 {pack_format = #tpu.pack_format<interleaved>} : vector<32xbf16> -> vector<16xf32>
        %get3A_432 = arith.index_cast %select_n3A_233 : i32 to index
        %get3A_433 = arith.index_cast %add3A_419 : i32 to index
        %get3A_434 = arith.constant 0 : index
        %get3A_435 = tpu.vector_load %arg12[%get3A_432, %get3A_433, %get3A_434] {strides = array<i32>} : memref<2x400x32xbf16, #tpu.memory_space<vmem>>, vector<32xbf16>,
        %unpack3A_436 = tpu.unpack_subelements %get3A_435, 0 {pack_format = #tpu.pack_format<interleaved>} : vector<32xbf16> -> vector<16xf32>
        %unpack3A_437 = tpu.unpack_subelements %get3A_435, 1 {pack_format = #tpu.pack_format<interleaved>} : vector<32xbf16> -> vector<16xf32>
        %get3A_438 = arith.index_cast %select_n3A_233 : i32 to index
        %get3A_439 = arith.index_cast %shift_right_arithmetic3A_421 : i32 to index
        %get3A_440 = arith.index_cast %mul3A_425 : i32 to index
        %get3A_441 = tpu.vector_load %arg13[%get3A_438, %get3A_439, %get3A_440] {strides = array<i32>} : memref<2x50x128xf32, #tpu.memory_space<vmem>>, vector<16xf32>,
        %bitcast3A_442 = vector.bitcast %get3A_441 : vector<16xf32> to vector<32xbf16>
        %unpack3A_443 = tpu.unpack_subelements %bitcast3A_442, 0 {pack_format = #tpu.pack_format<interleaved>} : vector<32xbf16> -> vector<16xf32>
        %unpack3A_444 = tpu.unpack_subelements %bitcast3A_442, 1 {pack_format = #tpu.pack_format<interleaved>} : vector<32xbf16> -> vector<16xf32>
        %add3A_445 = arith.addf %unpack3A_430, %unpack3A_436 : vector<16xf32>
        %add3A_446 = arith.addf %add3A_445, %unpack3A_443 : vector<16xf32>
        %max3A_447 = arith.constant 0.000000e+00 : f32
        %max3A_448 = vector.broadcast %max3A_447 : f32 to vector<16xf32>
        %max3A_449 = arith.maximumf %add3A_446, %max3A_448 : vector<16xf32>
        %swap3A_450 = arith.index_cast %select_n3A_249 : i32 to index
        %swap3A_451 = arith.index_cast %add3A_419 : i32 to index
        %swap3A_452 = arith.constant 0 : index
        %swap3A_453 = tpu.vector_load %arg14[%swap3A_450, %swap3A_451, %swap3A_452] {strides = array<i32>} : memref<2x400x32xf32, #tpu.memory_space<vmem>>, vector<16xf32>,
        tpu.vector_store %arg14[%swap3A_450, %swap3A_451, %swap3A_452], %max3A_449 {strides = array<i32>} : memref<2x400x32xf32, #tpu.memory_space<vmem>>, vector<16xf32>,
        %add3A_454 = arith.addf %unpack3A_431, %unpack3A_437 : vector<16xf32>
        %add3A_455 = arith.addf %add3A_454, %unpack3A_444 : vector<16xf32>
        %max3A_456 = arith.constant 0.000000e+00 : f32
        %max3A_457 = vector.broadcast %max3A_456 : f32 to vector<16xf32>
        %max3A_458 = arith.maximumf %add3A_455, %max3A_457 : vector<16xf32>
        %swap3A_459 = arith.index_cast %select_n3A_249 : i32 to index
        %swap3A_460 = arith.index_cast %add3A_419 : i32 to index
        %swap3A_461 = arith.constant 16 : index
        %swap3A_462 = tpu.vector_load %arg14[%swap3A_459, %swap3A_460, %swap3A_461] {strides = array<i32>} : memref<2x400x32xf32, #tpu.memory_space<vmem>>, vector<16xf32>,
        tpu.vector_store %arg14[%swap3A_459, %swap3A_460, %swap3A_461], %max3A_458 {strides = array<i32>} : memref<2x400x32xf32, #tpu.memory_space<vmem>>, vector<16xf32>,
        %mul3A_463 = arith.constant 4 : i32
        %mul3A_464 = arith.muli %scan3A_374, %mul3A_463 : i32
        %add3A_465 = arith.constant 2 : i32
        %add3A_466 = arith.addi %mul3A_464, %add3A_465 : i32
        %shift_right_arithmetic3A_467 = arith.constant 3 : i32
        %shift_right_arithmetic3A_468 = arith.shrsi %add3A_466, %shift_right_arithmetic3A_467 : i32
        %and3A_469 = arith.constant 7 : i32
        %and3A_470 = arith.andi %add3A_466, %and3A_469 : i32
        %mul3A_471 = arith.constant 16 : i32
        %mul3A_472 = arith.muli %and3A_470, %mul3A_471 : i32
        %get3A_473 = arith.index_cast %select_n3A_233 : i32 to index
        %get3A_474 = arith.index_cast %add3A_466 : i32 to index
        %get3A_475 = arith.constant 0 : index
        %get3A_476 = tpu.vector_load %arg11[%get3A_473, %get3A_474, %get3A_475] {strides = array<i32>} : memref<2x400x32xbf16, #tpu.memory_space<vmem>>, vector<32xbf16>,
        %unpack3A_477 = tpu.unpack_subelements %get3A_476, 0 {pack_format = #tpu.pack_format<interleaved>} : vector<32xbf16> -> vector<16xf32>
        %unpack3A_478 = tpu.unpack_subelements %get3A_476, 1 {pack_format = #tpu.pack_format<interleaved>} : vector<32xbf16> -> vector<16xf32>
        %get3A_479 = arith.index_cast %select_n3A_233 : i32 to index
        %get3A_480 = arith.index_cast %add3A_466 : i32 to index
        %get3A_481 = arith.constant 0 : index
        %get3A_482 = tpu.vector_load %arg12[%get3A_479, %get3A_480, %get3A_481] {strides = array<i32>} : memref<2x400x32xbf16, #tpu.memory_space<vmem>>, vector<32xbf16>,
        %unpack3A_483 = tpu.unpack_subelements %get3A_482, 0 {pack_format = #tpu.pack_format<interleaved>} : vector<32xbf16> -> vector<16xf32>
        %unpack3A_484 = tpu.unpack_subelements %get3A_482, 1 {pack_format = #tpu.pack_format<interleaved>} : vector<32xbf16> -> vector<16xf32>
        %get3A_485 = arith.index_cast %select_n3A_233 : i32 to index
        %get3A_486 = arith.index_cast %shift_right_arithmetic3A_468 : i32 to index
        %get3A_487 = arith.index_cast %mul3A_472 : i32 to index
        %get3A_488 = tpu.vector_load %arg13[%get3A_485, %get3A_486, %get3A_487] {strides = array<i32>} : memref<2x50x128xf32, #tpu.memory_space<vmem>>, vector<16xf32>,
        %bitcast3A_489 = vector.bitcast %get3A_488 : vector<16xf32> to vector<32xbf16>
        %unpack3A_490 = tpu.unpack_subelements %bitcast3A_489, 0 {pack_format = #tpu.pack_format<interleaved>} : vector<32xbf16> -> vector<16xf32>
        %unpack3A_491 = tpu.unpack_subelements %bitcast3A_489, 1 {pack_format = #tpu.pack_format<interleaved>} : vector<32xbf16> -> vector<16xf32>
        %add3A_492 = arith.addf %unpack3A_477, %unpack3A_483 : vector<16xf32>
        %add3A_493 = arith.addf %add3A_492, %unpack3A_490 : vector<16xf32>
        %max3A_494 = arith.constant 0.000000e+00 : f32
        %max3A_495 = vector.broadcast %max3A_494 : f32 to vector<16xf32>
        %max3A_496 = arith.maximumf %add3A_493, %max3A_495 : vector<16xf32>
        %swap3A_497 = arith.index_cast %select_n3A_249 : i32 to index
        %swap3A_498 = arith.index_cast %add3A_466 : i32 to index
        %swap3A_499 = arith.constant 0 : index
        %swap3A_500 = tpu.vector_load %arg14[%swap3A_497, %swap3A_498, %swap3A_499] {strides = array<i32>} : memref<2x400x32xf32, #tpu.memory_space<vmem>>, vector<16xf32>,
        tpu.vector_store %arg14[%swap3A_497, %swap3A_498, %swap3A_499], %max3A_496 {strides = array<i32>} : memref<2x400x32xf32, #tpu.memory_space<vmem>>, vector<16xf32>,
        %add3A_501 = arith.addf %unpack3A_478, %unpack3A_484 : vector<16xf32>
        %add3A_502 = arith.addf %add3A_501, %unpack3A_491 : vector<16xf32>
        %max3A_503 = arith.constant 0.000000e+00 : f32
        %max3A_504 = vector.broadcast %max3A_503 : f32 to vector<16xf32>
        %max3A_505 = arith.maximumf %add3A_502, %max3A_504 : vector<16xf32>
        %swap3A_506 = arith.index_cast %select_n3A_249 : i32 to index
        %swap3A_507 = arith.index_cast %add3A_466 : i32 to index
        %swap3A_508 = arith.constant 16 : index
        %swap3A_509 = tpu.vector_load %arg14[%swap3A_506, %swap3A_507, %swap3A_508] {strides = array<i32>} : memref<2x400x32xf32, #tpu.memory_space<vmem>>, vector<16xf32>,
        tpu.vector_store %arg14[%swap3A_506, %swap3A_507, %swap3A_508], %max3A_505 {strides = array<i32>} : memref<2x400x32xf32, #tpu.memory_space<vmem>>, vector<16xf32>,
        %mul3A_510 = arith.constant 4 : i32
        %mul3A_511 = arith.muli %scan3A_374, %mul3A_510 : i32
        %add3A_512 = arith.constant 3 : i32
        %add3A_513 = arith.addi %mul3A_511, %add3A_512 : i32
        %shift_right_arithmetic3A_514 = arith.constant 3 : i32
        %shift_right_arithmetic3A_515 = arith.shrsi %add3A_513, %shift_right_arithmetic3A_514 : i32
        %and3A_516 = arith.constant 7 : i32
        %and3A_517 = arith.andi %add3A_513, %and3A_516 : i32
        %mul3A_518 = arith.constant 16 : i32
        %mul3A_519 = arith.muli %and3A_517, %mul3A_518 : i32
        %get3A_520 = arith.index_cast %select_n3A_233 : i32 to index
        %get3A_521 = arith.index_cast %add3A_513 : i32 to index
        %get3A_522 = arith.constant 0 : index
        %get3A_523 = tpu.vector_load %arg11[%get3A_520, %get3A_521, %get3A_522] {strides = array<i32>} : memref<2x400x32xbf16, #tpu.memory_space<vmem>>, vector<32xbf16>,
        %unpack3A_524 = tpu.unpack_subelements %get3A_523, 0 {pack_format = #tpu.pack_format<interleaved>} : vector<32xbf16> -> vector<16xf32>
        %unpack3A_525 = tpu.unpack_subelements %get3A_523, 1 {pack_format = #tpu.pack_format<interleaved>} : vector<32xbf16> -> vector<16xf32>
        %get3A_526 = arith.index_cast %select_n3A_233 : i32 to index
        %get3A_527 = arith.index_cast %add3A_513 : i32 to index
        %get3A_528 = arith.constant 0 : index
        %get3A_529 = tpu.vector_load %arg12[%get3A_526, %get3A_527, %get3A_528] {strides = array<i32>} : memref<2x400x32xbf16, #tpu.memory_space<vmem>>, vector<32xbf16>,
        %unpack3A_530 = tpu.unpack_subelements %get3A_529, 0 {pack_format = #tpu.pack_format<interleaved>} : vector<32xbf16> -> vector<16xf32>
        %unpack3A_531 = tpu.unpack_subelements %get3A_529, 1 {pack_format = #tpu.pack_format<interleaved>} : vector<32xbf16> -> vector<16xf32>
        %get3A_532 = arith.index_cast %select_n3A_233 : i32 to index
        %get3A_533 = arith.index_cast %shift_right_arithmetic3A_515 : i32 to index
        %get3A_534 = arith.index_cast %mul3A_519 : i32 to index
        %get3A_535 = tpu.vector_load %arg13[%get3A_532, %get3A_533, %get3A_534] {strides = array<i32>} : memref<2x50x128xf32, #tpu.memory_space<vmem>>, vector<16xf32>,
        %bitcast3A_536 = vector.bitcast %get3A_535 : vector<16xf32> to vector<32xbf16>
        %unpack3A_537 = tpu.unpack_subelements %bitcast3A_536, 0 {pack_format = #tpu.pack_format<interleaved>} : vector<32xbf16> -> vector<16xf32>
        %unpack3A_538 = tpu.unpack_subelements %bitcast3A_536, 1 {pack_format = #tpu.pack_format<interleaved>} : vector<32xbf16> -> vector<16xf32>
        %add3A_539 = arith.addf %unpack3A_524, %unpack3A_530 : vector<16xf32>
        %add3A_540 = arith.addf %add3A_539, %unpack3A_537 : vector<16xf32>
        %max3A_541 = arith.constant 0.000000e+00 : f32
        %max3A_542 = vector.broadcast %max3A_541 : f32 to vector<16xf32>
        %max3A_543 = arith.maximumf %add3A_540, %max3A_542 : vector<16xf32>
        %swap3A_544 = arith.index_cast %select_n3A_249 : i32 to index
        %swap3A_545 = arith.index_cast %add3A_513 : i32 to index
        %swap3A_546 = arith.constant 0 : index
        %swap3A_547 = tpu.vector_load %arg14[%swap3A_544, %swap3A_545, %swap3A_546] {strides = array<i32>} : memref<2x400x32xf32, #tpu.memory_space<vmem>>, vector<16xf32>,
        tpu.vector_store %arg14[%swap3A_544, %swap3A_545, %swap3A_546], %max3A_543 {strides = array<i32>} : memref<2x400x32xf32, #tpu.memory_space<vmem>>, vector<16xf32>,
        %add3A_548 = arith.addf %unpack3A_525, %unpack3A_531 : vector<16xf32>
        %add3A_549 = arith.addf %add3A_548, %unpack3A_538 : vector<16xf32>
        %max3A_550 = arith.constant 0.000000e+00 : f32
        %max3A_551 = vector.broadcast %max3A_550 : f32 to vector<16xf32>
        %max3A_552 = arith.maximumf %add3A_549, %max3A_551 : vector<16xf32>
        %swap3A_553 = arith.index_cast %select_n3A_249 : i32 to index
        %swap3A_554 = arith.index_cast %add3A_513 : i32 to index
        %swap3A_555 = arith.constant 16 : index
        %swap3A_556 = tpu.vector_load %arg14[%swap3A_553, %swap3A_554, %swap3A_555] {strides = array<i32>} : memref<2x400x32xf32, #tpu.memory_space<vmem>>, vector<16xf32>,
        tpu.vector_store %arg14[%swap3A_553, %swap3A_554, %swap3A_555], %max3A_552 {strides = array<i32>} : memref<2x400x32xf32, #tpu.memory_space<vmem>>, vector<16xf32>,
      }
      %scan3A_360 = arith.constant 100 : i32
      %dma_start3A_361 = arith.constant 0 : i32
      %dma_start3A_362 = arith.constant 0 : i32
      %dma_start3A_363 = arith.constant 0 : i32
      %dma_start3A_364 = tpu.memref_slice %arg14[%select_n3A_249, %dma_start3A_362, %dma_start3A_363] : memref<2x400x32xf32, #tpu.memory_space<vmem>> -> memref<1x400x32xf32, #tpu.memory_space<vmem>>
      %dma_start3A_365 = tpu.memref_squeeze %dma_start3A_364 : memref<1x400x32xf32, #tpu.memory_space<vmem>> -> memref<400x32xf32, #tpu.memory_space<vmem>>
      %dma_start3A_366 = arith.constant 0 : i32
      %dma_start3A_367 = tpu.memref_slice %arg9[%select_n3A_265, %dma_start3A_361, %dma_start3A_366] : memref<3x1x400xi32, #tpu.memory_space<vmem>> -> memref<1x1x400xi32, #tpu.memory_space<vmem>>
      %dma_start3A_368 = tpu.memref_squeeze %dma_start3A_367 : memref<1x1x400xi32, #tpu.memory_space<vmem>> -> memref<400xi32, #tpu.memory_space<vmem>>
      %dma_start3A_369 = arith.constant 0 : i32
      %dma_start3A_370 = arith.constant 0 : i32
      %dma_start3A_371 = tpu.memref_slice %arg8[%dma_start3A_369, %dma_start3A_370] : memref<10240x32xf32, #tpu.memory_space<vmem_shared>> -> memref<10240x32xf32, #tpu.memory_space<vmem_shared>>
      %dma_start3A_372 = tpu.memref_slice %arg17[%select_n3A_249] : memref<2x!tpu.dma_semaphore, #tpu.memory_space<semaphore_mem>> -> memref<1x!tpu.dma_semaphore, #tpu.memory_space<semaphore_mem>>
      %dma_start3A_373 = tpu.memref_squeeze %dma_start3A_372 : memref<1x!tpu.dma_semaphore, #tpu.memory_space<semaphore_mem>> -> memref<!tpu.dma_semaphore, #tpu.memory_space<semaphore_mem>>
      tpu.enqueue_indirect_dma source(%dma_start3A_365 : memref<400x32xf32, #tpu.memory_space<vmem>>) target(%dma_start3A_371 : memref<10240x32xf32, #tpu.memory_space<vmem_shared>>) offsets(%dma_start3A_368 : memref<400xi32, #tpu.memory_space<vmem>>) semaphore(%dma_start3A_373 : memref<!tpu.dma_semaphore, #tpu.memory_space<semaphore_mem>>) {add = true}
    }
    %scan3A_197 = arith.constant 25 : i32
    %dma_wait3A_198 = arith.constant 0 : i32
    %dma_wait3A_199 = arith.constant 0 : i32
    %dma_wait3A_200 = arith.constant 0 : i32
    %dma_wait3A_201 = arith.constant 0 : i32
    %dma_wait3A_202 = arith.constant 0 : i32
    %dma_wait3A_203 = arith.constant 0 : i32
    %dma_wait3A_204 = tpu.memref_slice %arg14[%dma_wait3A_198, %dma_wait3A_202, %dma_wait3A_203] : memref<2x400x32xf32, #tpu.memory_space<vmem>> -> memref<1x400x32xf32, #tpu.memory_space<vmem>>
    %dma_wait3A_205 = tpu.memref_squeeze %dma_wait3A_204 : memref<1x400x32xf32, #tpu.memory_space<vmem>> -> memref<400x32xf32, #tpu.memory_space<vmem>>
    %dma_wait3A_206 = arith.constant 0 : i32
    %dma_wait3A_207 = tpu.memref_slice %arg9[%dma_wait3A_199, %dma_wait3A_200, %dma_wait3A_206] : memref<3x1x400xi32, #tpu.memory_space<vmem>> -> memref<1x1x400xi32, #tpu.memory_space<vmem>>
    %dma_wait3A_208 = tpu.memref_squeeze %dma_wait3A_207 : memref<1x1x400xi32, #tpu.memory_space<vmem>> -> memref<400xi32, #tpu.memory_space<vmem>>
    %dma_wait3A_209 = arith.constant 0 : i32
    %dma_wait3A_210 = arith.constant 0 : i32
    %dma_wait3A_211 = tpu.memref_slice %arg8[%dma_wait3A_209, %dma_wait3A_210] : memref<10240x32xf32, #tpu.memory_space<vmem_shared>> -> memref<10240x32xf32, #tpu.memory_space<vmem_shared>>
    %dma_wait3A_212 = tpu.memref_slice %arg17[%dma_wait3A_201] : memref<2x!tpu.dma_semaphore, #tpu.memory_space<semaphore_mem>> -> memref<1x!tpu.dma_semaphore, #tpu.memory_space<semaphore_mem>>
    %dma_wait3A_213 = tpu.memref_squeeze %dma_wait3A_212 : memref<1x!tpu.dma_semaphore, #tpu.memory_space<semaphore_mem>> -> memref<!tpu.dma_semaphore, #tpu.memory_space<semaphore_mem>>
    tpu.wait_indirect_dma semaphore(%dma_wait3A_213 : memref<!tpu.dma_semaphore, #tpu.memory_space<semaphore_mem>>) src(%dma_wait3A_205 : memref<400x32xf32, #tpu.memory_space<vmem>>) dst(%dma_wait3A_211 : memref<10240x32xf32, #tpu.memory_space<vmem_shared>>)
    %barrier3A_214 = arith.constant 0 : index
    tpu.barrier barrier_id(%barrier3A_214)
    %mul3A_215 = arith.constant 640 : i32
    %mul3A_216 = arith.muli %arg1, %mul3A_215 : i32
    %mul3A_217 = arith.constant 640 : i32
    %mul3A_218 = arith.muli %arg1, %mul3A_217 : i32
    "tpu.region"() ({
      %run_scoped3A = tpu.sem_alloc : memref<!tpu.dma_semaphore, #tpu.memory_space<semaphore_mem>>
      %dma_start3A_219 = arith.constant 0 : i32
      %dma_start3A_220 = tpu.memref_slice %arg7[%arg0, %mul3A_218, %dma_start3A_219] : memref<2x10240x32xf32, #tpu.memory_space<hbm>> -> memref<1x640x32xf32, #tpu.memory_space<hbm>>
      %dma_start3A_221 = tpu.memref_squeeze %dma_start3A_220 : memref<1x640x32xf32, #tpu.memory_space<hbm>> -> memref<640x32xf32, #tpu.memory_space<hbm>>
      %dma_start3A_222 = arith.constant 0 : i32
      %dma_start3A_223 = tpu.memref_slice %arg8[%mul3A_216, %dma_start3A_222] : memref<10240x32xf32, #tpu.memory_space<vmem_shared>> -> memref<640x32xf32, #tpu.memory_space<vmem_shared>>
      tpu.enqueue_dma source(%dma_start3A_223 : memref<640x32xf32, #tpu.memory_space<vmem_shared>>) target(%dma_start3A_221 : memref<640x32xf32, #tpu.memory_space<hbm>>) target_semaphore(%run_scoped3A : memref<!tpu.dma_semaphore, #tpu.memory_space<semaphore_mem>>)
      %dma_wait3A_224 = arith.constant 0 : i32
      %dma_wait3A_225 = tpu.memref_slice %arg7[%arg0, %mul3A_218, %dma_wait3A_224] : memref<2x10240x32xf32, #tpu.memory_space<hbm>> -> memref<1x640x32xf32, #tpu.memory_space<hbm>>
      %dma_wait3A_226 = tpu.memref_squeeze %dma_wait3A_225 : memref<1x640x32xf32, #tpu.memory_space<hbm>> -> memref<640x32xf32, #tpu.memory_space<hbm>>
      %dma_wait3A_227 = arith.constant 0 : i32
      %dma_wait3A_228 = tpu.memref_slice %arg8[%mul3A_216, %dma_wait3A_227] : memref<10240x32xf32, #tpu.memory_space<vmem_shared>> -> memref<640x32xf32, #tpu.memory_space<vmem_shared>>
      tpu.wait_dma2 semaphore(%run_scoped3A : memref<!tpu.dma_semaphore, #tpu.memory_space<semaphore_mem>>) src(%dma_wait3A_228 : memref<640x32xf32, #tpu.memory_space<vmem_shared>>) dst(%dma_wait3A_226 : memref<640x32xf32, #tpu.memory_space<hbm>>)
      tpu.yield
    }) : () -> ()
    return
  }
}

module attributes {stable_mosaic.version = 14 : i64} {
  func.func @_edge_pre_body(%arg0: i32, %arg1: memref<2000x128xf32, #tpu.memory_space<vmem>>, %arg2: memref<2000x128xf32, #tpu.memory_space<vmem>>, %arg3: memref<128x128xf32, #tpu.memory_space<vmem>>, %arg4: memref<1x128xf32, #tpu.memory_space<vmem>>, %arg5: memref<128x128xf32, #tpu.memory_space<vmem>>, %arg6: memref<1x128xf32, #tpu.memory_space<vmem>>, %arg7: memref<128x128xf32, #tpu.memory_space<vmem>>, %arg8: memref<1x128xf32, #tpu.memory_space<vmem>>, %arg9: memref<128x128xf32, #tpu.memory_space<vmem>>, %arg10: memref<1x128xf32, #tpu.memory_space<vmem>>, %arg11: memref<128x32xf32, #tpu.memory_space<vmem>>, %arg12: memref<128x32xf32, #tpu.memory_space<vmem>>, %arg13: memref<2000x128xf32, #tpu.memory_space<vmem>>, %arg14: memref<2000x128xf32, #tpu.memory_space<vmem>>, %arg15: memref<2000x32xbf16, #tpu.memory_space<vmem>>, %arg16: memref<2000x32xbf16, #tpu.memory_space<vmem>>) attributes {dimension_semantics = [#tpu.dimension_semantics<arbitrary>], iteration_bounds = array<i64: 20>, scalar_prefetch = 0 : i64, scratch_operands = 0 : i64, tpu.core_type = #tpu.core_type<tc>, window_params = [{transform_indices = @transform_0, window_bounds = array<i64: 2000, 128>}, {transform_indices = @transform_1, window_bounds = array<i64: 2000, 128>}, {pipeline_mode = #tpu.pipeline_mode<synchronous>, transform_indices = @transform_2, window_bounds = array<i64: 128, 128>}, {pipeline_mode = #tpu.pipeline_mode<synchronous>, transform_indices = @transform_3, window_bounds = array<i64: 1, 128>}, {pipeline_mode = #tpu.pipeline_mode<synchronous>, transform_indices = @transform_4, window_bounds = array<i64: 128, 128>}, {pipeline_mode = #tpu.pipeline_mode<synchronous>, transform_indices = @transform_5, window_bounds = array<i64: 1, 128>}, {pipeline_mode = #tpu.pipeline_mode<synchronous>, transform_indices = @transform_6, window_bounds = array<i64: 128, 128>}, {pipeline_mode = #tpu.pipeline_mode<synchronous>, transform_indices = @transform_7, window_bounds = array<i64: 1, 128>}, {pipeline_mode = #tpu.pipeline_mode<synchronous>, transform_indices = @transform_8, window_bounds = array<i64: 128, 128>}, {pipeline_mode = #tpu.pipeline_mode<synchronous>, transform_indices = @transform_9, window_bounds = array<i64: 1, 128>}, {pipeline_mode = #tpu.pipeline_mode<synchronous>, transform_indices = @transform_10, window_bounds = array<i64: 128, 32>}, {pipeline_mode = #tpu.pipeline_mode<synchronous>, transform_indices = @transform_11, window_bounds = array<i64: 128, 32>}, {transform_indices = @transform_12, window_bounds = array<i64: 2000, 128>}, {transform_indices = @transform_13, window_bounds = array<i64: 2000, 128>}, {transform_indices = @transform_14, window_bounds = array<i64: 2000, 32>}, {transform_indices = @transform_15, window_bounds = array<i64: 2000, 32>}]} {
    %get3A = arith.constant 0 : index
    %get3A_0 = arith.constant 0 : index
    %get3A_1 = vector.load %arg1[%get3A, %get3A_0] : memref<2000x128xf32, #tpu.memory_space<vmem>>, vector<2000x128xf32>
    %get3A_2 = arith.constant 0 : index
    %get3A_3 = arith.constant 0 : index
    %get3A_4 = vector.load %arg3[%get3A_2, %get3A_3] : memref<128x128xf32, #tpu.memory_space<vmem>>, vector<128x128xf32>
    %dot_general3A = arith.constant dense<0.000000e+00> : vector<2000x128xf32>
    %dot_general3A_5 = tpu.matmul %get3A_1, %get3A_4, %dot_general3A {dimension_numbers = #tpu.dot_dimension_numbers<[1], [0], [0], [1], [0, 0, 1, 1], [], []>, transpose_lhs_hint = false} : vector<2000x128xf32>, vector<128x128xf32>, vector<2000x128xf32> -> vector<2000x128xf32>
    %get3A_6 = arith.constant 0 : index
    %get3A_7 = arith.constant 0 : index
    %get3A_8 = vector.load %arg4[%get3A_6, %get3A_7] : memref<1x128xf32, #tpu.memory_space<vmem>>, vector<1x128xf32>
    %add3A = vector.broadcast %get3A_8 : vector<1x128xf32> to vector<2000x128xf32>
    %add3A_9 = arith.addf %dot_general3A_5, %add3A : vector<2000x128xf32>
    %get3A_10 = arith.constant 0 : index
    %get3A_11 = arith.constant 0 : index
    %get3A_12 = vector.load %arg5[%get3A_10, %get3A_11] : memref<128x128xf32, #tpu.memory_space<vmem>>, vector<128x128xf32>
    %dot_general3A_13 = arith.constant dense<0.000000e+00> : vector<2000x128xf32>
    %dot_general3A_14 = tpu.matmul %get3A_1, %get3A_12, %dot_general3A_13 {dimension_numbers = #tpu.dot_dimension_numbers<[1], [0], [0], [1], [0, 0, 1, 1], [], []>, transpose_lhs_hint = false} : vector<2000x128xf32>, vector<128x128xf32>, vector<2000x128xf32> -> vector<2000x128xf32>
    %get3A_15 = arith.constant 0 : index
    %get3A_16 = arith.constant 0 : index
    %get3A_17 = vector.load %arg6[%get3A_15, %get3A_16] : memref<1x128xf32, #tpu.memory_space<vmem>>, vector<1x128xf32>
    %add3A_18 = vector.broadcast %get3A_17 : vector<1x128xf32> to vector<2000x128xf32>
    %add3A_19 = arith.addf %dot_general3A_14, %add3A_18 : vector<2000x128xf32>
    %convert_element_type3A = arith.truncf %add3A_9 : vector<2000x128xf32> to vector<2000x128xbf16>
    %bitcast_convert_type3A = tpu.bitcast %convert_element_type3A : vector<2000x128xbf16> -> vector<2000x128xi16>
    %convert_element_type3A_20 = arith.extui %bitcast_convert_type3A : vector<2000x128xi16> to vector<2000x128xi32>
    %convert_element_type3A_21 = arith.truncf %add3A_19 : vector<2000x128xf32> to vector<2000x128xbf16>
    %bitcast_convert_type3A_22 = tpu.bitcast %convert_element_type3A_21 : vector<2000x128xbf16> -> vector<2000x128xi16>
    %convert_element_type3A_23 = arith.extui %bitcast_convert_type3A_22 : vector<2000x128xi16> to vector<2000x128xi32>
    %shift_left3A = arith.constant 16 : i32
    %shift_left3A_24 = vector.broadcast %shift_left3A : i32 to vector<2000x128xi32>
    %shift_left3A_25 = arith.shli %convert_element_type3A_23, %shift_left3A_24 : vector<2000x128xi32>
    %or3A = arith.ori %shift_left3A_25, %convert_element_type3A_20 : vector<2000x128xi32>
    %bitcast_convert_type3A_26 = tpu.bitcast %or3A : vector<2000x128xi32> -> vector<2000x128xf32>
    %swap3A = arith.constant 0 : index
    %swap3A_27 = arith.constant 0 : index
    %swap3A_28 = vector.load %arg13[%swap3A, %swap3A_27] : memref<2000x128xf32, #tpu.memory_space<vmem>>, vector<2000x128xf32>
    tpu.vector_store %arg13[%swap3A, %swap3A_27], %bitcast_convert_type3A_26 {strides = array<i32>} : memref<2000x128xf32, #tpu.memory_space<vmem>>, vector<2000x128xf32>,
    %get3A_29 = arith.constant 0 : index
    %get3A_30 = arith.constant 0 : index
    %get3A_31 = vector.load %arg7[%get3A_29, %get3A_30] : memref<128x128xf32, #tpu.memory_space<vmem>>, vector<128x128xf32>
    %dot_general3A_32 = arith.constant dense<0.000000e+00> : vector<2000x128xf32>
    %dot_general3A_33 = tpu.matmul %get3A_1, %get3A_31, %dot_general3A_32 {dimension_numbers = #tpu.dot_dimension_numbers<[1], [0], [0], [1], [0, 0, 1, 1], [], []>, transpose_lhs_hint = false} : vector<2000x128xf32>, vector<128x128xf32>, vector<2000x128xf32> -> vector<2000x128xf32>
    %get3A_34 = arith.constant 0 : index
    %get3A_35 = arith.constant 0 : index
    %get3A_36 = vector.load %arg8[%get3A_34, %get3A_35] : memref<1x128xf32, #tpu.memory_space<vmem>>, vector<1x128xf32>
    %add3A_37 = vector.broadcast %get3A_36 : vector<1x128xf32> to vector<2000x128xf32>
    %add3A_38 = arith.addf %dot_general3A_33, %add3A_37 : vector<2000x128xf32>
    %get3A_39 = arith.constant 0 : index
    %get3A_40 = arith.constant 0 : index
    %get3A_41 = vector.load %arg9[%get3A_39, %get3A_40] : memref<128x128xf32, #tpu.memory_space<vmem>>, vector<128x128xf32>
    %dot_general3A_42 = arith.constant dense<0.000000e+00> : vector<2000x128xf32>
    %dot_general3A_43 = tpu.matmul %get3A_1, %get3A_41, %dot_general3A_42 {dimension_numbers = #tpu.dot_dimension_numbers<[1], [0], [0], [1], [0, 0, 1, 1], [], []>, transpose_lhs_hint = false} : vector<2000x128xf32>, vector<128x128xf32>, vector<2000x128xf32> -> vector<2000x128xf32>
    %get3A_44 = arith.constant 0 : index
    %get3A_45 = arith.constant 0 : index
    %get3A_46 = vector.load %arg10[%get3A_44, %get3A_45] : memref<1x128xf32, #tpu.memory_space<vmem>>, vector<1x128xf32>
    %add3A_47 = vector.broadcast %get3A_46 : vector<1x128xf32> to vector<2000x128xf32>
    %add3A_48 = arith.addf %dot_general3A_43, %add3A_47 : vector<2000x128xf32>
    %convert_element_type3A_49 = arith.truncf %add3A_38 : vector<2000x128xf32> to vector<2000x128xbf16>
    %bitcast_convert_type3A_50 = tpu.bitcast %convert_element_type3A_49 : vector<2000x128xbf16> -> vector<2000x128xi16>
    %convert_element_type3A_51 = arith.extui %bitcast_convert_type3A_50 : vector<2000x128xi16> to vector<2000x128xi32>
    %convert_element_type3A_52 = arith.truncf %add3A_48 : vector<2000x128xf32> to vector<2000x128xbf16>
    %bitcast_convert_type3A_53 = tpu.bitcast %convert_element_type3A_52 : vector<2000x128xbf16> -> vector<2000x128xi16>
    %convert_element_type3A_54 = arith.extui %bitcast_convert_type3A_53 : vector<2000x128xi16> to vector<2000x128xi32>
    %shift_left3A_55 = arith.constant 16 : i32
    %shift_left3A_56 = vector.broadcast %shift_left3A_55 : i32 to vector<2000x128xi32>
    %shift_left3A_57 = arith.shli %convert_element_type3A_54, %shift_left3A_56 : vector<2000x128xi32>
    %or3A_58 = arith.ori %shift_left3A_57, %convert_element_type3A_51 : vector<2000x128xi32>
    %bitcast_convert_type3A_59 = tpu.bitcast %or3A_58 : vector<2000x128xi32> -> vector<2000x128xf32>
    %swap3A_60 = arith.constant 0 : index
    %swap3A_61 = arith.constant 0 : index
    %swap3A_62 = vector.load %arg14[%swap3A_60, %swap3A_61] : memref<2000x128xf32, #tpu.memory_space<vmem>>, vector<2000x128xf32>
    tpu.vector_store %arg14[%swap3A_60, %swap3A_61], %bitcast_convert_type3A_59 {strides = array<i32>} : memref<2000x128xf32, #tpu.memory_space<vmem>>, vector<2000x128xf32>,
    %lt3A = arith.constant 5 : i32
    %lt3A_63 = arith.cmpi slt, %arg0, %lt3A : i32
    %convert_element_type3A_64 = arith.extui %lt3A_63 : i1 to i32
    %cond3A = arith.constant 0 : i32
    %cond3A_65 = arith.cmpi ne, %convert_element_type3A_64, %cond3A : i32
    scf.if %cond3A_65 {
      %get3A_66 = arith.constant 0 : index
      %get3A_67 = arith.constant 0 : index
      %get3A_68 = vector.load %arg2[%get3A_66, %get3A_67] : memref<2000x128xf32, #tpu.memory_space<vmem>>, vector<2000x128xf32>
      %get3A_69 = arith.constant 0 : index
      %get3A_70 = arith.constant 0 : index
      %get3A_71 = vector.load %arg11[%get3A_69, %get3A_70] : memref<128x32xf32, #tpu.memory_space<vmem>>, vector<128x32xf32>
      %dot_general3A_72 = arith.constant dense<0.000000e+00> : vector<2000x32xf32>
      %dot_general3A_73 = tpu.matmul %get3A_68, %get3A_71, %dot_general3A_72 {dimension_numbers = #tpu.dot_dimension_numbers<[1], [0], [0], [1], [0, 0, 1, 1], [], []>, transpose_lhs_hint = false} : vector<2000x128xf32>, vector<128x32xf32>, vector<2000x32xf32> -> vector<2000x32xf32>
      %convert_element_type3A_74 = arith.truncf %dot_general3A_73 : vector<2000x32xf32> to vector<2000x32xbf16>
      %swap3A_75 = arith.constant 0 : index
      %swap3A_76 = arith.constant 0 : index
      %swap3A_77 = vector.load %arg15[%swap3A_75, %swap3A_76] : memref<2000x32xbf16, #tpu.memory_space<vmem>>, vector<2000x32xbf16>
      tpu.vector_store %arg15[%swap3A_75, %swap3A_76], %convert_element_type3A_74 {strides = array<i32>} : memref<2000x32xbf16, #tpu.memory_space<vmem>>, vector<2000x32xbf16>,
      %get3A_78 = arith.constant 0 : index
      %get3A_79 = arith.constant 0 : index
      %get3A_80 = vector.load %arg12[%get3A_78, %get3A_79] : memref<128x32xf32, #tpu.memory_space<vmem>>, vector<128x32xf32>
      %dot_general3A_81 = arith.constant dense<0.000000e+00> : vector<2000x32xf32>
      %dot_general3A_82 = tpu.matmul %get3A_68, %get3A_80, %dot_general3A_81 {dimension_numbers = #tpu.dot_dimension_numbers<[1], [0], [0], [1], [0, 0, 1, 1], [], []>, transpose_lhs_hint = false} : vector<2000x128xf32>, vector<128x32xf32>, vector<2000x32xf32> -> vector<2000x32xf32>
      %convert_element_type3A_83 = arith.truncf %dot_general3A_82 : vector<2000x32xf32> to vector<2000x32xbf16>
      %swap3A_84 = arith.constant 0 : index
      %swap3A_85 = arith.constant 0 : index
      %swap3A_86 = vector.load %arg16[%swap3A_84, %swap3A_85] : memref<2000x32xbf16, #tpu.memory_space<vmem>>, vector<2000x32xbf16>
      tpu.vector_store %arg16[%swap3A_84, %swap3A_85], %convert_element_type3A_83 {strides = array<i32>} : memref<2000x32xbf16, #tpu.memory_space<vmem>>, vector<2000x32xbf16>,
    } else {
    }
    return
  }
  func.func @transform_0(%arg0: i32) -> (i32, i32) {
    %c0_i32 = arith.constant 0 : i32
    %c0_i32_0 = arith.constant 0 : i32
    return %arg0, %c0_i32 : i32, i32
  }
  func.func @transform_1(%arg0: i32) -> (i32, i32) {
    %min3A = arith.constant 4 : i32
    %min3A_0 = arith.minsi %arg0, %min3A : i32
    %c0_i32 = arith.constant 0 : i32
    %c0_i32_1 = arith.constant 0 : i32
    return %min3A_0, %c0_i32 : i32, i32
  }
  func.func @transform_2(%arg0: i32) -> (i32, i32) {
    %c0_i32 = arith.constant 0 : i32
    %c0_i32_0 = arith.constant 0 : i32
    %c0_i32_1 = arith.constant 0 : i32
    return %c0_i32, %c0_i32_0 : i32, i32
  }
  func.func @transform_3(%arg0: i32) -> (i32, i32) {
    %c0_i32 = arith.constant 0 : i32
    %c0_i32_0 = arith.constant 0 : i32
    %c0_i32_1 = arith.constant 0 : i32
    return %c0_i32, %c0_i32_0 : i32, i32
  }
  func.func @transform_4(%arg0: i32) -> (i32, i32) {
    %c0_i32 = arith.constant 0 : i32
    %c0_i32_0 = arith.constant 0 : i32
    %c0_i32_1 = arith.constant 0 : i32
    return %c0_i32, %c0_i32_0 : i32, i32
  }
  func.func @transform_5(%arg0: i32) -> (i32, i32) {
    %c0_i32 = arith.constant 0 : i32
    %c0_i32_0 = arith.constant 0 : i32
    %c0_i32_1 = arith.constant 0 : i32
    return %c0_i32, %c0_i32_0 : i32, i32
  }
  func.func @transform_6(%arg0: i32) -> (i32, i32) {
    %c0_i32 = arith.constant 0 : i32
    %c0_i32_0 = arith.constant 0 : i32
    %c0_i32_1 = arith.constant 0 : i32
    return %c0_i32, %c0_i32_0 : i32, i32
  }
  func.func @transform_7(%arg0: i32) -> (i32, i32) {
    %c0_i32 = arith.constant 0 : i32
    %c0_i32_0 = arith.constant 0 : i32
    %c0_i32_1 = arith.constant 0 : i32
    return %c0_i32, %c0_i32_0 : i32, i32
  }
  func.func @transform_8(%arg0: i32) -> (i32, i32) {
    %c0_i32 = arith.constant 0 : i32
    %c0_i32_0 = arith.constant 0 : i32
    %c0_i32_1 = arith.constant 0 : i32
    return %c0_i32, %c0_i32_0 : i32, i32
  }
  func.func @transform_9(%arg0: i32) -> (i32, i32) {
    %c0_i32 = arith.constant 0 : i32
    %c0_i32_0 = arith.constant 0 : i32
    %c0_i32_1 = arith.constant 0 : i32
    return %c0_i32, %c0_i32_0 : i32, i32
  }
  func.func @transform_10(%arg0: i32) -> (i32, i32) {
    %c0_i32 = arith.constant 0 : i32
    %c0_i32_0 = arith.constant 0 : i32
    %c0_i32_1 = arith.constant 0 : i32
    return %c0_i32, %c0_i32_0 : i32, i32
  }
  func.func @transform_11(%arg0: i32) -> (i32, i32) {
    %c0_i32 = arith.constant 0 : i32
    %c0_i32_0 = arith.constant 0 : i32
    %c0_i32_1 = arith.constant 0 : i32
    return %c0_i32, %c0_i32_0 : i32, i32
  }
  func.func @transform_12(%arg0: i32) -> (i32, i32) {
    %c0_i32 = arith.constant 0 : i32
    %c0_i32_0 = arith.constant 0 : i32
    return %arg0, %c0_i32 : i32, i32
  }
  func.func @transform_13(%arg0: i32) -> (i32, i32) {
    %c0_i32 = arith.constant 0 : i32
    %c0_i32_0 = arith.constant 0 : i32
    return %arg0, %c0_i32 : i32, i32
  }
  func.func @transform_14(%arg0: i32) -> (i32, i32) {
    %min3A = arith.constant 4 : i32
    %min3A_0 = arith.minsi %arg0, %min3A : i32
    %c0_i32 = arith.constant 0 : i32
    %c0_i32_1 = arith.constant 0 : i32
    return %min3A_0, %c0_i32 : i32, i32
  }
  func.func @transform_15(%arg0: i32) -> (i32, i32) {
    %min3A = arith.constant 4 : i32
    %min3A_0 = arith.minsi %arg0, %min3A : i32
    %c0_i32 = arith.constant 0 : i32
    %c0_i32_1 = arith.constant 0 : i32
    return %min3A_0, %c0_i32 : i32, i32
  }
}

module attributes {stable_mosaic.version = 14 : i64} {
  func.func @_node_up_body(%arg0: i32, %arg1: memref<2000x128xf32, #tpu.memory_space<vmem>>, %arg2: memref<2x2000x32xf32, #tpu.memory_space<vmem>>, %arg3: memref<128x128xf32, #tpu.memory_space<vmem>>, %arg4: memref<32x128xf32, #tpu.memory_space<vmem>>, %arg5: memref<1x128xf32, #tpu.memory_space<vmem>>, %arg6: memref<128x32xf32, #tpu.memory_space<vmem>>, %arg7: memref<128x32xf32, #tpu.memory_space<vmem>>, %arg8: memref<2000x128xf32, #tpu.memory_space<vmem>>, %arg9: memref<2000x32xbf16, #tpu.memory_space<vmem>>, %arg10: memref<2000x32xbf16, #tpu.memory_space<vmem>>) attributes {dimension_semantics = [#tpu.dimension_semantics<arbitrary>], iteration_bounds = array<i64: 5>, scalar_prefetch = 0 : i64, scratch_operands = 0 : i64, tpu.core_type = #tpu.core_type<tc>, window_params = [{transform_indices = @transform_0, window_bounds = array<i64: 2000, 128>}, {transform_indices = @transform_1, window_bounds = array<i64: 2, 2000, 32>}, {pipeline_mode = #tpu.pipeline_mode<synchronous>, transform_indices = @transform_2, window_bounds = array<i64: 128, 128>}, {pipeline_mode = #tpu.pipeline_mode<synchronous>, transform_indices = @transform_3, window_bounds = array<i64: 32, 128>}, {pipeline_mode = #tpu.pipeline_mode<synchronous>, transform_indices = @transform_4, window_bounds = array<i64: 1, 128>}, {pipeline_mode = #tpu.pipeline_mode<synchronous>, transform_indices = @transform_5, window_bounds = array<i64: 128, 32>}, {pipeline_mode = #tpu.pipeline_mode<synchronous>, transform_indices = @transform_6, window_bounds = array<i64: 128, 32>}, {transform_indices = @transform_7, window_bounds = array<i64: 2000, 128>}, {transform_indices = @transform_8, window_bounds = array<i64: 2000, 32>}, {transform_indices = @transform_9, window_bounds = array<i64: 2000, 32>}]} {
    %get3A = arith.constant 0 : index
    %get3A_0 = arith.constant 0 : index
    %get3A_1 = arith.constant 0 : index
    %get3A_2 = vector.load %arg2[%get3A, %get3A_0, %get3A_1] : memref<2x2000x32xf32, #tpu.memory_space<vmem>>, vector<1x2000x32xf32>
    %get3A_3 = vector.shape_cast %get3A_2 : vector<1x2000x32xf32> to vector<2000x32xf32>
    %get3A_4 = arith.constant 1 : index
    %get3A_5 = arith.constant 0 : index
    %get3A_6 = arith.constant 0 : index
    %get3A_7 = vector.load %arg2[%get3A_4, %get3A_5, %get3A_6] : memref<2x2000x32xf32, #tpu.memory_space<vmem>>, vector<1x2000x32xf32>
    %get3A_8 = vector.shape_cast %get3A_7 : vector<1x2000x32xf32> to vector<2000x32xf32>
    %add3A = arith.addf %get3A_3, %get3A_8 : vector<2000x32xf32>
    %get3A_9 = arith.constant 0 : index
    %get3A_10 = arith.constant 0 : index
    %get3A_11 = vector.load %arg1[%get3A_9, %get3A_10] : memref<2000x128xf32, #tpu.memory_space<vmem>>, vector<2000x128xf32>
    %get3A_12 = arith.constant 0 : index
    %get3A_13 = arith.constant 0 : index
    %get3A_14 = vector.load %arg3[%get3A_12, %get3A_13] : memref<128x128xf32, #tpu.memory_space<vmem>>, vector<128x128xf32>
    %dot_general3A = arith.constant dense<0.000000e+00> : vector<2000x128xf32>
    %dot_general3A_15 = tpu.matmul %get3A_11, %get3A_14, %dot_general3A {dimension_numbers = #tpu.dot_dimension_numbers<[1], [0], [0], [1], [0, 0, 1, 1], [], []>, transpose_lhs_hint = false} : vector<2000x128xf32>, vector<128x128xf32>, vector<2000x128xf32> -> vector<2000x128xf32>
    %get3A_16 = arith.constant 0 : index
    %get3A_17 = arith.constant 0 : index
    %get3A_18 = vector.load %arg4[%get3A_16, %get3A_17] : memref<32x128xf32, #tpu.memory_space<vmem>>, vector<32x128xf32>
    %dot_general3A_19 = arith.constant dense<0.000000e+00> : vector<2000x128xf32>
    %dot_general3A_20 = tpu.matmul %add3A, %get3A_18, %dot_general3A_19 {dimension_numbers = #tpu.dot_dimension_numbers<[1], [0], [0], [1], [0, 0, 1, 1], [], []>, transpose_lhs_hint = false} : vector<2000x32xf32>, vector<32x128xf32>, vector<2000x128xf32> -> vector<2000x128xf32>
    %add3A_21 = arith.addf %dot_general3A_15, %dot_general3A_20 : vector<2000x128xf32>
    %get3A_22 = arith.constant 0 : index
    %get3A_23 = arith.constant 0 : index
    %get3A_24 = vector.load %arg5[%get3A_22, %get3A_23] : memref<1x128xf32, #tpu.memory_space<vmem>>, vector<1x128xf32>
    %add3A_25 = vector.broadcast %get3A_24 : vector<1x128xf32> to vector<2000x128xf32>
    %add3A_26 = arith.addf %add3A_21, %add3A_25 : vector<2000x128xf32>
    %max3A = arith.constant 0.000000e+00 : f32
    %max3A_27 = vector.broadcast %max3A : f32 to vector<2000x128xf32>
    %max3A_28 = arith.maximumf %add3A_26, %max3A_27 : vector<2000x128xf32>
    %swap3A = arith.constant 0 : index
    %swap3A_29 = arith.constant 0 : index
    %swap3A_30 = vector.load %arg8[%swap3A, %swap3A_29] : memref<2000x128xf32, #tpu.memory_space<vmem>>, vector<2000x128xf32>
    tpu.vector_store %arg8[%swap3A, %swap3A_29], %max3A_28 {strides = array<i32>} : memref<2000x128xf32, #tpu.memory_space<vmem>>, vector<2000x128xf32>,
    %get3A_31 = arith.constant 0 : index
    %get3A_32 = arith.constant 0 : index
    %get3A_33 = vector.load %arg6[%get3A_31, %get3A_32] : memref<128x32xf32, #tpu.memory_space<vmem>>, vector<128x32xf32>
    %dot_general3A_34 = arith.constant dense<0.000000e+00> : vector<2000x32xf32>
    %dot_general3A_35 = tpu.matmul %max3A_28, %get3A_33, %dot_general3A_34 {dimension_numbers = #tpu.dot_dimension_numbers<[1], [0], [0], [1], [0, 0, 1, 1], [], []>, transpose_lhs_hint = false} : vector<2000x128xf32>, vector<128x32xf32>, vector<2000x32xf32> -> vector<2000x32xf32>
    %convert_element_type3A = arith.truncf %dot_general3A_35 : vector<2000x32xf32> to vector<2000x32xbf16>
    %swap3A_36 = arith.constant 0 : index
    %swap3A_37 = arith.constant 0 : index
    %swap3A_38 = vector.load %arg9[%swap3A_36, %swap3A_37] : memref<2000x32xbf16, #tpu.memory_space<vmem>>, vector<2000x32xbf16>
    tpu.vector_store %arg9[%swap3A_36, %swap3A_37], %convert_element_type3A {strides = array<i32>} : memref<2000x32xbf16, #tpu.memory_space<vmem>>, vector<2000x32xbf16>,
    %get3A_39 = arith.constant 0 : index
    %get3A_40 = arith.constant 0 : index
    %get3A_41 = vector.load %arg7[%get3A_39, %get3A_40] : memref<128x32xf32, #tpu.memory_space<vmem>>, vector<128x32xf32>
    %dot_general3A_42 = arith.constant dense<0.000000e+00> : vector<2000x32xf32>
    %dot_general3A_43 = tpu.matmul %max3A_28, %get3A_41, %dot_general3A_42 {dimension_numbers = #tpu.dot_dimension_numbers<[1], [0], [0], [1], [0, 0, 1, 1], [], []>, transpose_lhs_hint = false} : vector<2000x128xf32>, vector<128x32xf32>, vector<2000x32xf32> -> vector<2000x32xf32>
    %convert_element_type3A_44 = arith.truncf %dot_general3A_43 : vector<2000x32xf32> to vector<2000x32xbf16>
    %swap3A_45 = arith.constant 0 : index
    %swap3A_46 = arith.constant 0 : index
    %swap3A_47 = vector.load %arg10[%swap3A_45, %swap3A_46] : memref<2000x32xbf16, #tpu.memory_space<vmem>>, vector<2000x32xbf16>
    tpu.vector_store %arg10[%swap3A_45, %swap3A_46], %convert_element_type3A_44 {strides = array<i32>} : memref<2000x32xbf16, #tpu.memory_space<vmem>>, vector<2000x32xbf16>,
    return
  }
  func.func @transform_0(%arg0: i32) -> (i32, i32) {
    %c0_i32 = arith.constant 0 : i32
    %c0_i32_0 = arith.constant 0 : i32
    return %arg0, %c0_i32 : i32, i32
  }
  func.func @transform_1(%arg0: i32) -> (i32, i32, i32) {
    %c0_i32 = arith.constant 0 : i32
    %c0_i32_0 = arith.constant 0 : i32
    %c0_i32_1 = arith.constant 0 : i32
    return %c0_i32, %arg0, %c0_i32_0 : i32, i32, i32
  }
  func.func @transform_2(%arg0: i32) -> (i32, i32) {
    %c0_i32 = arith.constant 0 : i32
    %c0_i32_0 = arith.constant 0 : i32
    %c0_i32_1 = arith.constant 0 : i32
    return %c0_i32, %c0_i32_0 : i32, i32
  }
  func.func @transform_3(%arg0: i32) -> (i32, i32) {
    %c0_i32 = arith.constant 0 : i32
    %c0_i32_0 = arith.constant 0 : i32
    %c0_i32_1 = arith.constant 0 : i32
    return %c0_i32, %c0_i32_0 : i32, i32
  }
  func.func @transform_4(%arg0: i32) -> (i32, i32) {
    %c0_i32 = arith.constant 0 : i32
    %c0_i32_0 = arith.constant 0 : i32
    %c0_i32_1 = arith.constant 0 : i32
    return %c0_i32, %c0_i32_0 : i32, i32
  }
  func.func @transform_5(%arg0: i32) -> (i32, i32) {
    %c0_i32 = arith.constant 0 : i32
    %c0_i32_0 = arith.constant 0 : i32
    %c0_i32_1 = arith.constant 0 : i32
    return %c0_i32, %c0_i32_0 : i32, i32
  }
  func.func @transform_6(%arg0: i32) -> (i32, i32) {
    %c0_i32 = arith.constant 0 : i32
    %c0_i32_0 = arith.constant 0 : i32
    %c0_i32_1 = arith.constant 0 : i32
    return %c0_i32, %c0_i32_0 : i32, i32
  }
  func.func @transform_7(%arg0: i32) -> (i32, i32) {
    %c0_i32 = arith.constant 0 : i32
    %c0_i32_0 = arith.constant 0 : i32
    return %arg0, %c0_i32 : i32, i32
  }
  func.func @transform_8(%arg0: i32) -> (i32, i32) {
    %c0_i32 = arith.constant 0 : i32
    %c0_i32_0 = arith.constant 0 : i32
    return %arg0, %c0_i32 : i32, i32
  }
  func.func @transform_9(%arg0: i32) -> (i32, i32) {
    %c0_i32 = arith.constant 0 : i32
    %c0_i32_0 = arith.constant 0 : i32
    return %arg0, %c0_i32 : i32, i32
  }
}

module attributes {stable_mosaic.version = 14 : i64} {
  func.func @_pool_body(%arg0: i32, %arg1: memref<2000x128xf32, #tpu.memory_space<vmem>>, %arg2: memref<2x2000x32xf32, #tpu.memory_space<vmem>>, %arg3: memref<1x1x2000xi32, #tpu.memory_space<vmem>>, %arg4: memref<128x128xf32, #tpu.memory_space<vmem>>, %arg5: memref<32x128xf32, #tpu.memory_space<vmem>>, %arg6: memref<1x128xf32, #tpu.memory_space<vmem>>, %arg7: memref<128x128xf32, #tpu.memory_space<vmem>>, %arg8: memref<1x128xf32, #tpu.memory_space<vmem>>, %arg9: memref<128x16xf32, #tpu.memory_space<vmem>>, %arg10: memref<1x16xf32, #tpu.memory_space<vmem>>, %arg11: memref<64x16xf32, #tpu.memory_space<vmem>>, %arg12: memref<64x128xf32, #tpu.memory_space<vmem>>, %arg13: memref<64x1xf32, #tpu.memory_space<vmem>>) attributes {dimension_semantics = [#tpu.dimension_semantics<arbitrary>], iteration_bounds = array<i64: 5>, scalar_prefetch = 0 : i64, scratch_operands = 2 : i64, tpu.core_type = #tpu.core_type<tc>, window_params = [{transform_indices = @transform_0, window_bounds = array<i64: 2000, 128>}, {transform_indices = @transform_1, window_bounds = array<i64: 2, 2000, 32>}, {transform_indices = @transform_2, window_bounds = array<i64: 1, 1, 2000>}, {pipeline_mode = #tpu.pipeline_mode<synchronous>, transform_indices = @transform_3, window_bounds = array<i64: 128, 128>}, {pipeline_mode = #tpu.pipeline_mode<synchronous>, transform_indices = @transform_4, window_bounds = array<i64: 32, 128>}, {pipeline_mode = #tpu.pipeline_mode<synchronous>, transform_indices = @transform_5, window_bounds = array<i64: 1, 128>}, {pipeline_mode = #tpu.pipeline_mode<synchronous>, transform_indices = @transform_6, window_bounds = array<i64: 128, 128>}, {pipeline_mode = #tpu.pipeline_mode<synchronous>, transform_indices = @transform_7, window_bounds = array<i64: 1, 128>}, {pipeline_mode = #tpu.pipeline_mode<synchronous>, transform_indices = @transform_8, window_bounds = array<i64: 128, 16>}, {pipeline_mode = #tpu.pipeline_mode<synchronous>, transform_indices = @transform_9, window_bounds = array<i64: 1, 16>}, {pipeline_mode = #tpu.pipeline_mode<synchronous>, transform_indices = @transform_10, window_bounds = array<i64: 64, 16>}]} {
    %get3A = arith.constant 0 : index
    %get3A_0 = arith.constant 0 : index
    %get3A_1 = arith.constant 0 : index
    %get3A_2 = vector.load %arg2[%get3A, %get3A_0, %get3A_1] : memref<2x2000x32xf32, #tpu.memory_space<vmem>>, vector<1x2000x32xf32>
    %get3A_3 = vector.shape_cast %get3A_2 : vector<1x2000x32xf32> to vector<2000x32xf32>
    %get3A_4 = arith.constant 1 : index
    %get3A_5 = arith.constant 0 : index
    %get3A_6 = arith.constant 0 : index
    %get3A_7 = vector.load %arg2[%get3A_4, %get3A_5, %get3A_6] : memref<2x2000x32xf32, #tpu.memory_space<vmem>>, vector<1x2000x32xf32>
    %get3A_8 = vector.shape_cast %get3A_7 : vector<1x2000x32xf32> to vector<2000x32xf32>
    %add3A = arith.addf %get3A_3, %get3A_8 : vector<2000x32xf32>
    %get3A_9 = arith.constant 0 : index
    %get3A_10 = arith.constant 0 : index
    %get3A_11 = vector.load %arg1[%get3A_9, %get3A_10] : memref<2000x128xf32, #tpu.memory_space<vmem>>, vector<2000x128xf32>
    %get3A_12 = arith.constant 0 : index
    %get3A_13 = arith.constant 0 : index
    %get3A_14 = vector.load %arg4[%get3A_12, %get3A_13] : memref<128x128xf32, #tpu.memory_space<vmem>>, vector<128x128xf32>
    %dot_general3A = arith.constant dense<0.000000e+00> : vector<2000x128xf32>
    %dot_general3A_15 = tpu.matmul %get3A_11, %get3A_14, %dot_general3A {dimension_numbers = #tpu.dot_dimension_numbers<[1], [0], [0], [1], [0, 0, 1, 1], [], []>, transpose_lhs_hint = false} : vector<2000x128xf32>, vector<128x128xf32>, vector<2000x128xf32> -> vector<2000x128xf32>
    %get3A_16 = arith.constant 0 : index
    %get3A_17 = arith.constant 0 : index
    %get3A_18 = vector.load %arg5[%get3A_16, %get3A_17] : memref<32x128xf32, #tpu.memory_space<vmem>>, vector<32x128xf32>
    %dot_general3A_19 = arith.constant dense<0.000000e+00> : vector<2000x128xf32>
    %dot_general3A_20 = tpu.matmul %add3A, %get3A_18, %dot_general3A_19 {dimension_numbers = #tpu.dot_dimension_numbers<[1], [0], [0], [1], [0, 0, 1, 1], [], []>, transpose_lhs_hint = false} : vector<2000x32xf32>, vector<32x128xf32>, vector<2000x128xf32> -> vector<2000x128xf32>
    %add3A_21 = arith.addf %dot_general3A_15, %dot_general3A_20 : vector<2000x128xf32>
    %get3A_22 = arith.constant 0 : index
    %get3A_23 = arith.constant 0 : index
    %get3A_24 = vector.load %arg6[%get3A_22, %get3A_23] : memref<1x128xf32, #tpu.memory_space<vmem>>, vector<1x128xf32>
    %add3A_25 = vector.broadcast %get3A_24 : vector<1x128xf32> to vector<2000x128xf32>
    %add3A_26 = arith.addf %add3A_21, %add3A_25 : vector<2000x128xf32>
    %max3A = arith.constant 0.000000e+00 : f32
    %max3A_27 = vector.broadcast %max3A : f32 to vector<2000x128xf32>
    %max3A_28 = arith.maximumf %add3A_26, %max3A_27 : vector<2000x128xf32>
    %get3A_29 = arith.constant 0 : index
    %get3A_30 = arith.constant 0 : index
    %get3A_31 = arith.constant 0 : index
    %get3A_32 = vector.load %arg3[%get3A_29, %get3A_30, %get3A_31] : memref<1x1x2000xi32, #tpu.memory_space<vmem>>, vector<1x1x2000xi32>
    %get3A_33 = vector.shape_cast %get3A_32 : vector<1x1x2000xi32> to vector<2000xi32>
    %iota3A = tpu.iota {dimensions = array<i32: 0>} : vector<64x2000xi32>
    %broadcast_in_dim3A = vector.shape_cast %get3A_33 : vector<2000xi32> to vector<1x2000xi32>
    %eq3A = vector.broadcast %broadcast_in_dim3A : vector<1x2000xi32> to vector<64x2000xi32>
    %eq3A_34 = arith.cmpi eq, %iota3A, %eq3A : vector<64x2000xi32>
    %convert_element_type3A = arith.extui %eq3A_34 : vector<64x2000xi1> to vector<64x2000xi32>
    %convert_element_type3A_35 = arith.sitofp %convert_element_type3A : vector<64x2000xi32> to vector<64x2000xf32>
    %eq3A_36 = arith.constant 0 : i32
    %eq3A_37 = arith.cmpi eq, %arg0, %eq3A_36 : i32
    %convert_element_type3A_38 = arith.extui %eq3A_37 : i1 to i32
    %cond3A = arith.constant 0 : i32
    %cond3A_39 = arith.cmpi ne, %convert_element_type3A_38, %cond3A : i32
    scf.if %cond3A_39 {
      %broadcast_in_dim3A_62 = arith.constant 0.000000e+00 : f32
      %broadcast_in_dim3A_63 = vector.broadcast %broadcast_in_dim3A_62 : f32 to vector<64x128xf32>
      %swap3A_64 = arith.constant 0 : index
      %swap3A_65 = arith.constant 0 : index
      %swap3A_66 = vector.load %arg12[%swap3A_64, %swap3A_65] : memref<64x128xf32, #tpu.memory_space<vmem>>, vector<64x128xf32>
      tpu.vector_store %arg12[%swap3A_64, %swap3A_65], %broadcast_in_dim3A_63 {strides = array<i32>} : memref<64x128xf32, #tpu.memory_space<vmem>>, vector<64x128xf32>,
      %broadcast_in_dim3A_67 = arith.constant 0.000000e+00 : f32
      %broadcast_in_dim3A_68 = vector.broadcast %broadcast_in_dim3A_67 : f32 to vector<64x1xf32>
      %swap3A_69 = arith.constant 0 : index
      %swap3A_70 = arith.constant 0 : index
      %swap3A_71 = vector.load %arg13[%swap3A_69, %swap3A_70] : memref<64x1xf32, #tpu.memory_space<vmem>>, vector<64x1xf32>
      tpu.vector_store %arg13[%swap3A_69, %swap3A_70], %broadcast_in_dim3A_68 {strides = array<i32>} : memref<64x1xf32, #tpu.memory_space<vmem>>, vector<64x1xf32>,
    } else {
    }
    %get3A_40 = arith.constant 0 : index
    %get3A_41 = arith.constant 0 : index
    %get3A_42 = vector.load %arg12[%get3A_40, %get3A_41] : memref<64x128xf32, #tpu.memory_space<vmem>>, vector<64x128xf32>
    %dot_general3A_43 = arith.constant dense<0.000000e+00> : vector<64x128xf32>
    %dot_general3A_44 = tpu.matmul %convert_element_type3A_35, %max3A_28, %dot_general3A_43 {dimension_numbers = #tpu.dot_dimension_numbers<[1], [0], [0], [1], [0, 0, 1, 1], [], []>, transpose_lhs_hint = false} : vector<64x2000xf32>, vector<2000x128xf32>, vector<64x128xf32> -> vector<64x128xf32>
    %add3A_45 = arith.addf %get3A_42, %dot_general3A_44 : vector<64x128xf32>
    %swap3A = arith.constant 0 : index
    %swap3A_46 = arith.constant 0 : index
    %swap3A_47 = vector.load %arg12[%swap3A, %swap3A_46] : memref<64x128xf32, #tpu.memory_space<vmem>>, vector<64x128xf32>
    tpu.vector_store %arg12[%swap3A, %swap3A_46], %add3A_45 {strides = array<i32>} : memref<64x128xf32, #tpu.memory_space<vmem>>, vector<64x128xf32>,
    %get3A_48 = arith.constant 0 : index
    %get3A_49 = arith.constant 0 : index
    %get3A_50 = vector.load %arg13[%get3A_48, %get3A_49] : memref<64x1xf32, #tpu.memory_space<vmem>>, vector<64x1xf32>
    %reduce_sum3A = arith.constant dense<0.000000e+00> : vector<64xf32>
    %reduce_sum3A_51 = vector.multi_reduction <add>, %convert_element_type3A_35, %reduce_sum3A [1] : vector<64x2000xf32> to vector<64xf32>
    %broadcast_in_dim3A_52 = vector.shape_cast %reduce_sum3A_51 : vector<64xf32> to vector<64x1xf32>
    %add3A_53 = arith.addf %get3A_50, %broadcast_in_dim3A_52 : vector<64x1xf32>
    %swap3A_54 = arith.constant 0 : index
    %swap3A_55 = arith.constant 0 : index
    %swap3A_56 = vector.load %arg13[%swap3A_54, %swap3A_55] : memref<64x1xf32, #tpu.memory_space<vmem>>, vector<64x1xf32>
    tpu.vector_store %arg13[%swap3A_54, %swap3A_55], %add3A_53 {strides = array<i32>} : memref<64x1xf32, #tpu.memory_space<vmem>>, vector<64x1xf32>,
    %eq3A_57 = arith.constant 4 : i32
    %eq3A_58 = arith.cmpi eq, %arg0, %eq3A_57 : i32
    %convert_element_type3A_59 = arith.extui %eq3A_58 : i1 to i32
    %cond3A_60 = arith.constant 0 : i32
    %cond3A_61 = arith.cmpi ne, %convert_element_type3A_59, %cond3A_60 : i32
    scf.if %cond3A_61 {
      %get3A_62 = arith.constant 0 : index
      %get3A_63 = arith.constant 0 : index
      %get3A_64 = vector.load %arg12[%get3A_62, %get3A_63] : memref<64x128xf32, #tpu.memory_space<vmem>>, vector<64x128xf32>
      %get3A_65 = arith.constant 0 : index
      %get3A_66 = arith.constant 0 : index
      %get3A_67 = vector.load %arg13[%get3A_65, %get3A_66] : memref<64x1xf32, #tpu.memory_space<vmem>>, vector<64x1xf32>
      %jit3A = arith.constant 1.000000e+00 : f32
      %max3A_68 = vector.broadcast %jit3A : f32 to vector<64x1xf32>
      %max3A_69 = arith.maximumf %max3A_68, %get3A_67 : vector<64x1xf32>
      %div3A = vector.broadcast %max3A_69 : vector<64x1xf32> to vector<64x128xf32>
      %div3A_70 = arith.divf %get3A_64, %div3A : vector<64x128xf32>
      %get3A_71 = arith.constant 0 : index
      %get3A_72 = arith.constant 0 : index
      %get3A_73 = vector.load %arg7[%get3A_71, %get3A_72] : memref<128x128xf32, #tpu.memory_space<vmem>>, vector<128x128xf32>
      %dot_general3A_74 = arith.constant dense<0.000000e+00> : vector<64x128xf32>
      %dot_general3A_75 = tpu.matmul %div3A_70, %get3A_73, %dot_general3A_74 {dimension_numbers = #tpu.dot_dimension_numbers<[1], [0], [0], [1], [0, 0, 1, 1], [], []>, transpose_lhs_hint = false} : vector<64x128xf32>, vector<128x128xf32>, vector<64x128xf32> -> vector<64x128xf32>
      %get3A_76 = arith.constant 0 : index
      %get3A_77 = arith.constant 0 : index
      %get3A_78 = vector.load %arg8[%get3A_76, %get3A_77] : memref<1x128xf32, #tpu.memory_space<vmem>>, vector<1x128xf32>
      %add3A_79 = vector.broadcast %get3A_78 : vector<1x128xf32> to vector<64x128xf32>
      %add3A_80 = arith.addf %dot_general3A_75, %add3A_79 : vector<64x128xf32>
      %max3A_81 = arith.constant 0.000000e+00 : f32
      %max3A_82 = vector.broadcast %max3A_81 : f32 to vector<64x128xf32>
      %max3A_83 = arith.maximumf %add3A_80, %max3A_82 : vector<64x128xf32>
      %get3A_84 = arith.constant 0 : index
      %get3A_85 = arith.constant 0 : index
      %get3A_86 = vector.load %arg9[%get3A_84, %get3A_85] : memref<128x16xf32, #tpu.memory_space<vmem>>, vector<128x16xf32>
      %dot_general3A_87 = arith.constant dense<0.000000e+00> : vector<64x16xf32>
      %dot_general3A_88 = tpu.matmul %max3A_83, %get3A_86, %dot_general3A_87 {dimension_numbers = #tpu.dot_dimension_numbers<[1], [0], [0], [1], [0, 0, 1, 1], [], []>, transpose_lhs_hint = false} : vector<64x128xf32>, vector<128x16xf32>, vector<64x16xf32> -> vector<64x16xf32>
      %get3A_89 = arith.constant 0 : index
      %get3A_90 = arith.constant 0 : index
      %get3A_91 = vector.load %arg10[%get3A_89, %get3A_90] : memref<1x16xf32, #tpu.memory_space<vmem>>, vector<1x16xf32>
      %add3A_92 = vector.broadcast %get3A_91 : vector<1x16xf32> to vector<64x16xf32>
      %add3A_93 = arith.addf %dot_general3A_88, %add3A_92 : vector<64x16xf32>
      %swap3A_94 = arith.constant 0 : index
      %swap3A_95 = arith.constant 0 : index
      %swap3A_96 = vector.load %arg11[%swap3A_94, %swap3A_95] : memref<64x16xf32, #tpu.memory_space<vmem>>, vector<64x16xf32>
      tpu.vector_store %arg11[%swap3A_94, %swap3A_95], %add3A_93 {strides = array<i32>} : memref<64x16xf32, #tpu.memory_space<vmem>>, vector<64x16xf32>,
    } else {
    }
    return
  }
  func.func @transform_0(%arg0: i32) -> (i32, i32) {
    %c0_i32 = arith.constant 0 : i32
    %c0_i32_0 = arith.constant 0 : i32
    return %arg0, %c0_i32 : i32, i32
  }
  func.func @transform_1(%arg0: i32) -> (i32, i32, i32) {
    %c0_i32 = arith.constant 0 : i32
    %c0_i32_0 = arith.constant 0 : i32
    %c0_i32_1 = arith.constant 0 : i32
    return %c0_i32, %arg0, %c0_i32_0 : i32, i32, i32
  }
  func.func @transform_2(%arg0: i32) -> (i32, i32, i32) {
    %c0_i32 = arith.constant 0 : i32
    %c0_i32_0 = arith.constant 0 : i32
    %c0_i32_1 = arith.constant 0 : i32
    return %arg0, %c0_i32, %c0_i32_0 : i32, i32, i32
  }
  func.func @transform_3(%arg0: i32) -> (i32, i32) {
    %c0_i32 = arith.constant 0 : i32
    %c0_i32_0 = arith.constant 0 : i32
    %c0_i32_1 = arith.constant 0 : i32
    return %c0_i32, %c0_i32_0 : i32, i32
  }
  func.func @transform_4(%arg0: i32) -> (i32, i32) {
    %c0_i32 = arith.constant 0 : i32
    %c0_i32_0 = arith.constant 0 : i32
    %c0_i32_1 = arith.constant 0 : i32
    return %c0_i32, %c0_i32_0 : i32, i32
  }
  func.func @transform_5(%arg0: i32) -> (i32, i32) {
    %c0_i32 = arith.constant 0 : i32
    %c0_i32_0 = arith.constant 0 : i32
    %c0_i32_1 = arith.constant 0 : i32
    return %c0_i32, %c0_i32_0 : i32, i32
  }
  func.func @transform_6(%arg0: i32) -> (i32, i32) {
    %c0_i32 = arith.constant 0 : i32
    %c0_i32_0 = arith.constant 0 : i32
    %c0_i32_1 = arith.constant 0 : i32
    return %c0_i32, %c0_i32_0 : i32, i32
  }
  func.func @transform_7(%arg0: i32) -> (i32, i32) {
    %c0_i32 = arith.constant 0 : i32
    %c0_i32_0 = arith.constant 0 : i32
    %c0_i32_1 = arith.constant 0 : i32
    return %c0_i32, %c0_i32_0 : i32, i32
  }
  func.func @transform_8(%arg0: i32) -> (i32, i32) {
    %c0_i32 = arith.constant 0 : i32
    %c0_i32_0 = arith.constant 0 : i32
    %c0_i32_1 = arith.constant 0 : i32
    return %c0_i32, %c0_i32_0 : i32, i32
  }
  func.func @transform_9(%arg0: i32) -> (i32, i32) {
    %c0_i32 = arith.constant 0 : i32
    %c0_i32_0 = arith.constant 0 : i32
    %c0_i32_1 = arith.constant 0 : i32
    return %c0_i32, %c0_i32_0 : i32, i32
  }
  func.func @transform_10(%arg0: i32) -> (i32, i32) {
    %c0_i32 = arith.constant 0 : i32
    %c0_i32_0 = arith.constant 0 : i32
    %c0_i32_1 = arith.constant 0 : i32
    return %c0_i32, %c0_i32_0 : i32, i32
  }
}

</mosaic_0001>

<sc_bundles>
// kernel: kernel.10.cloned.1.call-start
scs
__scs_entry_jumppad:
0x0: {  	(pc) =	sbr.rel $0x88, $3  }
0x1: {  	(tag) =	ssettag $0x0;
	lr =	simm.s32 $0x1  }
0x2: {  	[smem:$0x3F91] =	sst lr;
	_ =	strace $0xD0000000  }
0x3: {  	_ = 	snop  }
0x4: {  	_ = 	snop  }
0x5: {  	_ = 	snop  }
0x6: {  	_ = 	snop  }
0x7: {  	_ = 	snop  }
__scs_overlays_trampoline_lowered:
0x8: {  	[smem:$0x3FA0] =	sst s0  }
0x9: {  	[smem:$0x3FA1] =	sst s1  }
0xa: {  	[smem:$0x3FA2] =	sst s2  }
0xb: {  	[smem:$0x3FA3] =	sst s3  }
0xc: {  	[smem:$0x3FA4] =	sst s4  }
0xd: {  	[smem:$0x3FA5] =	sst s5  }
0xe: {  	[smem:$0x3FA6] =	sst s6  }
0xf: {  	[smem:$0x3FA7] =	sst s7  }
0x10: {  	[smem:$0x3FA8] =	sst s8  }
0x11: {  	[smem:$0x3FA9] =	sst s9;
	s0 =	simm.s32 @!p0 $0x0  }
0x12: {  	s1 =	sld [smem:$0x3F8F];
	s0 =	simm.s32 @p0 $0x1  }
0x13: {  	[smem:$0x3FAA] =	sst s0;
	s0 =	simm.s32 @!p1 $0x0  }
0x14: {  	s2 =	sld [smem:$0x3F8E];
	s0 =	simm.s32 @p1 $0x1  }
0x15: {  	[smem:$0x3FAB] =	sst s0;
	s0 =	simm.s32 @!p2 $0x0  }
0x16: {  	s3 =	sld [smem:$0x3FDB];
	s0 =	simm.s32 @p2 $0x1  }
0x17: {  	s4 =	simm.s32 $0x1BF5;
	[smem:$0x3FAD] =	sst s0  }
0x18: {  	s0 =	sld [smem:$0x3F90];
	_ =	swait.ge [sflag:s4], $0x0  }
0x19: {  	s7 =	sld [smem:$0x3F91]  }
0x1a: {  	s8 =	sadd.s32 $0xFFFFE003, lr  }
0x1b: {  	s9 =	sadd.s32 $0xFFFFFEF7, lr;
	s5 =	simm.s32 $0xFFFFFFFF;
	p2 =	slt.u32 s8, $0xFFFFF086  }
0x1c: {  	p1 =	slt.u32 s9, $0xF7A;
	s5 =	simm.s32 @!p2 $0x0  }
0x1d: {  	s5 =	simm.s32 @p1 $0x1;
	p0 =	seq.s32 s7, s2  }
0x1e: {  	s7 =	smul.u32 @!p0 $0xF7A, s2;
	p2 =	seq.s32 @!p0 s5, $0x0  }
0x1f: {  	s9 =	smul.u32 $0xF7A, s1;
	s8 =	simm.s32 @!p0 $0x1BF5;
	p2 =	por !p2, p0  }
0x20: {  	[sflag:s8] =	ssyncset.s32 @!p0 $0xFFFFF086;
	s6 =	sadd.s32 @!p0 s3, s7;
	s7 =	simm.s32 @!p0 $0x108  }
0x21: {  	s3 =	sadd.s32 s3, s9;
	s6 =	sadd.s32 @!p0 $0x88, s6;
	s7 =	simm.s32 @p2 $0x1082  }
0x22: {  	[simem:s7], [sflag:s8] =	dma.local @!p0 [hbm:s6], $0xF7A  }
0x23: {  	s9 =	sor.u32 $0xD0000000, s2;
	s6 =	simm.s32 $0x108;
	_ =	swait.ge @!p0 [sflag:s8], $0x0  }
0x24: {  	s3 =	sadd.s32 $0x88, s3;
	s6 =	simm.s32 @!p1 $0x1082;
	[sflag:s4] =	ssyncset.s32 $0xFFFFF086  }
0x25: {  	[simem:s6], [sflag:s4] =	dma.local [hbm:s3], $0xF7A  }
0x26: {  	[smem:$0x3F91] =	sst s1;
	(tag) =	ssettag s2;
	_ =	strace s9  }
0x27: {  	s1 =	sld [smem:$0x3FA1]  }
0x28: {  	s2 =	sld [smem:$0x3FA2]  }
0x29: {  	s4 =	sld [smem:$0x3FA4]  }
0x2a: {  	p0 =	seq.s32 s5, $0x0;
	s5 =	sld [smem:$0x3FA5]  }
0x2b: {  	s6 =	sld [smem:$0x3FA6]  }
0x2c: {  	s7 =	sld [smem:$0x3FA7]  }
0x2d: {  	s3 =	simm.s32 $0x108;
	s8 =	sld [smem:$0x3FA8]  }
0x2e: {  	s3 =	simm.s32 @!p0 $0x1082;
	s9 =	sld [smem:$0x3FA9]  }
0x2f: {  	lr =	sadd.s32 s0, s3;
	s0 =	sld [smem:$0x3FA0]  }
0x30: {  	s3 =	sld [smem:$0x3FA3]  }
0x31: {  	[smem:$0x3FAC] =	sst s10  }
0x32: {  	s10 =	sld [smem:$0x3FAA];
	_ =	sdelay $0x3  }
0x33: {  	p0 =	seq.s32 s10, $0x1;
	s10 =	sld [smem:$0x3FAC];
	_ =	sdelay $0x3  }
0x34: {  	[smem:$0x3FAC] =	sst s10  }
0x35: {  	s10 =	sld [smem:$0x3FAB];
	_ =	sdelay $0x3  }
0x36: {  	p1 =	seq.s32 s10, $0x1;
	s10 =	sld [smem:$0x3FAC];
	_ =	sdelay $0x3  }
0x37: {  	[smem:$0x3FAC] =	sst s10  }
0x38: {  	s10 =	sld [smem:$0x3FAD]  }
0x39: {  	_ = 	snop;
	(pc) =	sbr.ind lr, $3  }
0x3a: {  	_ = 	snop  }
0x3b: {  	_ = 	snop  }
0x3c: {  	p2 =	seq.s32 s10, $0x1;
	s10 =	sld [smem:$0x3FAC]  }
0x3d: {  	_ =	shalt  }
0x3e: {  	_ =	shalt  }
0x3f: {  	_ =	shalt  }
0x40: {  	_ =	shalt  }
0x41: {  	_ =	shalt  }
0x42: {  	_ =	shalt  }
0x43: {  	_ =	shalt  }
0x44: {  	_ =	shalt  }
0x45: {  	_ =	shalt  }
0x46: {  	_ =	shalt  }
0x47: {  	_ =	shalt  }
0x48: {  	_ =	shalt  }
0x49: {  	_ =	shalt  }
0x4a: {  	_ =	shalt  }
0x4b: {  	_ =	shalt  }
0x4c: {  	_ =	shalt  }
0x4d: {  	_ =	shalt  }
0x4e: {  	_ =	shalt  }
0x4f: {  	_ =	shalt  }
0x50: {  	_ =	shalt  }
0x51: {  	_ =	shalt  }
0x52: {  	_ =	shalt  }
0x53: {  	_ =	shalt  }
0x54: {  	_ =	shalt  }
0x55: {  	_ =	shalt  }
0x56: {  	_ =	shalt  }
0x57: {  	_ =	shalt  }
0x58: {  	_ =	shalt  }
0x59: {  	_ =	shalt  }
0x5a: {  	_ =	shalt  }
0x5b: {  	_ =	shalt  }
0x5c: {  	_ =	shalt  }
0x5d: {  	_ =	shalt  }
0x5e: {  	_ =	shalt  }
0x5f: {  	_ =	shalt  }
0x60: {  	_ =	shalt  }
0x61: {  	_ =	shalt  }
0x62: {  	_ =	shalt  }
0x63: {  	_ =	shalt  }
0x64: {  	_ =	shalt  }
0x65: {  	_ =	shalt  }
0x66: {  	_ =	shalt  }
0x67: {  	_ =	shalt  }
0x68: {  	_ =	shalt  }
0x69: {  	_ =	shalt  }
0x6a: {  	_ =	shalt  }
0x6b: {  	_ =	shalt  }
0x6c: {  	_ =	shalt  }
0x6d: {  	_ =	shalt  }
0x6e: {  	_ =	shalt  }
0x6f: {  	_ =	shalt  }
0x70: {  	_ =	shalt  }
0x71: {  	_ =	shalt  }
0x72: {  	_ =	shalt  }
0x73: {  	_ =	shalt  }
0x74: {  	_ =	shalt  }
0x75: {  	_ =	shalt  }
0x76: {  	_ =	shalt  }
0x77: {  	_ =	shalt  }
0x78: {  	_ =	shalt  }
0x79: {  	_ =	shalt  }
0x7a: {  	_ =	shalt  }
0x7b: {  	_ =	shalt  }
0x7c: {  	_ =	shalt  }
0x7d: {  	_ =	shalt  }
0x7e: {  	_ =	shalt  }
0x7f: {  	_ =	shalt  }
0x80: {  	_ =	shalt  }
0x81: {  	_ =	shalt  }
0x82: {  	_ =	shalt  }
0x83: {  	_ =	shalt  }
0x84: {  	_ =	shalt  }
0x85: {  	_ =	shalt  }
0x86: {  	_ =	shalt  }
0x87: {  	_ =	shalt  }
.Lfunc_end0:
.L_simem_size_0:
called_computation.1_lowered:
.L_overlay_start_0:
0x88: {  	s2 =	sld [smem:$0x3FD9]  }
0x89: {  	s3 =	sld [smem:$0x3FFE];
	_ =	sdelay $0x1  }
0x8a: {  	s1 =	srdreg.scid  }
0x8b: {  	s0 =	sand.u32 $0x1, s1  }
0x8c: {  	s16 =	sshll.u32 s0, $0xA;
	s2 =	sadd.s32 s3, s2  }
0x8d: {  	s2 =	sadd.s32 s2, s16  }
0x8e: {  	[smem:$0x3FB8] =	sst s2  }
0x8f: {  	_ = 	snop  }
0x90: {  	(tm) =	ssettm $0x1  }
0x91: {  	s17 =	sld [smem:$0x3FFB];
	_ =	sdelay $0x3  }
0x92: {  	_ =	strace s17  }
0x93: {  	s2 =	sld [smem:$0x3FFC];
	_ =	sdelay $0x3  }
0x94: {  	_ =	strace s2  }
0x95: {  	s2 =	sld [smem:$0x3FFD];
	_ =	sdelay $0x3  }
0x96: {  	_ =	strace s2  }
0x97: {  	_ =	strace $0x8FFFFFFF  }
0x98: {  	s18 =	sld [smem:$0x3FDB];
	_ =	sdelay $0x1  }
0x99: {  	s19 =	simm.s32 $_scs_section_size  }
0x9a: {  	s4 =	simm.s32 $_size__tile_overlayer_lowered;
	s5 =	simm.s32 $_tile_overlayer_lowered  }
0x9b: {  	s22 =	simm.s32 $0x1BFF;
	s21 =	sshll.u32 s5, $0x1;
	s2 =	sadd.s32 s19, s18  }
0x9c: {  	s6 =	simm.s32 $0x0;
	s20 =	sshll.u32 s4, $0x1;
	s4 =	sadd.s32 s21, s2  }
0x9d: {  	[timem:s6], [sflag:s22] =	dma.local [hbm:s4], s20  }
0x9e: {  	_ =	swait.ge [sflag:s22], s20  }
0x9f: {  	s3 =	ssub.s32 $0x0, s20;
	[sflag:s22] =	ssyncset.done $0x0  }
0xa0: {  	[sflag:s22] =	ssyncadd.s32 s3;
	_ =	sdelay $0x1  }
0xa1: {  	s23 =	simm.s32 $0x1B8B  }
0xa2: {  	_ =	swait.ge [sflag:s23], $0x1  }
0xa3: {  	[sflag:s23] =	ssyncset.done $0x0  }
0xa4: {  	s25 =	simm.s32 $0x1B8E;
	s24 =	sld [smem:$0x3FFE];
	[sflag:s23] =	ssyncadd.s32 $0xFFFFFFFF  }
0xa5: {  	s26 =	simm.s32 $execute0_lowered;
	[smem:$0x3FD2] =	sst s25  }
0xa6: {  	s4 =	sshll.u32 s26, $0x1;
	_ =	strace $0x80000049;
	[dreg:$0x1] =	wrdreg $0xFFFFFFFF  }
0xa7: {  	s28 =	simm.s32 $_size_execute0_lowered;
	s2 =	sadd.s32 s2, s4;
	[dreg:$0x0] =	wrdreg $0x0  }
0xa8: {  	s4 =	sshll.u32 s28, $0x1;
	[dreg:$0x2] =	wrdreg s2  }
0xa9: {  	[dreg:$0x3] =	wrdreg s4  }
0xaa: {  	[dreg:$0x4] =	wrdreg $0xC0  }
0xab: {  	_ =	task [dreg:s6], $0x5FFFF  }
0xac: {  	[dreg:$0x1] =	wrdreg $0xFFFFFFFF  }
0xad: {  	[dreg:$0x0] =	wrdreg $0x60  }
0xae: {  	[dreg:$0x2] =	wrdreg s24  }
0xaf: {  	[dreg:$0x3] =	wrdreg $0x0  }
0xb0: {  	[dreg:$0x4] =	wrdreg $0x9  }
0xb1: {  	_ =	task.clear_ibuf [dreg:s6], $0x5FFFF;
	_ =	strace $0x90000049  }
0xb2: {  	s29 =	simm.s32 $0x9;
	_ =	strace $0x8000004B  }
0xb3: {  	_ =	swait.ge [sflag:s29], $0x1  }
0xb4: {  	[sflag:s29] =	ssyncadd.s32 $0xFFFFFFFF  }
0xb5: {  	_ =	strace $0x9000004B  }
0xb6: {  	_ =	sfence  }
0xb7: {  	s30 =	sld [smem:$0x0];
	_ =	sdelay $0x2  }
0xb8: {  	s31 =	sshll.u32 s1, $0xD;
	s1 =	sshrl.u32 s1, $0x2  }
0xb9: {  	s3 =	sand.u32 $0x4000, s31;
	s1 =	sadd.s32 s1, s30  }
0xba: {  	s0 =	sor.u32 s3, s0;
	s1 =	sshll.u32 s1, $0x11  }
0xbb: {  	s0 =	sor.u32 s1, s0  }
0xbc: {  	s0 =	sadd.s32 $0x8F2B, s0  }
0xbd: {  	[sflag:s0] =	ssyncadd.remote.s32 $0x1  }
0xbe: {  	_ =	sfence.sel $0xFFFF  }
0xbf: {  	[dreg:$0x0] =	wrdreg $0xFFFFFFFF;
	(pc) =	sbr.abs _section_cstart, $3  }
0xc0: {  	[dreg:$0x1] =	wrdreg $0xFFFFFFFF  }
0xc1: {  	_ =	task.clear_ibuf [dreg:s6], $0x2FFFF;
	_ =	strace $0x9FFFFFFF  }
0xc2: {  	(tm) =	ssettm $0x7FFFFFFF  }
0xc3: {  	_ =	shalt  }
tec
execute0_lowered:
.L_overlay_start_1:
0x0: {  	(tag) =	ssettag $0x1  }
0x1: {  	s0 =	rddreg [dreg:$0x0]  }
0x2: {  	s1 =	rddreg [dreg:$0x1]  }
0x3: {  	s3 =	simm.s32 $0x0;
	s14 =	stileid.u32;
	s2 =	srdreg.scid  }
0x4: {  	s20 =	simm.s32 $0x8;
	s28 =	simm.s32 $0x190;
	s31 =	simm.s32 $0x6  }
0x5: {  	[smem:$0x7FF] =	sst s3;
	s4 =	sadd.s32 $0x13BA00, s0;
	s9 =	smul.u32 $0x5000, s14  }
0x6: {  	s2 =	sand.u32 $0x1, s2;
	s5 =	sadd.s32 $0x140A00, s0;
	s6 =	sadd.s32 $0x9F600, s0  }
0x7: {  	s7 =	sadd.s32 $0x145A00, s0;
	s24 =	sshll.u32 s14, $0x6;
	_ =	strace $0x8000004A  }
0x8: {  	s8 =	smul.u32 $0x50000, s2;
	s11 =	sshll.u32 s2, $0x4;
	s2 =	ssub.s32 $0x2, s2  }
0x9: {  	s10 =	sshrl.u32 s9, $0x3;
	s12 =	sor.u32 s14, s11;
	s13 =	sshrl.u32 s2, $0x1  }
0xa: {  	s11 =	sor.u32 $0x1C08, s24;
	s8 =	sadd.s32 s9, s8;
	s10 =	sadd.s32 s10, s0  }
0xb: {  	s2 =	ssub.s32 s2, s13;
	s22 =	sshrl.u32 s8, $0x3;
	s8 =	smul.u32 $0x2710, s12  }
0xc: {  	s9 =	sadd.s32 s9, s1;
	s25 =	smul.u32 $0x4E20, s12;
	s10 =	sadd.s32 $0x159400, s10  }
0xd: {  	s12 =	smul.u32 $0x19, s12;
	s18 =	smax.u32 s2, $0x1;
	s23 =	sshrl.u32 s8, $0x3  }
0xe: {  	[dreg:$0x3] =	wrdreg s10;
	s13 =	sadd.s32 s6, s25;
	s10 =	sadd.s32 s7, s23  }
0xf: {  	s19 =	sshrl.u32 s9, $0x3;
	[dreg:$0x7] =	wrdreg s13;
	s26 =	sadd.s32 $0x9C40, s10  }
0x10: {  	s0 =	sadd.s32 s22, s0;
	s29 =	sadd.s32 $0x32, s10;
	[dreg:$0x4] =	wrdreg s26  }
0x11: {  	s25 =	simm.s32 $0x1;
	s30 =	sadd.s32 $0x9C72, s10;
	[dreg:$0x5] =	wrdreg s29  }
0x12: {  	s17 =	sadd.s32 $0x3200, s0;
	s0 =	simm.s32 $0x0;
	[dreg:$0x6] =	wrdreg s30  }
.LBB2_1:
0x13: {  	s2 =	rddreg [dreg:$0x3]  }
0x14: {  	[spmem:s19], [sflag:s11] =	dma.local [hbm:s2], $0xA00  }
0x15: {  	_ =	swait.ge [sflag:s20], $0xA00  }
0x16: {  	[sflag:s20] =	ssyncset.done $0x0  }
0x17: {  	[sflag:s20] =	ssyncadd.s32 $0xFFFFF600  }
0x18: {  	s9 =	simm.s32 $0x5000;
	[bflag:$0x0] =	sbarrier.arrive $0xFFFF  }
0x19: {  	[tilespmem:s9], [sflag:$0x1] =	stream.linear.gather [hbm4b:s10+s3], $0x190, $0x38;
	[tilespmem:$0x15360] =	vst v63  }
0x1a: {  	s13 =	simm.s32 $0x54B0;
	s16 =	rddreg [dreg:$0x4]  }
0x1b: {  	[tilespmem:s13], [sflag:$0x1] =	stream.linear.gather [hbm4b:s16+s3], $0x190, $0x38;
	[tilespmem:$0x15360] =	vst v63  }
0x1c: {  	s14 =	simm.s32 $0x5190;
	s21 =	rddreg [dreg:$0x5]  }
0x1d: {  	[tilespmem:s14], [sflag:$0x2] =	stream.linear.gather [hbm4b:s21+s3], $0x190, $0x38;
	[tilespmem:$0x15360] =	vst v63  }
0x1e: {  	s23 =	simm.s32 $0x5640;
	s22 =	rddreg [dreg:$0x6]  }
0x1f: {  	[tilespmem:s23], [sflag:$0x2] =	stream.linear.gather [hbm4b:s22+s3], $0x190, $0x38;
	[tilespmem:$0x15360] =	vst v63  }
0x20: {  	_ =	swait.ge [sflag:s25], $0x190  }
0x21: {  	[sflag:s25] =	ssyncset.done $0x0  }
0x22: {  	[sflag:s25] =	ssyncadd.s32 $0xFFFFFE70  }
0x23: {  	_ =	swait.ge [sflag:s25], $0x190  }
0x24: {  	[sflag:s25] =	ssyncset.done $0x0  }
0x25: {  	s26 =	simm.s32 $0xBD60;
	s24 =	rddreg [dreg:$0x7];
	[sflag:s25] =	ssyncadd.s32 $0xFFFFFE70  }
0x26: {  	[tilespmem:s26], [sflag:$0x4] =	stream.linear.gather [hbm4b:s24+s3], $0x1900, $0x38;
	[tilespmem:$0x15360] =	vst v63  }
0x27: {  	s29 =	simm.s32 $0x5960  }
0x28: {  	[tilespmem:s29], [sflag:$0x4] =	stream.indirect.gather [hbm4b:s4+s28], $0x10, s9, s28, $0xb8;
	[tilespmem:$0x15360] =	vst v63  }
0x29: {  	s30 =	simm.s32 $0x8B60;
	s23 =	simm.s32 $0x0  }
0x2a: {  	[tilespmem:s30], [sflag:$0x4] =	stream.indirect.gather [hbm4b:s5+s28], $0x10, s13, s28, $0xb8;
	[tilespmem:$0x15360] =	vst v63  }
.LBB2_2:
0x2b: {  	p0 =	seq.s32 s23, $0x0  }
0x2c: {  	p1 =	sgt.u32 @!p0 s23, $0x16  }
0x2d: {  	s2 =	sand.u32 $0x1, s23;
	p1 =	por p0, !p1  }
.Ltmp0:
0x2e: {  	s9 =	sxor.u32 @!p0 $0x1, s2;
	(pc) =	sbr.rel @!p1 .LBB2_4-.Ltmp0, $4  }
0x2f: {  	s9 =	sor.u32 @!p0 $0x6, s9  }
0x30: {  	_ =	swait.ge @!p0 [sflag:s9], $0x3200  }
0x31: {  	[sflag:s9] =	ssyncset.done @!p0 $0x0  }
0x32: {  	[sflag:s9] =	ssyncadd.s32 @!p0 $0xFFFFCE00  }
0x33: {  	s9 =	sadd.s32 $0x2, s23  }
0x34: {  	s13 =	smul.u32 $0xAB, s9;
	_ =	sdelay $0x1  }
0x35: {  	s13 =	sshrl.u32 s13, $0x9  }
0x36: {  	s13 =	sand.u32 $0x7F, s13  }
0x37: {  	s13 =	smul.u32 $0x3, s13;
	_ =	sdelay $0x1  }
0x38: {  	s13 =	ssub.s32 s9, s13;
	s9 =	sadd.s32 s12, s9  }
0x39: {  	s13 =	sand.u32 $0xFF, s13;
	s9 =	smul.u32 $0x190, s9  }
0x3a: {  	s14 =	smul.u32 $0x190, s13  }
0x3b: {  	s13 =	sadd.s32 $0x1, s13;
	s9 =	sshrl.u32 s9, $0x3  }
.Ltmp1:
0x3c: {  	s15 =	sor.u32 $0x5000, s14;
	s9 =	sadd.s32 s7, s9;
	(pc) =	sbr.rel .LBB2_5-.Ltmp1, $4  }
0x3d: {  	[tilespmem:s15], [sflag:s13] =	stream.linear.gather [hbm4b:s9+s3], $0x190, $0x38;
	[tilespmem:$0x15360] =	vst v63  }
0x3e: {  	s14 =	sadd.s32 $0x54B0, s14;
	s9 =	sadd.s32 $0x9C40, s9  }
0x3f: {  	[tilespmem:s14], [sflag:s13] =	stream.linear.gather [hbm4b:s9+s3], $0x190, $0x38;
	[tilespmem:$0x15360] =	vst v63  }
0x40: {  	s9 =	sadd.s32 $0x1, s23  }
.LBB2_4:
0x41: {  	p0 =	seq.s32 s23, $0x18  }
.Ltmp2:
0x42: {  	_ = 	snop;
	(pc) =	sbr.rel @p0 .LBB2_6-.Ltmp2, $2  }
0x43: {  	_ =	sdelay $0x2  }
0x44: {  	s9 =	simm.s32 $0x18;
	s13 =	simm.s32 $0x19  }
.LBB2_5:
0x45: {  	s13 =	smul.u32 $0xAB, s9;
	_ =	sdelay $0x1  }
0x46: {  	s13 =	sshrl.u32 s13, $0x9  }
0x47: {  	s13 =	sand.u32 $0x7F, s13  }
0x48: {  	s13 =	smul.u32 $0x3, s13;
	_ =	sdelay $0x1  }
0x49: {  	s13 =	ssub.s32 s9, s13  }
0x4a: {  	s13 =	sand.u32 $0xFF, s13  }
0x4b: {  	s15 =	sand.u32 $0x1, s9;
	s21 =	smul.u32 $0x190, s9;
	s14 =	sadd.s32 $0x1, s13  }
0x4c: {  	s22 =	smul.u32 $0x6400, s15;
	_ =	swait.ge [sflag:s14], $0x190  }
0x4d: {  	s24 =	sor.u32 $0x4, s15;
	s21 =	sadd.s32 s8, s21;
	[sflag:s14] =	ssyncset.done $0x0  }
0x4e: {  	s15 =	smul.u32 $0x3200, s15;
	s21 =	sshll.u32 s21, $0x1;
	[sflag:s14] =	ssyncadd.s32 $0xFFFFFE70  }
0x4f: {  	s22 =	sshrl.u32 s22, $0x2;
	s21 =	sand.u32 $0x1FFFFFE0, s21;
	_ =	swait.ge [sflag:s14], $0x190  }
0x50: {  	s26 =	sshrl.u32 s15, $0x1;
	s21 =	sadd.s32 s6, s21;
	[sflag:s14] =	ssyncset.done $0x0  }
0x51: {  	s13 =	smul.u32 $0x190, s13;
	[sflag:s14] =	ssyncadd.s32 $0xFFFFFE70;
	s14 =	sadd.s32 $0xBD60, s22  }
0x52: {  	[tilespmem:s14], [sflag:s24] =	stream.linear.gather [hbm4b:s21+s3], $0x1900, $0x38;
	[tilespmem:$0x15360] =	vst v63  }
0x53: {  	s30 =	sadd.s32 $0x5960, s26;
	s29 =	sor.u32 $0x5000, s13  }
0x54: {  	[tilespmem:s30], [sflag:s24] =	stream.indirect.gather [hbm4b:s4+s28], $0x10, s29, s28, $0xb8;
	[tilespmem:$0x15360] =	vst v63  }
0x55: {  	s13 =	sadd.s32 $0x54B0, s13;
	s14 =	sadd.s32 $0x8B60, s26  }
0x56: {  	[tilespmem:s14], [sflag:s24] =	stream.indirect.gather [hbm4b:s5+s28], $0x10, s13, s28, $0xb8;
	[tilespmem:$0x15360] =	vst v63  }
0x57: {  	s13 =	smov.u32 s9  }
.LBB2_6:
0x58: {  	s9 =	sor.u32 $0x4, s2  }
0x59: {  	_ =	swait.ge [sflag:s9], $0x1900  }
0x5a: {  	[sflag:s9] =	ssyncset.done $0x0  }
0x5b: {  	[sflag:s9] =	ssyncadd.s32 $0xFFFFE700  }
0x5c: {  	_ =	swait.ge [sflag:s9], $0x1900  }
0x5d: {  	[sflag:s9] =	ssyncset.done $0x0  }
0x5e: {  	s14 =	smul.u32 $0x6400, s2;
	[sflag:s9] =	ssyncadd.s32 $0xFFFFE700  }
0x5f: {  	_ =	swait.ge [sflag:s9], $0x1900  }
0x60: {  	s14 =	sshrl.u32 s14, $0x2;
	[sflag:s9] =	ssyncset.done $0x0  }
0x61: {  	s22 =	simm.s32 $0x0;
	s24 =	sadd.s32 $0x8B80, s14;
	[sflag:s9] =	ssyncadd.s32 $0xFFFFE700  }
0x62: {  	s15 =	sand.u32 $0x1F80, s22;
	s26 =	sadd.s32 $0xBD60, s14;
	s29 =	sadd.s32 $0x5980, s14;
	v0 =	vld [tilespmem:s24+$0xFFFFFFE0]  }
0x63: {  	s14 =	sadd.s32 s15, s26;
	s9 =	sand.u32 $0x40, s22;
	v1 =	vld [tilespmem:s29+$0xFFFFFFE0]  }
0x64: {  	s9 =	sadd.s32 s9, s14  }
0x65: {  	v2 =	vld [tilespmem:s9+$0x0];
	_ =	sdelay $0x2  }
0x66: {  	v3 =	vunpack.i.l.bf16.f32 v0;
	v4 =	vunpack.i.l.bf16.f32 v1  }
0x67: {  	v0 =	vunpack.i.u.bf16.f32 v0;
	v1 =	vunpack.i.u.bf16.f32 v1;
	v3 =	vadd.f32 v3, v4  }
0x68: {  	s16 =	smul.u32 $0xC800, s2;
	v60 =	vunpack.i.l.bf16.f32 v2;
	v0 =	vadd.f32 v0, v1  }
0x69: {  	v1 =	vunpack.i.u.bf16.f32 v2;
	v2 =	vadd.f32 v60, v3  }
0x6a: {  	s30 =	sshrl.u32 s16, $0x2;
	v0 =	vadd.f32 v1, v0  }
0x6b: {  	s9 =	sadd.s32 $0xEFA0, s30;
	v1 =	vmax.f32 v2, $0.0e+00  }
0x6c: {  	v0 =	vmax.f32 v0, $0.0e+00;
	[tilespmem:s9+$0xFFFFFFC0] =	vst v1  }
0x6d: {  	[tilespmem:s9+$0xFFFFFFD0] =	vst v0  }
0x6e: {  	s15 =	simm.s32 $0x10;
	v0 =	vld [tilespmem:s24+$0xFFFFFFF0]  }
0x6f: {  	s15 =	sand.u32 $0x50, s15;
	v1 =	vld [tilespmem:s29+$0xFFFFFFF0]  }
0x70: {  	s15 =	sadd.s32 s15, s14  }
0x71: {  	v2 =	vld [tilespmem:s15+$0x0];
	_ =	sdelay $0x2  }
0x72: {  	v3 =	vunpack.i.l.bf16.f32 v1;
	v61 =	vunpack.i.l.bf16.f32 v0  }
0x73: {  	v0 =	vunpack.i.u.bf16.f32 v0;
	v1 =	vunpack.i.u.bf16.f32 v1;
	v3 =	vadd.f32 v61, v3  }
0x74: {  	v0 =	vadd.f32 v0, v1;
	v1 =	vunpack.i.l.bf16.f32 v2  }
0x75: {  	v2 =	vunpack.i.u.bf16.f32 v2;
	v1 =	vadd.f32 v1, v3  }
0x76: {  	v0 =	vadd.f32 v2, v0  }
0x77: {  	v1 =	vmax.f32 v1, $0.0e+00  }
0x78: {  	v0 =	vmax.f32 v0, $0.0e+00;
	[tilespmem:s9+$0xFFFFFFE0] =	vst v1  }
0x79: {  	[tilespmem:s9+$0xFFFFFFF0] =	vst v0  }
0x7a: {  	s21 =	simm.s32 $0x20;
	v0 =	vld [tilespmem:s29+$0x0]  }
0x7b: {  	s15 =	sand.u32 $0x60, s21;
	v1 =	vld [tilespmem:s24+$0x0]  }
0x7c: {  	s15 =	sadd.s32 s15, s14  }
0x7d: {  	v2 =	vld [tilespmem:s15+$0x0];
	_ =	sdelay $0x2  }
0x7e: {  	v3 =	vunpack.i.u.bf16.f32 v0;
	v62 =	vunpack.i.u.bf16.f32 v1  }
0x7f: {  	v0 =	vunpack.i.l.bf16.f32 v0;
	v1 =	vunpack.i.l.bf16.f32 v1;
	v3 =	vadd.f32 v62, v3  }
0x80: {  	v63 =	vunpack.i.u.bf16.f32 v2;
	v0 =	vadd.f32 v1, v0  }
0x81: {  	s22 =	smul.u32 $0xAB, s23;
	v1 =	vunpack.i.l.bf16.f32 v2;
	v2 =	vadd.f32 v63, v3  }
0x82: {  	v0 =	vadd.f32 v1, v0  }
0x83: {  	s15 =	sshrl.u32 s22, $0x9;
	v1 =	vmax.f32 v2, $0.0e+00  }
0x84: {  	s15 =	sand.u32 $0x7F, s15;
	v0 =	vmax.f32 v0, $0.0e+00;
	[tilespmem:s9+$0x10] =	vst v1  }
0x85: {  	s21 =	simm.s32 $0x30;
	s15 =	smul.u32 $0x3, s15;
	[tilespmem:s9+$0x0] =	vst v0  }
0x86: {  	s21 =	sand.u32 $0x70, s21;
	v0 =	vld [tilespmem:s29+$0x10]  }
0x87: {  	s22 =	sadd.s32 s21, s14;
	s15 =	ssub.s32 s23, s15;
	v2 =	vld [tilespmem:s24+$0x10]  }
0x88: {  	s21 =	simm.s32 $0x40;
	s23 =	smov.u32 s9;
	s14 =	sand.u32 $0xFF, s15;
	v1 =	vld [tilespmem:s22+$0x0]  }
.LBB2_7:
0x89: {  	_ =	sdelay $0x1  }
0x8a: {  	s24 =	sadd.s32 $0x40, s24;
	s29 =	sadd.s32 $0x40, s29;
	s9 =	sadd.s32 $0x80, s9  }
0x8b: {  	p0 =	sne.s32 s21, $0x18C0;
	s15 =	smov.u32 s21;
	s21 =	sadd.s32 $0x40, s21;
	v3 =	vunpack.i.l.bf16.f32 v0;
	v4 =	vunpack.i.l.bf16.f32 v2  }
0x8c: {  	v0 =	vunpack.i.u.bf16.f32 v0;
	v2 =	vunpack.i.u.bf16.f32 v2;
	v3 =	vadd.f32 v4, v3  }
0x8d: {  	v4 =	vunpack.i.l.bf16.f32 v1;
	v0 =	vadd.f32 v2, v0  }
0x8e: {  	v1 =	vunpack.i.u.bf16.f32 v1;
	v2 =	vadd.f32 v4, v3  }
0x8f: {  	v0 =	vadd.f32 v1, v0  }
0x90: {  	v1 =	vmax.f32 v2, $0.0e+00  }
0x91: {  	v0 =	vmax.f32 v0, $0.0e+00;
	[tilespmem:s23+$0x20] =	vst v1  }
0x92: {  	s22 =	sand.u32 $0x1F80, s15;
	[tilespmem:s23+$0x30] =	vst v0;
	s23 =	smov.u32 s9  }
0x93: {  	s16 =	sand.u32 $0x40, s15;
	s22 =	sadd.s32 s22, s26;
	v0 =	vld [tilespmem:s24+$0xFFFFFFE0]  }
0x94: {  	s16 =	sadd.s32 s16, s22;
	v1 =	vld [tilespmem:s29+$0xFFFFFFE0]  }
0x95: {  	v2 =	vld [tilespmem:s16+$0x0];
	_ =	sdelay $0x2  }
0x96: {  	v3 =	vunpack.i.u.bf16.f32 v0;
	v0 =	vunpack.i.l.bf16.f32 v0  }
0x97: {  	v4 =	vunpack.i.u.bf16.f32 v1;
	v1 =	vunpack.i.l.bf16.f32 v1  }
0x98: {  	v5 =	vunpack.i.u.bf16.f32 v2;
	v2 =	vunpack.i.l.bf16.f32 v2;
	v0 =	vadd.f32 v0, v1  }
0x99: {  	v1 =	vadd.f32 v3, v4  }
0x9a: {  	v0 =	vadd.f32 v2, v0  }
0x9b: {  	v1 =	vadd.f32 v5, v1  }
0x9c: {  	v0 =	vmax.f32 v0, $0.0e+00  }
0x9d: {  	[tilespmem:s9+$0xFFFFFFC0] =	vst v0;
	v0 =	vmax.f32 v1, $0.0e+00  }
0x9e: {  	[tilespmem:s9+$0xFFFFFFD0] =	vst v0  }
0x9f: {  	s16 =	sadd.s32 $0x10, s15;
	v0 =	vld [tilespmem:s24+$0xFFFFFFF0]  }
0xa0: {  	s16 =	sand.u32 $0x50, s16;
	v1 =	vld [tilespmem:s29+$0xFFFFFFF0]  }
0xa1: {  	s16 =	sadd.s32 s16, s22  }
0xa2: {  	v2 =	vld [tilespmem:s16+$0x0];
	_ =	sdelay $0x1  }
0xa3: {  	v3 =	vunpack.i.u.bf16.f32 v0  }
0xa4: {  	v0 =	vunpack.i.l.bf16.f32 v0;
	v4 =	vunpack.i.u.bf16.f32 v1;
	v1 =	vunpack.i.l.bf16.f32 v1  }
0xa5: {  	v0 =	vadd.f32 v0, v1;
	v1 =	vadd.f32 v3, v4  }
0xa6: {  	v3 =	vunpack.i.u.bf16.f32 v2;
	v2 =	vunpack.i.l.bf16.f32 v2  }
0xa7: {  	v0 =	vadd.f32 v2, v0;
	v1 =	vadd.f32 v3, v1;
	_ =	sdelay $0x1  }
0xa8: {  	v0 =	vmax.f32 v0, $0.0e+00;
	v1 =	vmax.f32 v1, $0.0e+00  }
0xa9: {  	[tilespmem:s9+$0xFFFFFFE0] =	vst v0  }
0xaa: {  	[tilespmem:s9+$0xFFFFFFF0] =	vst v1  }
0xab: {  	s16 =	sadd.s32 $0x20, s15;
	v0 =	vld [tilespmem:s29+$0x0]  }
0xac: {  	s16 =	sand.u32 $0x60, s16;
	v1 =	vld [tilespmem:s24+$0x0]  }
0xad: {  	s16 =	sadd.s32 s16, s22  }
0xae: {  	v2 =	vld [tilespmem:s16+$0x0];
	_ =	sdelay $0x2  }
0xaf: {  	v3 =	vunpack.i.u.bf16.f32 v0;
	v0 =	vunpack.i.l.bf16.f32 v0;
	v4 =	vunpack.i.u.bf16.f32 v1  }
0xb0: {  	v1 =	vunpack.i.l.bf16.f32 v1;
	v3 =	vadd.f32 v4, v3  }
0xb1: {  	v0 =	vadd.f32 v1, v0;
	v4 =	vunpack.i.u.bf16.f32 v2  }
0xb2: {  	v1 =	vunpack.i.l.bf16.f32 v2;
	v2 =	vadd.f32 v4, v3  }
0xb3: {  	v0 =	vadd.f32 v1, v0  }
0xb4: {  	v1 =	vmax.f32 v2, $0.0e+00  }
.Ltmp3:
0xb5: {  	v0 =	vmax.f32 v0, $0.0e+00;
	[tilespmem:s9+$0x10] =	vst v1;
	(pc) =	sbr.rel @p0 .LBB2_7-.Ltmp3, $4  }
0xb6: {  	s15 =	sadd.s32 $0x30, s15;
	[tilespmem:s9+$0x0] =	vst v0  }
0xb7: {  	s15 =	sand.u32 $0x70, s15;
	v0 =	vld [tilespmem:s29+$0x10]  }
0xb8: {  	s15 =	sadd.s32 s15, s22;
	v2 =	vld [tilespmem:s24+$0x10]  }
0xb9: {  	v1 =	vld [tilespmem:s15+$0x0]  }
0xba: {  	_ =	sdelay $0x2  }
0xbb: {  	v3 =	vunpack.i.l.bf16.f32 v0;
	v4 =	vunpack.i.l.bf16.f32 v2  }
0xbc: {  	v58 =	vunpack.i.u.bf16.f32 v0;
	v59 =	vunpack.i.u.bf16.f32 v2;
	v3 =	vadd.f32 v4, v3  }
0xbd: {  	v60 =	vunpack.i.l.bf16.f32 v1;
	v0 =	vadd.f32 v59, v58  }
0xbe: {  	s9 =	smul.u32 $0x640, s14;
	p0 =	slt.u32 s13, $0x19;
	v61 =	vunpack.i.u.bf16.f32 v1;
	v62 =	vadd.f32 v60, v3  }
.Ltmp4:
0xbf: {  	v0 =	vadd.f32 v61, v0;
	(pc) =	sbr.rel @p0 .LBB2_2-.Ltmp4, $4  }
0xc0: {  	v63 =	vmax.f32 v62, $0.0e+00  }
0xc1: {  	s30 =	sadd.s32 $0xEF60, s30;
	s9 =	sshrl.u32 s9, $0x2;
	v0 =	vmax.f32 v0, $0.0e+00;
	[tilespmem:s23+$0x20] =	vst v63  }
0xc2: {  	s2 =	sor.u32 $0x6, s2;
	s9 =	sadd.s32 $0x5000, s9;
	[tilespmem:s23+$0x30] =	vst v0;
	s23 =	smov.u32 s13  }
0xc3: {  	[spmem:s1] =	stream.indirect.scatter.add.f32 [tilespmem:s30], [sflag:s2], $0x20, s9, s28, $0xb8;
	[tilespmem:$0x15360] =	vst v63  }
0xc4: {  	_ =	swait.ge [sflag:s31], $0x3200  }
0xc5: {  	s0 =	sadd.s32 $0x1, s0;
	[sflag:s31] =	ssyncset.done $0x0  }
0xc6: {  	p0 =	sne.s32 s0, s18;
	[sflag:s31] =	ssyncadd.s32 $0xFFFFCE00  }
.Ltmp5:
0xc7: {  	[bflag:$0x0] =	sbarrier.arrive $0xFFFF;
	(pc) =	sbr.rel @p0 .LBB2_1-.Ltmp5, $4  }
0xc8: {  	[hbm:s17], [sflag:s11] =	dma.local [spmem:s19], $0xA00  }
0xc9: {  	_ =	swait.ge [sflag:s20], $0xA00  }
0xca: {  	[sflag:s20] =	ssyncset.done $0x0  }
0xcb: {  	[sflag:s20] =	ssyncadd.s32 $0xFFFFF600  }
0xcc: {  	_ =	sfence.sel $0x180000  }
0xcd: {  	[bflag:$0x0] =	sbarrier.arrive $0xFFFF  }
0xce: {  	_ =	strace $0x9000004A  }
0xcf: {  	s0 =	stileid.u32;
	[bflag:$0x2] =	sbarrier.arrive $0xFFFF  }
0xd0: {  	p0 =	sne.s32 s0, $0x0;
	s0 =	rddreg [dreg:$0x2]  }
0xd1: {  	s0 =	sadd.s32 @!p0 $0x100000, s0  }
0xd2: {  	[sflag:s0] =	ssyncadd.tile.s32 @!p0 $0x1;
	_ =	shalt  }
.Lfunc_end2:
_tile_overlayer_lowered:
.L_overlay_start_2:
0xd3: {  	(tag) =	ssettag $0x2  }
0xd4: {  	s0 =	rddreg [dreg:$0x0];
	s2 =	stileid.u32  }
0xd5: {  	s1 =	rddreg [dreg:$0x1];
	p0 =	sne.s32 s2, $0x0  }
0xd6: {  	s3 =	rddreg [dreg:$0x2];
	[bflag:$0x3] =	sbarrier.arrive $0xFFFF;
	s2 =	simm.s32 @!p0 $0x1C08  }
0xd7: {  	[timem:s3], [sflag:s2] =	dma.local @!p0 [hbm:s0], s1  }
0xd8: {  	s0 =	simm.s32 @!p0 $0x8  }
0xd9: {  	_ =	swait.ge @!p0 [sflag:s0], s1  }
0xda: {  	s1 =	ssub.s32 @!p0 $0x0, s1;
	[sflag:s0] =	ssyncset.done @!p0 $0x0  }
0xdb: {  	[sflag:s0] =	ssyncadd.s32 @!p0 s1  }
0xdc: {  	[bflag:$0x3] =	sbarrier.arrive $0xFFFF  }
0xdd: {  	_ =	shalt  }

// kernel: kernel.7.cloned.1.call-start
scs
__scs_entry_jumppad:
0x0: {  	(pc) =	sbr.rel $0x88, $3  }
0x1: {  	(tag) =	ssettag $0x0;
	lr =	simm.s32 $0x1  }
0x2: {  	[smem:$0x3F91] =	sst lr;
	_ =	strace $0xD0000000  }
0x3: {  	_ = 	snop  }
0x4: {  	_ = 	snop  }
0x5: {  	_ = 	snop  }
0x6: {  	_ = 	snop  }
0x7: {  	_ = 	snop  }
__scs_overlays_trampoline_lowered:
0x8: {  	[smem:$0x3FA0] =	sst s0  }
0x9: {  	[smem:$0x3FA1] =	sst s1  }
0xa: {  	[smem:$0x3FA2] =	sst s2  }
0xb: {  	[smem:$0x3FA3] =	sst s3  }
0xc: {  	[smem:$0x3FA4] =	sst s4  }
0xd: {  	[smem:$0x3FA5] =	sst s5  }
0xe: {  	[smem:$0x3FA6] =	sst s6  }
0xf: {  	[smem:$0x3FA7] =	sst s7  }
0x10: {  	[smem:$0x3FA8] =	sst s8  }
0x11: {  	[smem:$0x3FA9] =	sst s9;
	s0 =	simm.s32 @!p0 $0x0  }
0x12: {  	s1 =	sld [smem:$0x3F8F];
	s0 =	simm.s32 @p0 $0x1  }
0x13: {  	[smem:$0x3FAA] =	sst s0;
	s0 =	simm.s32 @!p1 $0x0  }
0x14: {  	s2 =	sld [smem:$0x3F8E];
	s0 =	simm.s32 @p1 $0x1  }
0x15: {  	[smem:$0x3FAB] =	sst s0;
	s0 =	simm.s32 @!p2 $0x0  }
0x16: {  	s3 =	sld [smem:$0x3FDB];
	s0 =	simm.s32 @p2 $0x1  }
0x17: {  	s4 =	simm.s32 $0x1BF5;
	[smem:$0x3FAD] =	sst s0  }
0x18: {  	s0 =	sld [smem:$0x3F90];
	_ =	swait.ge [sflag:s4], $0x0  }
0x19: {  	s7 =	sld [smem:$0x3F91]  }
0x1a: {  	s8 =	sadd.s32 $0xFFFFE003, lr  }
0x1b: {  	s9 =	sadd.s32 $0xFFFFFEF7, lr;
	s5 =	simm.s32 $0xFFFFFFFF;
	p2 =	slt.u32 s8, $0xFFFFF086  }
0x1c: {  	p1 =	slt.u32 s9, $0xF7A;
	s5 =	simm.s32 @!p2 $0x0  }
0x1d: {  	s5 =	simm.s32 @p1 $0x1;
	p0 =	seq.s32 s7, s2  }
0x1e: {  	s7 =	smul.u32 @!p0 $0xF7A, s2;
	p2 =	seq.s32 @!p0 s5, $0x0  }
0x1f: {  	s9 =	smul.u32 $0xF7A, s1;
	s8 =	simm.s32 @!p0 $0x1BF5;
	p2 =	por !p2, p0  }
0x20: {  	[sflag:s8] =	ssyncset.s32 @!p0 $0xFFFFF086;
	s6 =	sadd.s32 @!p0 s3, s7;
	s7 =	simm.s32 @!p0 $0x108  }
0x21: {  	s3 =	sadd.s32 s3, s9;
	s6 =	sadd.s32 @!p0 $0x88, s6;
	s7 =	simm.s32 @p2 $0x1082  }
0x22: {  	[simem:s7], [sflag:s8] =	dma.local @!p0 [hbm:s6], $0xF7A  }
0x23: {  	s9 =	sor.u32 $0xD0000000, s2;
	s6 =	simm.s32 $0x108;
	_ =	swait.ge @!p0 [sflag:s8], $0x0  }
0x24: {  	s3 =	sadd.s32 $0x88, s3;
	s6 =	simm.s32 @!p1 $0x1082;
	[sflag:s4] =	ssyncset.s32 $0xFFFFF086  }
0x25: {  	[simem:s6], [sflag:s4] =	dma.local [hbm:s3], $0xF7A  }
0x26: {  	[smem:$0x3F91] =	sst s1;
	(tag) =	ssettag s2;
	_ =	strace s9  }
0x27: {  	s1 =	sld [smem:$0x3FA1]  }
0x28: {  	s2 =	sld [smem:$0x3FA2]  }
0x29: {  	s4 =	sld [smem:$0x3FA4]  }
0x2a: {  	p0 =	seq.s32 s5, $0x0;
	s5 =	sld [smem:$0x3FA5]  }
0x2b: {  	s6 =	sld [smem:$0x3FA6]  }
0x2c: {  	s7 =	sld [smem:$0x3FA7]  }
0x2d: {  	s3 =	simm.s32 $0x108;
	s8 =	sld [smem:$0x3FA8]  }
0x2e: {  	s3 =	simm.s32 @!p0 $0x1082;
	s9 =	sld [smem:$0x3FA9]  }
0x2f: {  	lr =	sadd.s32 s0, s3;
	s0 =	sld [smem:$0x3FA0]  }
0x30: {  	s3 =	sld [smem:$0x3FA3]  }
0x31: {  	[smem:$0x3FAC] =	sst s10  }
0x32: {  	s10 =	sld [smem:$0x3FAA];
	_ =	sdelay $0x3  }
0x33: {  	p0 =	seq.s32 s10, $0x1;
	s10 =	sld [smem:$0x3FAC];
	_ =	sdelay $0x3  }
0x34: {  	[smem:$0x3FAC] =	sst s10  }
0x35: {  	s10 =	sld [smem:$0x3FAB];
	_ =	sdelay $0x3  }
0x36: {  	p1 =	seq.s32 s10, $0x1;
	s10 =	sld [smem:$0x3FAC];
	_ =	sdelay $0x3  }
0x37: {  	[smem:$0x3FAC] =	sst s10  }
0x38: {  	s10 =	sld [smem:$0x3FAD]  }
0x39: {  	_ = 	snop;
	(pc) =	sbr.ind lr, $3  }
0x3a: {  	_ = 	snop  }
0x3b: {  	_ = 	snop  }
0x3c: {  	p2 =	seq.s32 s10, $0x1;
	s10 =	sld [smem:$0x3FAC]  }
0x3d: {  	_ =	shalt  }
0x3e: {  	_ =	shalt  }
0x3f: {  	_ =	shalt  }
0x40: {  	_ =	shalt  }
0x41: {  	_ =	shalt  }
0x42: {  	_ =	shalt  }
0x43: {  	_ =	shalt  }
0x44: {  	_ =	shalt  }
0x45: {  	_ =	shalt  }
0x46: {  	_ =	shalt  }
0x47: {  	_ =	shalt  }
0x48: {  	_ =	shalt  }
0x49: {  	_ =	shalt  }
0x4a: {  	_ =	shalt  }
0x4b: {  	_ =	shalt  }
0x4c: {  	_ =	shalt  }
0x4d: {  	_ =	shalt  }
0x4e: {  	_ =	shalt  }
0x4f: {  	_ =	shalt  }
0x50: {  	_ =	shalt  }
0x51: {  	_ =	shalt  }
0x52: {  	_ =	shalt  }
0x53: {  	_ =	shalt  }
0x54: {  	_ =	shalt  }
0x55: {  	_ =	shalt  }
0x56: {  	_ =	shalt  }
0x57: {  	_ =	shalt  }
0x58: {  	_ =	shalt  }
0x59: {  	_ =	shalt  }
0x5a: {  	_ =	shalt  }
0x5b: {  	_ =	shalt  }
0x5c: {  	_ =	shalt  }
0x5d: {  	_ =	shalt  }
0x5e: {  	_ =	shalt  }
0x5f: {  	_ =	shalt  }
0x60: {  	_ =	shalt  }
0x61: {  	_ =	shalt  }
0x62: {  	_ =	shalt  }
0x63: {  	_ =	shalt  }
0x64: {  	_ =	shalt  }
0x65: {  	_ =	shalt  }
0x66: {  	_ =	shalt  }
0x67: {  	_ =	shalt  }
0x68: {  	_ =	shalt  }
0x69: {  	_ =	shalt  }
0x6a: {  	_ =	shalt  }
0x6b: {  	_ =	shalt  }
0x6c: {  	_ =	shalt  }
0x6d: {  	_ =	shalt  }
0x6e: {  	_ =	shalt  }
0x6f: {  	_ =	shalt  }
0x70: {  	_ =	shalt  }
0x71: {  	_ =	shalt  }
0x72: {  	_ =	shalt  }
0x73: {  	_ =	shalt  }
0x74: {  	_ =	shalt  }
0x75: {  	_ =	shalt  }
0x76: {  	_ =	shalt  }
0x77: {  	_ =	shalt  }
0x78: {  	_ =	shalt  }
0x79: {  	_ =	shalt  }
0x7a: {  	_ =	shalt  }
0x7b: {  	_ =	shalt  }
0x7c: {  	_ =	shalt  }
0x7d: {  	_ =	shalt  }
0x7e: {  	_ =	shalt  }
0x7f: {  	_ =	shalt  }
0x80: {  	_ =	shalt  }
0x81: {  	_ =	shalt  }
0x82: {  	_ =	shalt  }
0x83: {  	_ =	shalt  }
0x84: {  	_ =	shalt  }
0x85: {  	_ =	shalt  }
0x86: {  	_ =	shalt  }
0x87: {  	_ =	shalt  }
.Lfunc_end0:
.L_simem_size_0:
called_computation_lowered:
.L_overlay_start_0:
0x88: {  	s2 =	sld [smem:$0x3FD9]  }
0x89: {  	s3 =	sld [smem:$0x3FFE];
	_ =	sdelay $0x1  }
0x8a: {  	s1 =	srdreg.scid  }
0x8b: {  	s0 =	sand.u32 $0x1, s1  }
0x8c: {  	s16 =	sshll.u32 s0, $0xA;
	s2 =	sadd.s32 s3, s2  }
0x8d: {  	s2 =	sadd.s32 s2, s16  }
0x8e: {  	[smem:$0x3FB8] =	sst s2  }
0x8f: {  	_ = 	snop  }
0x90: {  	(tm) =	ssettm $0x1  }
0x91: {  	s17 =	sld [smem:$0x3FFB];
	_ =	sdelay $0x3  }
0x92: {  	_ =	strace s17  }
0x93: {  	s2 =	sld [smem:$0x3FFC];
	_ =	sdelay $0x3  }
0x94: {  	_ =	strace s2  }
0x95: {  	s2 =	sld [smem:$0x3FFD];
	_ =	sdelay $0x3  }
0x96: {  	_ =	strace s2  }
0x97: {  	_ =	strace $0x8FFFFFFF  }
0x98: {  	s18 =	sld [smem:$0x3FDB];
	_ =	sdelay $0x1  }
0x99: {  	s19 =	simm.s32 $_scs_section_size  }
0x9a: {  	s4 =	simm.s32 $_size__tile_overlayer_lowered;
	s5 =	simm.s32 $_tile_overlayer_lowered  }
0x9b: {  	s22 =	simm.s32 $0x1BFF;
	s21 =	sshll.u32 s5, $0x1;
	s2 =	sadd.s32 s19, s18  }
0x9c: {  	s6 =	simm.s32 $0x0;
	s20 =	sshll.u32 s4, $0x1;
	s4 =	sadd.s32 s21, s2  }
0x9d: {  	[timem:s6], [sflag:s22] =	dma.local [hbm:s4], s20  }
0x9e: {  	_ =	swait.ge [sflag:s22], s20  }
0x9f: {  	s3 =	ssub.s32 $0x0, s20;
	[sflag:s22] =	ssyncset.done $0x0  }
0xa0: {  	[sflag:s22] =	ssyncadd.s32 s3;
	_ =	sdelay $0x1  }
0xa1: {  	s23 =	simm.s32 $0x1B8B  }
0xa2: {  	_ =	swait.ge [sflag:s23], $0x1  }
0xa3: {  	[sflag:s23] =	ssyncset.done $0x0  }
0xa4: {  	s25 =	simm.s32 $0x1B8E;
	s24 =	sld [smem:$0x3FFE];
	[sflag:s23] =	ssyncadd.s32 $0xFFFFFFFF  }
0xa5: {  	s26 =	simm.s32 $execute0_lowered;
	[smem:$0x3FD2] =	sst s25  }
0xa6: {  	s4 =	sshll.u32 s26, $0x1;
	_ =	strace $0x80000046;
	[dreg:$0x1] =	wrdreg $0xFFFFFFFF  }
0xa7: {  	s28 =	simm.s32 $_size_execute0_lowered;
	s2 =	sadd.s32 s2, s4;
	[dreg:$0x0] =	wrdreg $0x0  }
0xa8: {  	s4 =	sshll.u32 s28, $0x1;
	[dreg:$0x2] =	wrdreg s2  }
0xa9: {  	[dreg:$0x3] =	wrdreg s4  }
0xaa: {  	[dreg:$0x4] =	wrdreg $0xC0  }
0xab: {  	_ =	task [dreg:s6], $0x5FFFF  }
0xac: {  	[dreg:$0x1] =	wrdreg $0xFFFFFFFF  }
0xad: {  	[dreg:$0x0] =	wrdreg $0x60  }
0xae: {  	[dreg:$0x2] =	wrdreg s24  }
0xaf: {  	[dreg:$0x3] =	wrdreg $0x0  }
0xb0: {  	[dreg:$0x4] =	wrdreg $0x9  }
0xb1: {  	_ =	task.clear_ibuf [dreg:s6], $0x5FFFF;
	_ =	strace $0x90000046  }
0xb2: {  	s29 =	simm.s32 $0x9;
	_ =	strace $0x80000048  }
0xb3: {  	_ =	swait.ge [sflag:s29], $0x1  }
0xb4: {  	[sflag:s29] =	ssyncadd.s32 $0xFFFFFFFF  }
0xb5: {  	_ =	strace $0x90000048  }
0xb6: {  	_ =	sfence  }
0xb7: {  	s30 =	sld [smem:$0x0];
	_ =	sdelay $0x2  }
0xb8: {  	s31 =	sshll.u32 s1, $0xD;
	s1 =	sshrl.u32 s1, $0x2  }
0xb9: {  	s3 =	sand.u32 $0x4000, s31;
	s1 =	sadd.s32 s1, s30  }
0xba: {  	s0 =	sor.u32 s3, s0;
	s1 =	sshll.u32 s1, $0x11  }
0xbb: {  	s0 =	sor.u32 s1, s0  }
0xbc: {  	s0 =	sadd.s32 $0x8F2B, s0  }
0xbd: {  	[sflag:s0] =	ssyncadd.remote.s32 $0x1  }
0xbe: {  	_ =	sfence.sel $0xFFFF  }
0xbf: {  	[dreg:$0x0] =	wrdreg $0xFFFFFFFF;
	(pc) =	sbr.abs _section_cstart, $3  }
0xc0: {  	[dreg:$0x1] =	wrdreg $0xFFFFFFFF  }
0xc1: {  	_ =	task.clear_ibuf [dreg:s6], $0x2FFFF;
	_ =	strace $0x9FFFFFFF  }
0xc2: {  	(tm) =	ssettm $0x7FFFFFFF  }
0xc3: {  	_ =	shalt  }
tec
execute0_lowered:
.L_overlay_start_1:
0x0: {  	(tag) =	ssettag $0x1  }
0x1: {  	s0 =	rddreg [dreg:$0x0]  }
0x2: {  	s1 =	rddreg [dreg:$0x1]  }
0x3: {  	s3 =	simm.s32 $0x0;
	s14 =	stileid.u32;
	s2 =	srdreg.scid  }
0x4: {  	s20 =	simm.s32 $0x8;
	s28 =	simm.s32 $0x190;
	s31 =	simm.s32 $0x6  }
0x5: {  	[smem:$0x7FF] =	sst s3;
	s4 =	sadd.s32 $0x13BA00, s0;
	s9 =	smul.u32 $0x5000, s14  }
0x6: {  	s2 =	sand.u32 $0x1, s2;
	s5 =	sadd.s32 $0x140A00, s0;
	s6 =	sadd.s32 $0x3200, s0  }
0x7: {  	s7 =	sadd.s32 $0x145A00, s0;
	s24 =	sshll.u32 s14, $0x6;
	_ =	strace $0x80000047  }
0x8: {  	s8 =	smul.u32 $0x50000, s2;
	s11 =	sshll.u32 s2, $0x4;
	s2 =	ssub.s32 $0x2, s2  }
0x9: {  	s10 =	sshrl.u32 s9, $0x3;
	s12 =	sor.u32 s14, s11;
	s13 =	sshrl.u32 s2, $0x1  }
0xa: {  	s11 =	sor.u32 $0x1C08, s24;
	s8 =	sadd.s32 s9, s8;
	s10 =	sadd.s32 s10, s0  }
0xb: {  	s2 =	ssub.s32 s2, s13;
	s22 =	sshrl.u32 s8, $0x3;
	s8 =	smul.u32 $0x2710, s12  }
0xc: {  	s9 =	sadd.s32 s9, s1;
	s25 =	smul.u32 $0x4E20, s12;
	s10 =	sadd.s32 $0x159400, s10  }
0xd: {  	s12 =	smul.u32 $0x19, s12;
	s18 =	smax.u32 s2, $0x1;
	s23 =	sshrl.u32 s8, $0x3  }
0xe: {  	[dreg:$0x3] =	wrdreg s10;
	s13 =	sadd.s32 s6, s25;
	s10 =	sadd.s32 s7, s23  }
0xf: {  	s19 =	sshrl.u32 s9, $0x3;
	[dreg:$0x7] =	wrdreg s13;
	s26 =	sadd.s32 $0x9C40, s10  }
0x10: {  	s0 =	sadd.s32 s22, s0;
	s29 =	sadd.s32 $0x32, s10;
	[dreg:$0x4] =	wrdreg s26  }
0x11: {  	s25 =	simm.s32 $0x1;
	s30 =	sadd.s32 $0x9C72, s10;
	[dreg:$0x5] =	wrdreg s29  }
0x12: {  	s17 =	sadd.s32 $0x163400, s0;
	s0 =	simm.s32 $0x0;
	[dreg:$0x6] =	wrdreg s30  }
.LBB2_1:
0x13: {  	s2 =	rddreg [dreg:$0x3]  }
0x14: {  	[spmem:s19], [sflag:s11] =	dma.local [hbm:s2], $0xA00  }
0x15: {  	_ =	swait.ge [sflag:s20], $0xA00  }
0x16: {  	[sflag:s20] =	ssyncset.done $0x0  }
0x17: {  	[sflag:s20] =	ssyncadd.s32 $0xFFFFF600  }
0x18: {  	s9 =	simm.s32 $0x5000;
	[bflag:$0x0] =	sbarrier.arrive $0xFFFF  }
0x19: {  	[tilespmem:s9], [sflag:$0x1] =	stream.linear.gather [hbm4b:s10+s3], $0x190, $0x38;
	[tilespmem:$0x15360] =	vst v63  }
0x1a: {  	s13 =	simm.s32 $0x54B0;
	s16 =	rddreg [dreg:$0x4]  }
0x1b: {  	[tilespmem:s13], [sflag:$0x1] =	stream.linear.gather [hbm4b:s16+s3], $0x190, $0x38;
	[tilespmem:$0x15360] =	vst v63  }
0x1c: {  	s14 =	simm.s32 $0x5190;
	s21 =	rddreg [dreg:$0x5]  }
0x1d: {  	[tilespmem:s14], [sflag:$0x2] =	stream.linear.gather [hbm4b:s21+s3], $0x190, $0x38;
	[tilespmem:$0x15360] =	vst v63  }
0x1e: {  	s23 =	simm.s32 $0x5640;
	s22 =	rddreg [dreg:$0x6]  }
0x1f: {  	[tilespmem:s23], [sflag:$0x2] =	stream.linear.gather [hbm4b:s22+s3], $0x190, $0x38;
	[tilespmem:$0x15360] =	vst v63  }
0x20: {  	_ =	swait.ge [sflag:s25], $0x190  }
0x21: {  	[sflag:s25] =	ssyncset.done $0x0  }
0x22: {  	[sflag:s25] =	ssyncadd.s32 $0xFFFFFE70  }
0x23: {  	_ =	swait.ge [sflag:s25], $0x190  }
0x24: {  	[sflag:s25] =	ssyncset.done $0x0  }
0x25: {  	s26 =	simm.s32 $0xBD60;
	s24 =	rddreg [dreg:$0x7];
	[sflag:s25] =	ssyncadd.s32 $0xFFFFFE70  }
0x26: {  	[tilespmem:s26], [sflag:$0x4] =	stream.linear.gather [hbm4b:s24+s3], $0x1900, $0x38;
	[tilespmem:$0x15360] =	vst v63  }
0x27: {  	s29 =	simm.s32 $0x5960  }
0x28: {  	[tilespmem:s29], [sflag:$0x4] =	stream.indirect.gather [hbm4b:s4+s28], $0x10, s9, s28, $0xb8;
	[tilespmem:$0x15360] =	vst v63  }
0x29: {  	s30 =	simm.s32 $0x8B60;
	s23 =	simm.s32 $0x0  }
0x2a: {  	[tilespmem:s30], [sflag:$0x4] =	stream.indirect.gather [hbm4b:s5+s28], $0x10, s13, s28, $0xb8;
	[tilespmem:$0x15360] =	vst v63  }
.LBB2_2:
0x2b: {  	p0 =	seq.s32 s23, $0x0  }
0x2c: {  	p1 =	sgt.u32 @!p0 s23, $0x16  }
0x2d: {  	s2 =	sand.u32 $0x1, s23;
	p1 =	por p0, !p1  }
.Ltmp0:
0x2e: {  	s9 =	sxor.u32 @!p0 $0x1, s2;
	(pc) =	sbr.rel @!p1 .LBB2_4-.Ltmp0, $4  }
0x2f: {  	s9 =	sor.u32 @!p0 $0x6, s9  }
0x30: {  	_ =	swait.ge @!p0 [sflag:s9], $0x3200  }
0x31: {  	[sflag:s9] =	ssyncset.done @!p0 $0x0  }
0x32: {  	[sflag:s9] =	ssyncadd.s32 @!p0 $0xFFFFCE00  }
0x33: {  	s9 =	sadd.s32 $0x2, s23  }
0x34: {  	s13 =	smul.u32 $0xAB, s9;
	_ =	sdelay $0x1  }
0x35: {  	s13 =	sshrl.u32 s13, $0x9  }
0x36: {  	s13 =	sand.u32 $0x7F, s13  }
0x37: {  	s13 =	smul.u32 $0x3, s13;
	_ =	sdelay $0x1  }
0x38: {  	s13 =	ssub.s32 s9, s13;
	s9 =	sadd.s32 s12, s9  }
0x39: {  	s13 =	sand.u32 $0xFF, s13;
	s9 =	smul.u32 $0x190, s9  }
0x3a: {  	s14 =	smul.u32 $0x190, s13  }
0x3b: {  	s13 =	sadd.s32 $0x1, s13;
	s9 =	sshrl.u32 s9, $0x3  }
.Ltmp1:
0x3c: {  	s15 =	sor.u32 $0x5000, s14;
	s9 =	sadd.s32 s7, s9;
	(pc) =	sbr.rel .LBB2_5-.Ltmp1, $4  }
0x3d: {  	[tilespmem:s15], [sflag:s13] =	stream.linear.gather [hbm4b:s9+s3], $0x190, $0x38;
	[tilespmem:$0x15360] =	vst v63  }
0x3e: {  	s14 =	sadd.s32 $0x54B0, s14;
	s9 =	sadd.s32 $0x9C40, s9  }
0x3f: {  	[tilespmem:s14], [sflag:s13] =	stream.linear.gather [hbm4b:s9+s3], $0x190, $0x38;
	[tilespmem:$0x15360] =	vst v63  }
0x40: {  	s9 =	sadd.s32 $0x1, s23  }
.LBB2_4:
0x41: {  	p0 =	seq.s32 s23, $0x18  }
.Ltmp2:
0x42: {  	_ = 	snop;
	(pc) =	sbr.rel @p0 .LBB2_6-.Ltmp2, $2  }
0x43: {  	_ =	sdelay $0x2  }
0x44: {  	s9 =	simm.s32 $0x18;
	s13 =	simm.s32 $0x19  }
.LBB2_5:
0x45: {  	s13 =	smul.u32 $0xAB, s9;
	_ =	sdelay $0x1  }
0x46: {  	s13 =	sshrl.u32 s13, $0x9  }
0x47: {  	s13 =	sand.u32 $0x7F, s13  }
0x48: {  	s13 =	smul.u32 $0x3, s13;
	_ =	sdelay $0x1  }
0x49: {  	s13 =	ssub.s32 s9, s13  }
0x4a: {  	s13 =	sand.u32 $0xFF, s13  }
0x4b: {  	s15 =	sand.u32 $0x1, s9;
	s21 =	smul.u32 $0x190, s9;
	s14 =	sadd.s32 $0x1, s13  }
0x4c: {  	s22 =	smul.u32 $0x6400, s15;
	_ =	swait.ge [sflag:s14], $0x190  }
0x4d: {  	s24 =	sor.u32 $0x4, s15;
	s21 =	sadd.s32 s8, s21;
	[sflag:s14] =	ssyncset.done $0x0  }
0x4e: {  	s15 =	smul.u32 $0x3200, s15;
	s21 =	sshll.u32 s21, $0x1;
	[sflag:s14] =	ssyncadd.s32 $0xFFFFFE70  }
0x4f: {  	s22 =	sshrl.u32 s22, $0x2;
	s21 =	sand.u32 $0x1FFFFFE0, s21;
	_ =	swait.ge [sflag:s14], $0x190  }
0x50: {  	s26 =	sshrl.u32 s15, $0x1;
	s21 =	sadd.s32 s6, s21;
	[sflag:s14] =	ssyncset.done $0x0  }
0x51: {  	s13 =	smul.u32 $0x190, s13;
	[sflag:s14] =	ssyncadd.s32 $0xFFFFFE70;
	s14 =	sadd.s32 $0xBD60, s22  }
0x52: {  	[tilespmem:s14], [sflag:s24] =	stream.linear.gather [hbm4b:s21+s3], $0x1900, $0x38;
	[tilespmem:$0x15360] =	vst v63  }
0x53: {  	s30 =	sadd.s32 $0x5960, s26;
	s29 =	sor.u32 $0x5000, s13  }
0x54: {  	[tilespmem:s30], [sflag:s24] =	stream.indirect.gather [hbm4b:s4+s28], $0x10, s29, s28, $0xb8;
	[tilespmem:$0x15360] =	vst v63  }
0x55: {  	s13 =	sadd.s32 $0x54B0, s13;
	s14 =	sadd.s32 $0x8B60, s26  }
0x56: {  	[tilespmem:s14], [sflag:s24] =	stream.indirect.gather [hbm4b:s5+s28], $0x10, s13, s28, $0xb8;
	[tilespmem:$0x15360] =	vst v63  }
0x57: {  	s13 =	smov.u32 s9  }
.LBB2_6:
0x58: {  	s9 =	sor.u32 $0x4, s2  }
0x59: {  	_ =	swait.ge [sflag:s9], $0x1900  }
0x5a: {  	[sflag:s9] =	ssyncset.done $0x0  }
0x5b: {  	[sflag:s9] =	ssyncadd.s32 $0xFFFFE700  }
0x5c: {  	_ =	swait.ge [sflag:s9], $0x1900  }
0x5d: {  	[sflag:s9] =	ssyncset.done $0x0  }
0x5e: {  	s14 =	smul.u32 $0x6400, s2;
	[sflag:s9] =	ssyncadd.s32 $0xFFFFE700  }
0x5f: {  	_ =	swait.ge [sflag:s9], $0x1900  }
0x60: {  	s14 =	sshrl.u32 s14, $0x2;
	[sflag:s9] =	ssyncset.done $0x0  }
0x61: {  	s22 =	simm.s32 $0x0;
	s24 =	sadd.s32 $0x8B80, s14;
	[sflag:s9] =	ssyncadd.s32 $0xFFFFE700  }
0x62: {  	s15 =	sand.u32 $0x1F80, s22;
	s26 =	sadd.s32 $0xBD60, s14;
	s29 =	sadd.s32 $0x5980, s14;
	v0 =	vld [tilespmem:s24+$0xFFFFFFE0]  }
0x63: {  	s14 =	sadd.s32 s15, s26;
	s9 =	sand.u32 $0x40, s22;
	v1 =	vld [tilespmem:s29+$0xFFFFFFE0]  }
0x64: {  	s9 =	sadd.s32 s9, s14  }
0x65: {  	v2 =	vld [tilespmem:s9+$0x0];
	_ =	sdelay $0x2  }
0x66: {  	v3 =	vunpack.i.l.bf16.f32 v0;
	v4 =	vunpack.i.l.bf16.f32 v1  }
0x67: {  	v0 =	vunpack.i.u.bf16.f32 v0;
	v1 =	vunpack.i.u.bf16.f32 v1;
	v3 =	vadd.f32 v3, v4  }
0x68: {  	s16 =	smul.u32 $0xC800, s2;
	v60 =	vunpack.i.l.bf16.f32 v2;
	v0 =	vadd.f32 v0, v1  }
0x69: {  	v1 =	vunpack.i.u.bf16.f32 v2;
	v2 =	vadd.f32 v60, v3  }
0x6a: {  	s30 =	sshrl.u32 s16, $0x2;
	v0 =	vadd.f32 v1, v0  }
0x6b: {  	s9 =	sadd.s32 $0xEFA0, s30;
	v1 =	vmax.f32 v2, $0.0e+00  }
0x6c: {  	v0 =	vmax.f32 v0, $0.0e+00;
	[tilespmem:s9+$0xFFFFFFC0] =	vst v1  }
0x6d: {  	[tilespmem:s9+$0xFFFFFFD0] =	vst v0  }
0x6e: {  	s15 =	simm.s32 $0x10;
	v0 =	vld [tilespmem:s24+$0xFFFFFFF0]  }
0x6f: {  	s15 =	sand.u32 $0x50, s15;
	v1 =	vld [tilespmem:s29+$0xFFFFFFF0]  }
0x70: {  	s15 =	sadd.s32 s15, s14  }
0x71: {  	v2 =	vld [tilespmem:s15+$0x0];
	_ =	sdelay $0x2  }
0x72: {  	v3 =	vunpack.i.l.bf16.f32 v1;
	v61 =	vunpack.i.l.bf16.f32 v0  }
0x73: {  	v0 =	vunpack.i.u.bf16.f32 v0;
	v1 =	vunpack.i.u.bf16.f32 v1;
	v3 =	vadd.f32 v61, v3  }
0x74: {  	v0 =	vadd.f32 v0, v1;
	v1 =	vunpack.i.l.bf16.f32 v2  }
0x75: {  	v2 =	vunpack.i.u.bf16.f32 v2;
	v1 =	vadd.f32 v1, v3  }
0x76: {  	v0 =	vadd.f32 v2, v0  }
0x77: {  	v1 =	vmax.f32 v1, $0.0e+00  }
0x78: {  	v0 =	vmax.f32 v0, $0.0e+00;
	[tilespmem:s9+$0xFFFFFFE0] =	vst v1  }
0x79: {  	[tilespmem:s9+$0xFFFFFFF0] =	vst v0  }
0x7a: {  	s21 =	simm.s32 $0x20;
	v0 =	vld [tilespmem:s29+$0x0]  }
0x7b: {  	s15 =	sand.u32 $0x60, s21;
	v1 =	vld [tilespmem:s24+$0x0]  }
0x7c: {  	s15 =	sadd.s32 s15, s14  }
0x7d: {  	v2 =	vld [tilespmem:s15+$0x0];
	_ =	sdelay $0x2  }
0x7e: {  	v3 =	vunpack.i.u.bf16.f32 v0;
	v62 =	vunpack.i.u.bf16.f32 v1  }
0x7f: {  	v0 =	vunpack.i.l.bf16.f32 v0;
	v1 =	vunpack.i.l.bf16.f32 v1;
	v3 =	vadd.f32 v62, v3  }
0x80: {  	v63 =	vunpack.i.u.bf16.f32 v2;
	v0 =	vadd.f32 v1, v0  }
0x81: {  	s22 =	smul.u32 $0xAB, s23;
	v1 =	vunpack.i.l.bf16.f32 v2;
	v2 =	vadd.f32 v63, v3  }
0x82: {  	v0 =	vadd.f32 v1, v0  }
0x83: {  	s15 =	sshrl.u32 s22, $0x9;
	v1 =	vmax.f32 v2, $0.0e+00  }
0x84: {  	s15 =	sand.u32 $0x7F, s15;
	v0 =	vmax.f32 v0, $0.0e+00;
	[tilespmem:s9+$0x10] =	vst v1  }
0x85: {  	s21 =	simm.s32 $0x30;
	s15 =	smul.u32 $0x3, s15;
	[tilespmem:s9+$0x0] =	vst v0  }
0x86: {  	s21 =	sand.u32 $0x70, s21;
	v0 =	vld [tilespmem:s29+$0x10]  }
0x87: {  	s22 =	sadd.s32 s21, s14;
	s15 =	ssub.s32 s23, s15;
	v2 =	vld [tilespmem:s24+$0x10]  }
0x88: {  	s21 =	simm.s32 $0x40;
	s23 =	smov.u32 s9;
	s14 =	sand.u32 $0xFF, s15;
	v1 =	vld [tilespmem:s22+$0x0]  }
.LBB2_7:
0x89: {  	_ =	sdelay $0x1  }
0x8a: {  	s24 =	sadd.s32 $0x40, s24;
	s29 =	sadd.s32 $0x40, s29;
	s9 =	sadd.s32 $0x80, s9  }
0x8b: {  	p0 =	sne.s32 s21, $0x18C0;
	s15 =	smov.u32 s21;
	s21 =	sadd.s32 $0x40, s21;
	v3 =	vunpack.i.l.bf16.f32 v0;
	v4 =	vunpack.i.l.bf16.f32 v2  }
0x8c: {  	v0 =	vunpack.i.u.bf16.f32 v0;
	v2 =	vunpack.i.u.bf16.f32 v2;
	v3 =	vadd.f32 v4, v3  }
0x8d: {  	v4 =	vunpack.i.l.bf16.f32 v1;
	v0 =	vadd.f32 v2, v0  }
0x8e: {  	v1 =	vunpack.i.u.bf16.f32 v1;
	v2 =	vadd.f32 v4, v3  }
0x8f: {  	v0 =	vadd.f32 v1, v0  }
0x90: {  	v1 =	vmax.f32 v2, $0.0e+00  }
0x91: {  	v0 =	vmax.f32 v0, $0.0e+00;
	[tilespmem:s23+$0x20] =	vst v1  }
0x92: {  	s22 =	sand.u32 $0x1F80, s15;
	[tilespmem:s23+$0x30] =	vst v0;
	s23 =	smov.u32 s9  }
0x93: {  	s16 =	sand.u32 $0x40, s15;
	s22 =	sadd.s32 s22, s26;
	v0 =	vld [tilespmem:s24+$0xFFFFFFE0]  }
0x94: {  	s16 =	sadd.s32 s16, s22;
	v1 =	vld [tilespmem:s29+$0xFFFFFFE0]  }
0x95: {  	v2 =	vld [tilespmem:s16+$0x0];
	_ =	sdelay $0x2  }
0x96: {  	v3 =	vunpack.i.u.bf16.f32 v0;
	v0 =	vunpack.i.l.bf16.f32 v0  }
0x97: {  	v4 =	vunpack.i.u.bf16.f32 v1;
	v1 =	vunpack.i.l.bf16.f32 v1  }
0x98: {  	v5 =	vunpack.i.u.bf16.f32 v2;
	v2 =	vunpack.i.l.bf16.f32 v2;
	v0 =	vadd.f32 v0, v1  }
0x99: {  	v1 =	vadd.f32 v3, v4  }
0x9a: {  	v0 =	vadd.f32 v2, v0  }
0x9b: {  	v1 =	vadd.f32 v5, v1  }
0x9c: {  	v0 =	vmax.f32 v0, $0.0e+00  }
0x9d: {  	[tilespmem:s9+$0xFFFFFFC0] =	vst v0;
	v0 =	vmax.f32 v1, $0.0e+00  }
0x9e: {  	[tilespmem:s9+$0xFFFFFFD0] =	vst v0  }
0x9f: {  	s16 =	sadd.s32 $0x10, s15;
	v0 =	vld [tilespmem:s24+$0xFFFFFFF0]  }
0xa0: {  	s16 =	sand.u32 $0x50, s16;
	v1 =	vld [tilespmem:s29+$0xFFFFFFF0]  }
0xa1: {  	s16 =	sadd.s32 s16, s22  }
0xa2: {  	v2 =	vld [tilespmem:s16+$0x0];
	_ =	sdelay $0x1  }
0xa3: {  	v3 =	vunpack.i.u.bf16.f32 v0  }
0xa4: {  	v0 =	vunpack.i.l.bf16.f32 v0;
	v4 =	vunpack.i.u.bf16.f32 v1;
	v1 =	vunpack.i.l.bf16.f32 v1  }
0xa5: {  	v0 =	vadd.f32 v0, v1;
	v1 =	vadd.f32 v3, v4  }
0xa6: {  	v3 =	vunpack.i.u.bf16.f32 v2;
	v2 =	vunpack.i.l.bf16.f32 v2  }
0xa7: {  	v0 =	vadd.f32 v2, v0;
	v1 =	vadd.f32 v3, v1;
	_ =	sdelay $0x1  }
0xa8: {  	v0 =	vmax.f32 v0, $0.0e+00;
	v1 =	vmax.f32 v1, $0.0e+00  }
0xa9: {  	[tilespmem:s9+$0xFFFFFFE0] =	vst v0  }
0xaa: {  	[tilespmem:s9+$0xFFFFFFF0] =	vst v1  }
0xab: {  	s16 =	sadd.s32 $0x20, s15;
	v0 =	vld [tilespmem:s29+$0x0]  }
0xac: {  	s16 =	sand.u32 $0x60, s16;
	v1 =	vld [tilespmem:s24+$0x0]  }
0xad: {  	s16 =	sadd.s32 s16, s22  }
0xae: {  	v2 =	vld [tilespmem:s16+$0x0];
	_ =	sdelay $0x2  }
0xaf: {  	v3 =	vunpack.i.u.bf16.f32 v0;
	v0 =	vunpack.i.l.bf16.f32 v0;
	v4 =	vunpack.i.u.bf16.f32 v1  }
0xb0: {  	v1 =	vunpack.i.l.bf16.f32 v1;
	v3 =	vadd.f32 v4, v3  }
0xb1: {  	v0 =	vadd.f32 v1, v0;
	v4 =	vunpack.i.u.bf16.f32 v2  }
0xb2: {  	v1 =	vunpack.i.l.bf16.f32 v2;
	v2 =	vadd.f32 v4, v3  }
0xb3: {  	v0 =	vadd.f32 v1, v0  }
0xb4: {  	v1 =	vmax.f32 v2, $0.0e+00  }
.Ltmp3:
0xb5: {  	v0 =	vmax.f32 v0, $0.0e+00;
	[tilespmem:s9+$0x10] =	vst v1;
	(pc) =	sbr.rel @p0 .LBB2_7-.Ltmp3, $4  }
0xb6: {  	s15 =	sadd.s32 $0x30, s15;
	[tilespmem:s9+$0x0] =	vst v0  }
0xb7: {  	s15 =	sand.u32 $0x70, s15;
	v0 =	vld [tilespmem:s29+$0x10]  }
0xb8: {  	s15 =	sadd.s32 s15, s22;
	v2 =	vld [tilespmem:s24+$0x10]  }
0xb9: {  	v1 =	vld [tilespmem:s15+$0x0]  }
0xba: {  	_ =	sdelay $0x2  }
0xbb: {  	v3 =	vunpack.i.l.bf16.f32 v0;
	v4 =	vunpack.i.l.bf16.f32 v2  }
0xbc: {  	v58 =	vunpack.i.u.bf16.f32 v0;
	v59 =	vunpack.i.u.bf16.f32 v2;
	v3 =	vadd.f32 v4, v3  }
0xbd: {  	v60 =	vunpack.i.l.bf16.f32 v1;
	v0 =	vadd.f32 v59, v58  }
0xbe: {  	s9 =	smul.u32 $0x640, s14;
	p0 =	slt.u32 s13, $0x19;
	v61 =	vunpack.i.u.bf16.f32 v1;
	v62 =	vadd.f32 v60, v3  }
.Ltmp4:
0xbf: {  	v0 =	vadd.f32 v61, v0;
	(pc) =	sbr.rel @p0 .LBB2_2-.Ltmp4, $4  }
0xc0: {  	v63 =	vmax.f32 v62, $0.0e+00  }
0xc1: {  	s30 =	sadd.s32 $0xEF60, s30;
	s9 =	sshrl.u32 s9, $0x2;
	v0 =	vmax.f32 v0, $0.0e+00;
	[tilespmem:s23+$0x20] =	vst v63  }
0xc2: {  	s2 =	sor.u32 $0x6, s2;
	s9 =	sadd.s32 $0x5000, s9;
	[tilespmem:s23+$0x30] =	vst v0;
	s23 =	smov.u32 s13  }
0xc3: {  	[spmem:s1] =	stream.indirect.scatter.add.f32 [tilespmem:s30], [sflag:s2], $0x20, s9, s28, $0xb8;
	[tilespmem:$0x15360] =	vst v63  }
0xc4: {  	_ =	swait.ge [sflag:s31], $0x3200  }
0xc5: {  	s0 =	sadd.s32 $0x1, s0;
	[sflag:s31] =	ssyncset.done $0x0  }
0xc6: {  	p0 =	sne.s32 s0, s18;
	[sflag:s31] =	ssyncadd.s32 $0xFFFFCE00  }
.Ltmp5:
0xc7: {  	[bflag:$0x0] =	sbarrier.arrive $0xFFFF;
	(pc) =	sbr.rel @p0 .LBB2_1-.Ltmp5, $4  }
0xc8: {  	[hbm:s17], [sflag:s11] =	dma.local [spmem:s19], $0xA00  }
0xc9: {  	_ =	swait.ge [sflag:s20], $0xA00  }
0xca: {  	[sflag:s20] =	ssyncset.done $0x0  }
0xcb: {  	[sflag:s20] =	ssyncadd.s32 $0xFFFFF600  }
0xcc: {  	_ =	sfence.sel $0x180000  }
0xcd: {  	[bflag:$0x0] =	sbarrier.arrive $0xFFFF  }
0xce: {  	_ =	strace $0x90000047  }
0xcf: {  	s0 =	stileid.u32;
	[bflag:$0x2] =	sbarrier.arrive $0xFFFF  }
0xd0: {  	p0 =	sne.s32 s0, $0x0;
	s0 =	rddreg [dreg:$0x2]  }
0xd1: {  	s0 =	sadd.s32 @!p0 $0x100000, s0  }
0xd2: {  	[sflag:s0] =	ssyncadd.tile.s32 @!p0 $0x1;
	_ =	shalt  }
.Lfunc_end2:
_tile_overlayer_lowered:
.L_overlay_start_2:
0xd3: {  	(tag) =	ssettag $0x2  }
0xd4: {  	s0 =	rddreg [dreg:$0x0];
	s2 =	stileid.u32  }
0xd5: {  	s1 =	rddreg [dreg:$0x1];
	p0 =	sne.s32 s2, $0x0  }
0xd6: {  	s3 =	rddreg [dreg:$0x2];
	[bflag:$0x3] =	sbarrier.arrive $0xFFFF;
	s2 =	simm.s32 @!p0 $0x1C08  }
0xd7: {  	[timem:s3], [sflag:s2] =	dma.local @!p0 [hbm:s0], s1  }
0xd8: {  	s0 =	simm.s32 @!p0 $0x8  }
0xd9: {  	_ =	swait.ge @!p0 [sflag:s0], s1  }
0xda: {  	s1 =	ssub.s32 @!p0 $0x0, s1;
	[sflag:s0] =	ssyncset.done @!p0 $0x0  }
0xdb: {  	[sflag:s0] =	ssyncadd.s32 @!p0 s1  }
0xdc: {  	[bflag:$0x3] =	sbarrier.arrive $0xFFFF  }
0xdd: {  	_ =	shalt  }

</sc_bundles>
